<compile_context>
chip_gen: v7x
topology: tpu7x:2x2x1
jax: 0.10.2.dev20260603
libtpu: 0.0.44.dev20260713+nightly
codegen_flags: <defaults>
</compile_context>

<pallas_src>
import functools

import jax
import jax.numpy as jnp
from jax import lax
from jax.experimental import pallas as pl
from jax.experimental.pallas import tpu as pltpu
from jax.experimental.pallas import tpu_sc as plsc

_BATCH = 16384
_HIST = 200
_D = 16
_NW = 32
_B_PER_W = _BATCH // _NW
_NB = 4
_NITER = _B_PER_W // _NB
_SPLITS = ((0, 128), (128, 72))

_mesh = plsc.VectorSubcoreMesh(core_axis_name="c", subcore_axis_name="s")


@functools.partial(
    pl.kernel,
    mesh=_mesh,
    out_type=jax.ShapeDtypeStruct((_BATCH, _HIST, _D), jnp.float32),
    scratch_types=[
        pltpu.VMEM((2, _NB, _HIST), jnp.int32),
        pltpu.VMEM((2, _NB, _HIST, _D), jnp.float32),
        pltpu.SemaphoreType.DMA,
        pltpu.SemaphoreType.DMA,
        pltpu.SemaphoreType.DMA,
    ],
    compiler_params=pltpu.CompilerParams(use_tc_tiling_on_sc=False),
)
def _gather1(x_hbm, mu_hbm, out_mu,
             idx_v, mu_rows, sem_idx, sem_g, sem_w):
    cid = lax.axis_index("c")
    sid = lax.axis_index("s")
    wid = sid * 2 + cid
    b0 = wid * _B_PER_W

    def fire_gathers(slot):
        for i in range(_NB):
            for off, ln in _SPLITS:
                pltpu.async_copy(mu_hbm.at[idx_v.at[slot, i, pl.ds(off, ln)]],
                                 mu_rows.at[slot, i, pl.ds(off, ln)], sem_g)

    def drain_gathers(slot):
        for i in range(_NB):
            for off, ln in _SPLITS:
                pltpu.make_async_copy(
                    mu_hbm.at[idx_v.at[slot, i, pl.ds(off, ln)]],
                    mu_rows.at[slot, i, pl.ds(off, ln)], sem_g).wait()

    pltpu.sync_copy(x_hbm.at[pl.ds(b0, _NB)], idx_v.at[0])
    fire_gathers(0)

    def body(j, carry):
        s = j % 2
        ns = 1 - s
        b = b0 + j * _NB
        has_next = j + 1 < _NITER

        @pl.when(has_next)
        def _():
            pltpu.async_copy(x_hbm.at[pl.ds(b + _NB, _NB)],
                             idx_v.at[ns], sem_idx)

        drain_gathers(s)
        pltpu.async_copy(mu_rows.at[s], out_mu.at[pl.ds(b, _NB)], sem_w)

        @pl.when(has_next & (j > 0))
        def _():
            pltpu.make_async_copy(mu_rows.at[ns],
                                  out_mu.at[pl.ds(b - _NB, _NB)],
                                  sem_w).wait()

        @pl.when(has_next)
        def _():
            pltpu.make_async_copy(x_hbm.at[pl.ds(b + _NB, _NB)],
                                  idx_v.at[ns], sem_idx).wait()
            fire_gathers(ns)

        return carry

    lax.fori_loop(0, _NITER, body, 0)

    for jj in (_NITER - 2, _NITER - 1):
        s = jj % 2
        b = b0 + jj * _NB
        pltpu.make_async_copy(mu_rows.at[s],
                              out_mu.at[pl.ds(b, _NB)], sem_w).wait()


def kernel(x, embed_mu, embed_logvar):
    x32 = x.astype(jnp.int32)
    mu = _gather1(x32, embed_mu)
    logvar = _gather1(x32, embed_logvar)
    return (mu, mu, logvar)

# --- scband reference (transcript-rebuilt; emitter-appended) ---
"""Pipeline reference for scband-mini-vae-7696581394693 (READ-ONLY COPY).

The authoritative reference and input builder live on the scoring server;
editing this copy changes nothing except your own understanding.
"""

import jax, jax.numpy as jnp
import numpy as np

NUM_CLUSTERS = 1000000
Z_N = 16
BATCH = 16384
HIST = 200

def setup_inputs(seed: int = 0) -> dict:
    key = jax.random.key(seed)
    k1, k2, k3 = jax.random.split(key, 3)
    x = jax.random.randint(k1, (BATCH, HIST), 0, NUM_CLUSTERS, dtype=jnp.int64 if jax.config.jax_enable_x64 else jnp.int32)
    embed_mu = jax.random.normal(k2, (NUM_CLUSTERS, Z_N), dtype=jnp.float32)
    embed_logvar = jax.random.normal(k3, (NUM_CLUSTERS, Z_N), dtype=jnp.float32)
    return {"x": x, "embed_mu": embed_mu, "embed_logvar": embed_logvar}

def reference(x, embed_mu, embed_logvar):
    # encode: embedding lookups (gather)
    mu = jnp.take(embed_mu, x, axis=0)
    logvar = jnp.take(embed_logvar, x, axis=0)
    # eval mode: z = mu (no stochastic sampling for deterministic reference)
    z = mu
    return (z, mu, logvar)

if __name__ == "__main__":
    import jax
    _d = setup_inputs()
    print(jax.jit(kernel)(*tuple(_d.values())))

</pallas_src>

<mosaic_0001>
#map = affine_map<(d0, d1) -> (0, 0)>
#map1 = affine_map<(d0, d1) -> (0, 0, 0)>
module attributes {stable_mosaic.version = 14 : i64} {
  func.func @_gather1(%arg0: i32, %arg1: i32, %arg2: memref<16384x200xi32, #tpu.memory_space<hbm>>, %arg3: memref<1000000x16xf32, #tpu.memory_space<hbm>>, %arg4: memref<16384x200x16xf32, #tpu.memory_space<hbm>>, %arg5: memref<2x4x200xi32, #tpu.memory_space<vmem>>, %arg6: memref<2x4x200x16xf32, #tpu.memory_space<vmem>>, %arg7: memref<!tpu.dma_semaphore, #tpu.memory_space<semaphore_mem>>, %arg8: memref<!tpu.dma_semaphore, #tpu.memory_space<semaphore_mem>>, %arg9: memref<!tpu.dma_semaphore, #tpu.memory_space<semaphore_mem>>) attributes {dimension_semantics = [#tpu.dimension_semantics<core_parallel>, #tpu.dimension_semantics<subcore_parallel>], iteration_bounds = array<i64: 2, 16>, scalar_prefetch = 0 : i64, scratch_operands = 5 : i64, tpu.core_type = #tpu.core_type<sc_vector_subcore>, window_params = [{transform_indices = #map}, {transform_indices = #map}, {transform_indices = #map1}]} {
    %mul3A = arith.constant 2 : i32
    %mul3A_0 = arith.muli %arg1, %mul3A : i32
    %add3A = arith.addi %mul3A_0, %arg0 : i32
    %mul3A_1 = arith.constant 512 : i32
    %mul3A_2 = arith.muli %add3A, %mul3A_1 : i32
    %run_scoped3A = arith.constant 0 : i32
    "tpu.region"() ({
      %run_scoped3A_156 = tpu.sem_alloc : memref<!tpu.dma_semaphore, #tpu.memory_space<semaphore_mem>>
      %dma_start3A_157 = arith.constant 0 : i32
      %dma_start3A_158 = arith.constant 0 : i32
      %dma_start3A_159 = tpu.memref_slice %arg5[%run_scoped3A, %dma_start3A_157, %dma_start3A_158] : memref<2x4x200xi32, #tpu.memory_space<vmem>> -> memref<1x4x200xi32, #tpu.memory_space<vmem>>
      %dma_start3A_160 = tpu.memref_squeeze %dma_start3A_159 : memref<1x4x200xi32, #tpu.memory_space<vmem>> -> memref<4x200xi32, #tpu.memory_space<vmem>>
      %dma_start3A_161 = arith.constant 0 : i32
      %dma_start3A_162 = tpu.memref_slice %arg2[%mul3A_2, %dma_start3A_161] : memref<16384x200xi32, #tpu.memory_space<hbm>> -> memref<4x200xi32, #tpu.memory_space<hbm>>
      %dma_start3A_163 = arith.constant 0 : i32
      %dma_start3A_164 = arith.constant 0 : i32
      %dma_start3A_165 = tpu.memref_slice %arg5[%run_scoped3A, %dma_start3A_163, %dma_start3A_164] : memref<2x4x200xi32, #tpu.memory_space<vmem>> -> memref<1x4x200xi32, #tpu.memory_space<vmem>>
      %dma_start3A_166 = tpu.memref_squeeze %dma_start3A_165 : memref<1x4x200xi32, #tpu.memory_space<vmem>> -> memref<4x200xi32, #tpu.memory_space<vmem>>
      %dma_start3A_167 = arith.constant 0 : i32
      %dma_start3A_168 = tpu.memref_slice %arg2[%mul3A_2, %dma_start3A_167] : memref<16384x200xi32, #tpu.memory_space<hbm>> -> memref<4x200xi32, #tpu.memory_space<hbm>>
      tpu.enqueue_dma source(%dma_start3A_168 : memref<4x200xi32, #tpu.memory_space<hbm>>) target(%dma_start3A_166 : memref<4x200xi32, #tpu.memory_space<vmem>>) target_semaphore(%run_scoped3A_156 : memref<!tpu.dma_semaphore, #tpu.memory_space<semaphore_mem>>)
      %dma_wait3A_169 = arith.constant 0 : i32
      %dma_wait3A_170 = arith.constant 0 : i32
      %dma_wait3A_171 = tpu.memref_slice %arg5[%run_scoped3A, %dma_wait3A_169, %dma_wait3A_170] : memref<2x4x200xi32, #tpu.memory_space<vmem>> -> memref<1x4x200xi32, #tpu.memory_space<vmem>>
      %dma_wait3A_172 = tpu.memref_squeeze %dma_wait3A_171 : memref<1x4x200xi32, #tpu.memory_space<vmem>> -> memref<4x200xi32, #tpu.memory_space<vmem>>
      %dma_wait3A_173 = arith.constant 0 : i32
      %dma_wait3A_174 = tpu.memref_slice %arg2[%mul3A_2, %dma_wait3A_173] : memref<16384x200xi32, #tpu.memory_space<hbm>> -> memref<4x200xi32, #tpu.memory_space<hbm>>
      %dma_wait3A_175 = arith.constant 0 : i32
      %dma_wait3A_176 = arith.constant 0 : i32
      %dma_wait3A_177 = tpu.memref_slice %arg5[%run_scoped3A, %dma_wait3A_175, %dma_wait3A_176] : memref<2x4x200xi32, #tpu.memory_space<vmem>> -> memref<1x4x200xi32, #tpu.memory_space<vmem>>
      %dma_wait3A_178 = tpu.memref_squeeze %dma_wait3A_177 : memref<1x4x200xi32, #tpu.memory_space<vmem>> -> memref<4x200xi32, #tpu.memory_space<vmem>>
      %dma_wait3A_179 = arith.constant 0 : i32
      %dma_wait3A_180 = tpu.memref_slice %arg2[%mul3A_2, %dma_wait3A_179] : memref<16384x200xi32, #tpu.memory_space<hbm>> -> memref<4x200xi32, #tpu.memory_space<hbm>>
      tpu.wait_dma2 semaphore(%run_scoped3A_156 : memref<!tpu.dma_semaphore, #tpu.memory_space<semaphore_mem>>) src(%dma_wait3A_180 : memref<4x200xi32, #tpu.memory_space<hbm>>) dst(%dma_wait3A_178 : memref<4x200xi32, #tpu.memory_space<vmem>>)
      tpu.yield
    }) : () -> ()
    %dma_start3A = arith.constant 0 : i32
    %dma_start3A_3 = arith.constant 0 : i32
    %dma_start3A_4 = arith.constant 0 : i32
    %dma_start3A_5 = arith.constant 0 : i32
    %dma_start3A_6 = arith.constant 0 : i32
    %dma_start3A_7 = arith.constant 0 : i32
    %dma_start3A_8 = tpu.memref_slice %arg6[%dma_start3A_4, %dma_start3A_5, %dma_start3A_6, %dma_start3A_7] : memref<2x4x200x16xf32, #tpu.memory_space<vmem>> -> memref<1x1x128x16xf32, #tpu.memory_space<vmem>>
    %dma_start3A_9 = tpu.memref_squeeze %dma_start3A_8 : memref<1x1x128x16xf32, #tpu.memory_space<vmem>> -> memref<128x16xf32, #tpu.memory_space<vmem>>
    %dma_start3A_10 = arith.constant 0 : i32
    %dma_start3A_11 = tpu.memref_slice %arg5[%dma_start3A, %dma_start3A_3, %dma_start3A_10] : memref<2x4x200xi32, #tpu.memory_space<vmem>> -> memref<1x1x128xi32, #tpu.memory_space<vmem>>
    %dma_start3A_12 = tpu.memref_squeeze %dma_start3A_11 : memref<1x1x128xi32, #tpu.memory_space<vmem>> -> memref<128xi32, #tpu.memory_space<vmem>>
    %dma_start3A_13 = arith.constant 0 : i32
    %dma_start3A_14 = arith.constant 0 : i32
    %dma_start3A_15 = tpu.memref_slice %arg3[%dma_start3A_13, %dma_start3A_14] : memref<1000000x16xf32, #tpu.memory_space<hbm>> -> memref<1000000x16xf32, #tpu.memory_space<hbm>>
    tpu.enqueue_indirect_dma source(%dma_start3A_15 : memref<1000000x16xf32, #tpu.memory_space<hbm>>) target(%dma_start3A_9 : memref<128x16xf32, #tpu.memory_space<vmem>>) offsets(%dma_start3A_12 : memref<128xi32, #tpu.memory_space<vmem>>) semaphore(%arg8 : memref<!tpu.dma_semaphore, #tpu.memory_space<semaphore_mem>>)
    %dma_start3A_16 = arith.constant 0 : i32
    %dma_start3A_17 = arith.constant 0 : i32
    %dma_start3A_18 = arith.constant 0 : i32
    %dma_start3A_19 = arith.constant 0 : i32
    %dma_start3A_20 = arith.constant 128 : i32
    %dma_start3A_21 = arith.constant 0 : i32
    %dma_start3A_22 = tpu.memref_slice %arg6[%dma_start3A_18, %dma_start3A_19, %dma_start3A_20, %dma_start3A_21] : memref<2x4x200x16xf32, #tpu.memory_space<vmem>> -> memref<1x1x72x16xf32, #tpu.memory_space<vmem>>
    %dma_start3A_23 = tpu.memref_squeeze %dma_start3A_22 : memref<1x1x72x16xf32, #tpu.memory_space<vmem>> -> memref<72x16xf32, #tpu.memory_space<vmem>>
    %dma_start3A_24 = arith.constant 128 : i32
    %dma_start3A_25 = tpu.memref_slice %arg5[%dma_start3A_16, %dma_start3A_17, %dma_start3A_24] : memref<2x4x200xi32, #tpu.memory_space<vmem>> -> memref<1x1x72xi32, #tpu.memory_space<vmem>>
    %dma_start3A_26 = tpu.memref_squeeze %dma_start3A_25 : memref<1x1x72xi32, #tpu.memory_space<vmem>> -> memref<72xi32, #tpu.memory_space<vmem>>
    %dma_start3A_27 = arith.constant 0 : i32
    %dma_start3A_28 = arith.constant 0 : i32
    %dma_start3A_29 = tpu.memref_slice %arg3[%dma_start3A_27, %dma_start3A_28] : memref<1000000x16xf32, #tpu.memory_space<hbm>> -> memref<1000000x16xf32, #tpu.memory_space<hbm>>
    tpu.enqueue_indirect_dma source(%dma_start3A_29 : memref<1000000x16xf32, #tpu.memory_space<hbm>>) target(%dma_start3A_23 : memref<72x16xf32, #tpu.memory_space<vmem>>) offsets(%dma_start3A_26 : memref<72xi32, #tpu.memory_space<vmem>>) semaphore(%arg8 : memref<!tpu.dma_semaphore, #tpu.memory_space<semaphore_mem>>)
    %dma_start3A_30 = arith.constant 0 : i32
    %dma_start3A_31 = arith.constant 1 : i32
    %dma_start3A_32 = arith.constant 0 : i32
    %dma_start3A_33 = arith.constant 1 : i32
    %dma_start3A_34 = arith.constant 0 : i32
    %dma_start3A_35 = arith.constant 0 : i32
    %dma_start3A_36 = tpu.memref_slice %arg6[%dma_start3A_32, %dma_start3A_33, %dma_start3A_34, %dma_start3A_35] : memref<2x4x200x16xf32, #tpu.memory_space<vmem>> -> memref<1x1x128x16xf32, #tpu.memory_space<vmem>>
    %dma_start3A_37 = tpu.memref_squeeze %dma_start3A_36 : memref<1x1x128x16xf32, #tpu.memory_space<vmem>> -> memref<128x16xf32, #tpu.memory_space<vmem>>
    %dma_start3A_38 = arith.constant 0 : i32
    %dma_start3A_39 = tpu.memref_slice %arg5[%dma_start3A_30, %dma_start3A_31, %dma_start3A_38] : memref<2x4x200xi32, #tpu.memory_space<vmem>> -> memref<1x1x128xi32, #tpu.memory_space<vmem>>
    %dma_start3A_40 = tpu.memref_squeeze %dma_start3A_39 : memref<1x1x128xi32, #tpu.memory_space<vmem>> -> memref<128xi32, #tpu.memory_space<vmem>>
    %dma_start3A_41 = arith.constant 0 : i32
    %dma_start3A_42 = arith.constant 0 : i32
    %dma_start3A_43 = tpu.memref_slice %arg3[%dma_start3A_41, %dma_start3A_42] : memref<1000000x16xf32, #tpu.memory_space<hbm>> -> memref<1000000x16xf32, #tpu.memory_space<hbm>>
    tpu.enqueue_indirect_dma source(%dma_start3A_43 : memref<1000000x16xf32, #tpu.memory_space<hbm>>) target(%dma_start3A_37 : memref<128x16xf32, #tpu.memory_space<vmem>>) offsets(%dma_start3A_40 : memref<128xi32, #tpu.memory_space<vmem>>) semaphore(%arg8 : memref<!tpu.dma_semaphore, #tpu.memory_space<semaphore_mem>>)
    %dma_start3A_44 = arith.constant 0 : i32
    %dma_start3A_45 = arith.constant 1 : i32
    %dma_start3A_46 = arith.constant 0 : i32
    %dma_start3A_47 = arith.constant 1 : i32
    %dma_start3A_48 = arith.constant 128 : i32
    %dma_start3A_49 = arith.constant 0 : i32
    %dma_start3A_50 = tpu.memref_slice %arg6[%dma_start3A_46, %dma_start3A_47, %dma_start3A_48, %dma_start3A_49] : memref<2x4x200x16xf32, #tpu.memory_space<vmem>> -> memref<1x1x72x16xf32, #tpu.memory_space<vmem>>
    %dma_start3A_51 = tpu.memref_squeeze %dma_start3A_50 : memref<1x1x72x16xf32, #tpu.memory_space<vmem>> -> memref<72x16xf32, #tpu.memory_space<vmem>>
    %dma_start3A_52 = arith.constant 128 : i32
    %dma_start3A_53 = tpu.memref_slice %arg5[%dma_start3A_44, %dma_start3A_45, %dma_start3A_52] : memref<2x4x200xi32, #tpu.memory_space<vmem>> -> memref<1x1x72xi32, #tpu.memory_space<vmem>>
    %dma_start3A_54 = tpu.memref_squeeze %dma_start3A_53 : memref<1x1x72xi32, #tpu.memory_space<vmem>> -> memref<72xi32, #tpu.memory_space<vmem>>
    %dma_start3A_55 = arith.constant 0 : i32
    %dma_start3A_56 = arith.constant 0 : i32
    %dma_start3A_57 = tpu.memref_slice %arg3[%dma_start3A_55, %dma_start3A_56] : memref<1000000x16xf32, #tpu.memory_space<hbm>> -> memref<1000000x16xf32, #tpu.memory_space<hbm>>
    tpu.enqueue_indirect_dma source(%dma_start3A_57 : memref<1000000x16xf32, #tpu.memory_space<hbm>>) target(%dma_start3A_51 : memref<72x16xf32, #tpu.memory_space<vmem>>) offsets(%dma_start3A_54 : memref<72xi32, #tpu.memory_space<vmem>>) semaphore(%arg8 : memref<!tpu.dma_semaphore, #tpu.memory_space<semaphore_mem>>)
    %dma_start3A_58 = arith.constant 0 : i32
    %dma_start3A_59 = arith.constant 2 : i32
    %dma_start3A_60 = arith.constant 0 : i32
    %dma_start3A_61 = arith.constant 2 : i32
    %dma_start3A_62 = arith.constant 0 : i32
    %dma_start3A_63 = arith.constant 0 : i32
    %dma_start3A_64 = tpu.memref_slice %arg6[%dma_start3A_60, %dma_start3A_61, %dma_start3A_62, %dma_start3A_63] : memref<2x4x200x16xf32, #tpu.memory_space<vmem>> -> memref<1x1x128x16xf32, #tpu.memory_space<vmem>>
    %dma_start3A_65 = tpu.memref_squeeze %dma_start3A_64 : memref<1x1x128x16xf32, #tpu.memory_space<vmem>> -> memref<128x16xf32, #tpu.memory_space<vmem>>
    %dma_start3A_66 = arith.constant 0 : i32
    %dma_start3A_67 = tpu.memref_slice %arg5[%dma_start3A_58, %dma_start3A_59, %dma_start3A_66] : memref<2x4x200xi32, #tpu.memory_space<vmem>> -> memref<1x1x128xi32, #tpu.memory_space<vmem>>
    %dma_start3A_68 = tpu.memref_squeeze %dma_start3A_67 : memref<1x1x128xi32, #tpu.memory_space<vmem>> -> memref<128xi32, #tpu.memory_space<vmem>>
    %dma_start3A_69 = arith.constant 0 : i32
    %dma_start3A_70 = arith.constant 0 : i32
    %dma_start3A_71 = tpu.memref_slice %arg3[%dma_start3A_69, %dma_start3A_70] : memref<1000000x16xf32, #tpu.memory_space<hbm>> -> memref<1000000x16xf32, #tpu.memory_space<hbm>>
    tpu.enqueue_indirect_dma source(%dma_start3A_71 : memref<1000000x16xf32, #tpu.memory_space<hbm>>) target(%dma_start3A_65 : memref<128x16xf32, #tpu.memory_space<vmem>>) offsets(%dma_start3A_68 : memref<128xi32, #tpu.memory_space<vmem>>) semaphore(%arg8 : memref<!tpu.dma_semaphore, #tpu.memory_space<semaphore_mem>>)
    %dma_start3A_72 = arith.constant 0 : i32
    %dma_start3A_73 = arith.constant 2 : i32
    %dma_start3A_74 = arith.constant 0 : i32
    %dma_start3A_75 = arith.constant 2 : i32
    %dma_start3A_76 = arith.constant 128 : i32
    %dma_start3A_77 = arith.constant 0 : i32
    %dma_start3A_78 = tpu.memref_slice %arg6[%dma_start3A_74, %dma_start3A_75, %dma_start3A_76, %dma_start3A_77] : memref<2x4x200x16xf32, #tpu.memory_space<vmem>> -> memref<1x1x72x16xf32, #tpu.memory_space<vmem>>
    %dma_start3A_79 = tpu.memref_squeeze %dma_start3A_78 : memref<1x1x72x16xf32, #tpu.memory_space<vmem>> -> memref<72x16xf32, #tpu.memory_space<vmem>>
    %dma_start3A_80 = arith.constant 128 : i32
    %dma_start3A_81 = tpu.memref_slice %arg5[%dma_start3A_72, %dma_start3A_73, %dma_start3A_80] : memref<2x4x200xi32, #tpu.memory_space<vmem>> -> memref<1x1x72xi32, #tpu.memory_space<vmem>>
    %dma_start3A_82 = tpu.memref_squeeze %dma_start3A_81 : memref<1x1x72xi32, #tpu.memory_space<vmem>> -> memref<72xi32, #tpu.memory_space<vmem>>
    %dma_start3A_83 = arith.constant 0 : i32
    %dma_start3A_84 = arith.constant 0 : i32
    %dma_start3A_85 = tpu.memref_slice %arg3[%dma_start3A_83, %dma_start3A_84] : memref<1000000x16xf32, #tpu.memory_space<hbm>> -> memref<1000000x16xf32, #tpu.memory_space<hbm>>
    tpu.enqueue_indirect_dma source(%dma_start3A_85 : memref<1000000x16xf32, #tpu.memory_space<hbm>>) target(%dma_start3A_79 : memref<72x16xf32, #tpu.memory_space<vmem>>) offsets(%dma_start3A_82 : memref<72xi32, #tpu.memory_space<vmem>>) semaphore(%arg8 : memref<!tpu.dma_semaphore, #tpu.memory_space<semaphore_mem>>)
    %dma_start3A_86 = arith.constant 0 : i32
    %dma_start3A_87 = arith.constant 3 : i32
    %dma_start3A_88 = arith.constant 0 : i32
    %dma_start3A_89 = arith.constant 3 : i32
    %dma_start3A_90 = arith.constant 0 : i32
    %dma_start3A_91 = arith.constant 0 : i32
    %dma_start3A_92 = tpu.memref_slice %arg6[%dma_start3A_88, %dma_start3A_89, %dma_start3A_90, %dma_start3A_91] : memref<2x4x200x16xf32, #tpu.memory_space<vmem>> -> memref<1x1x128x16xf32, #tpu.memory_space<vmem>>
    %dma_start3A_93 = tpu.memref_squeeze %dma_start3A_92 : memref<1x1x128x16xf32, #tpu.memory_space<vmem>> -> memref<128x16xf32, #tpu.memory_space<vmem>>
    %dma_start3A_94 = arith.constant 0 : i32
    %dma_start3A_95 = tpu.memref_slice %arg5[%dma_start3A_86, %dma_start3A_87, %dma_start3A_94] : memref<2x4x200xi32, #tpu.memory_space<vmem>> -> memref<1x1x128xi32, #tpu.memory_space<vmem>>
    %dma_start3A_96 = tpu.memref_squeeze %dma_start3A_95 : memref<1x1x128xi32, #tpu.memory_space<vmem>> -> memref<128xi32, #tpu.memory_space<vmem>>
    %dma_start3A_97 = arith.constant 0 : i32
    %dma_start3A_98 = arith.constant 0 : i32
    %dma_start3A_99 = tpu.memref_slice %arg3[%dma_start3A_97, %dma_start3A_98] : memref<1000000x16xf32, #tpu.memory_space<hbm>> -> memref<1000000x16xf32, #tpu.memory_space<hbm>>
    tpu.enqueue_indirect_dma source(%dma_start3A_99 : memref<1000000x16xf32, #tpu.memory_space<hbm>>) target(%dma_start3A_93 : memref<128x16xf32, #tpu.memory_space<vmem>>) offsets(%dma_start3A_96 : memref<128xi32, #tpu.memory_space<vmem>>) semaphore(%arg8 : memref<!tpu.dma_semaphore, #tpu.memory_space<semaphore_mem>>)
    %dma_start3A_100 = arith.constant 0 : i32
    %dma_start3A_101 = arith.constant 3 : i32
    %dma_start3A_102 = arith.constant 0 : i32
    %dma_start3A_103 = arith.constant 3 : i32
    %dma_start3A_104 = arith.constant 128 : i32
    %dma_start3A_105 = arith.constant 0 : i32
    %dma_start3A_106 = tpu.memref_slice %arg6[%dma_start3A_102, %dma_start3A_103, %dma_start3A_104, %dma_start3A_105] : memref<2x4x200x16xf32, #tpu.memory_space<vmem>> -> memref<1x1x72x16xf32, #tpu.memory_space<vmem>>
    %dma_start3A_107 = tpu.memref_squeeze %dma_start3A_106 : memref<1x1x72x16xf32, #tpu.memory_space<vmem>> -> memref<72x16xf32, #tpu.memory_space<vmem>>
    %dma_start3A_108 = arith.constant 128 : i32
    %dma_start3A_109 = tpu.memref_slice %arg5[%dma_start3A_100, %dma_start3A_101, %dma_start3A_108] : memref<2x4x200xi32, #tpu.memory_space<vmem>> -> memref<1x1x72xi32, #tpu.memory_space<vmem>>
    %dma_start3A_110 = tpu.memref_squeeze %dma_start3A_109 : memref<1x1x72xi32, #tpu.memory_space<vmem>> -> memref<72xi32, #tpu.memory_space<vmem>>
    %dma_start3A_111 = arith.constant 0 : i32
    %dma_start3A_112 = arith.constant 0 : i32
    %dma_start3A_113 = tpu.memref_slice %arg3[%dma_start3A_111, %dma_start3A_112] : memref<1000000x16xf32, #tpu.memory_space<hbm>> -> memref<1000000x16xf32, #tpu.memory_space<hbm>>
    tpu.enqueue_indirect_dma source(%dma_start3A_113 : memref<1000000x16xf32, #tpu.memory_space<hbm>>) target(%dma_start3A_107 : memref<72x16xf32, #tpu.memory_space<vmem>>) offsets(%dma_start3A_110 : memref<72xi32, #tpu.memory_space<vmem>>) semaphore(%arg8 : memref<!tpu.dma_semaphore, #tpu.memory_space<semaphore_mem>>)
    %scan3A = arith.constant 0 : i32
    %scan3A_114 = arith.constant 0 : i32
    %scan3A_115 = arith.constant 128 : i32
    %scan3A_116 = arith.addi %scan3A_114, %scan3A_115 : i32
    %scan3A_117 = arith.constant 1 : i32
    scf.for %scan3A_156 = %scan3A_114 to %scan3A_116 step %scan3A_117  : i32 {
      %jit3A = arith.constant 2 : i32
      %eq3A = arith.constant 0 : i32
      %eq3A_157 = arith.cmpi eq, %jit3A, %eq3A : i32
      %jit3A_158 = arith.constant 1 : i32
      %select_n3A = arith.select %eq3A_157, %jit3A_158, %jit3A : i32
      %rem3A = arith.remsi %scan3A_156, %select_n3A : i32
      %ne3A = arith.constant 0 : i32
      %ne3A_159 = arith.cmpi ne, %rem3A, %ne3A : i32
      %lt3A = arith.constant 0 : i32
      %lt3A_160 = arith.cmpi slt, %rem3A, %lt3A : i32
      %lt3A_161 = arith.constant 0 : i32
      %lt3A_162 = arith.cmpi slt, %select_n3A, %lt3A_161 : i32
      %ne3A_163 = arith.xori %lt3A_160, %lt3A_162 : i1
      %and3A = arith.andi %ne3A_163, %ne3A_159 : i1
      %add3A_164 = arith.addi %rem3A, %select_n3A : i32
      %select_n3A_165 = arith.select %and3A, %add3A_164, %rem3A : i32
      %sub3A = arith.constant 1 : i32
      %sub3A_166 = arith.subi %sub3A, %select_n3A_165 : i32
      %mul3A_167 = arith.constant 4 : i32
      %mul3A_168 = arith.muli %scan3A_156, %mul3A_167 : i32
      %add3A_169 = arith.addi %mul3A_2, %mul3A_168 : i32
      %add3A_170 = arith.constant 1 : i32
      %add3A_171 = arith.addi %scan3A_156, %add3A_170 : i32
      %lt3A_172 = arith.constant 128 : i32
      %lt3A_173 = arith.cmpi slt, %add3A_171, %lt3A_172 : i32
      %convert_element_type3A = arith.extui %lt3A_173 : i1 to i32
      %cond3A = arith.constant 0 : i32
      %cond3A_174 = arith.cmpi ne, %convert_element_type3A, %cond3A : i32
      scf.if %cond3A_174 {
        %add3A_295 = arith.constant 4 : i32
        %add3A_296 = arith.addi %add3A_169, %add3A_295 : i32
        %dma_start3A_297 = arith.constant 0 : i32
        %dma_start3A_298 = arith.constant 0 : i32
        %dma_start3A_299 = tpu.memref_slice %arg5[%sub3A_166, %dma_start3A_297, %dma_start3A_298] : memref<2x4x200xi32, #tpu.memory_space<vmem>> -> memref<1x4x200xi32, #tpu.memory_space<vmem>>
        %dma_start3A_300 = tpu.memref_squeeze %dma_start3A_299 : memref<1x4x200xi32, #tpu.memory_space<vmem>> -> memref<4x200xi32, #tpu.memory_space<vmem>>
        %dma_start3A_301 = arith.constant 0 : i32
        %dma_start3A_302 = tpu.memref_slice %arg2[%add3A_296, %dma_start3A_301] : memref<16384x200xi32, #tpu.memory_space<hbm>> -> memref<4x200xi32, #tpu.memory_space<hbm>>
        %dma_start3A_303 = arith.constant 0 : i32
        %dma_start3A_304 = arith.constant 0 : i32
        %dma_start3A_305 = tpu.memref_slice %arg5[%sub3A_166, %dma_start3A_303, %dma_start3A_304] : memref<2x4x200xi32, #tpu.memory_space<vmem>> -> memref<1x4x200xi32, #tpu.memory_space<vmem>>
        %dma_start3A_306 = tpu.memref_squeeze %dma_start3A_305 : memref<1x4x200xi32, #tpu.memory_space<vmem>> -> memref<4x200xi32, #tpu.memory_space<vmem>>
        %dma_start3A_307 = arith.constant 0 : i32
        %dma_start3A_308 = tpu.memref_slice %arg2[%add3A_296, %dma_start3A_307] : memref<16384x200xi32, #tpu.memory_space<hbm>> -> memref<4x200xi32, #tpu.memory_space<hbm>>
        tpu.enqueue_dma source(%dma_start3A_308 : memref<4x200xi32, #tpu.memory_space<hbm>>) target(%dma_start3A_306 : memref<4x200xi32, #tpu.memory_space<vmem>>) target_semaphore(%arg7 : memref<!tpu.dma_semaphore, #tpu.memory_space<semaphore_mem>>)
      } else {
      }
      %dma_wait3A_175 = arith.constant 0 : i32
      %dma_wait3A_176 = arith.constant 0 : i32
      %dma_wait3A_177 = arith.constant 0 : i32
      %dma_wait3A_178 = arith.constant 0 : i32
      %dma_wait3A_179 = tpu.memref_slice %arg6[%select_n3A_165, %dma_wait3A_176, %dma_wait3A_177, %dma_wait3A_178] : memref<2x4x200x16xf32, #tpu.memory_space<vmem>> -> memref<1x1x128x16xf32, #tpu.memory_space<vmem>>
      %dma_wait3A_180 = tpu.memref_squeeze %dma_wait3A_179 : memref<1x1x128x16xf32, #tpu.memory_space<vmem>> -> memref<128x16xf32, #tpu.memory_space<vmem>>
      %dma_wait3A_181 = arith.constant 0 : i32
      %dma_wait3A_182 = tpu.memref_slice %arg5[%select_n3A_165, %dma_wait3A_175, %dma_wait3A_181] : memref<2x4x200xi32, #tpu.memory_space<vmem>> -> memref<1x1x128xi32, #tpu.memory_space<vmem>>
      %dma_wait3A_183 = tpu.memref_squeeze %dma_wait3A_182 : memref<1x1x128xi32, #tpu.memory_space<vmem>> -> memref<128xi32, #tpu.memory_space<vmem>>
      %dma_wait3A_184 = arith.constant 0 : i32
      %dma_wait3A_185 = arith.constant 0 : i32
      %dma_wait3A_186 = tpu.memref_slice %arg3[%dma_wait3A_184, %dma_wait3A_185] : memref<1000000x16xf32, #tpu.memory_space<hbm>> -> memref<1000000x16xf32, #tpu.memory_space<hbm>>
      tpu.wait_indirect_dma semaphore(%arg8 : memref<!tpu.dma_semaphore, #tpu.memory_space<semaphore_mem>>) src(%dma_wait3A_186 : memref<1000000x16xf32, #tpu.memory_space<hbm>>) dst(%dma_wait3A_180 : memref<128x16xf32, #tpu.memory_space<vmem>>)
      %dma_wait3A_187 = arith.constant 0 : i32
      %dma_wait3A_188 = arith.constant 0 : i32
      %dma_wait3A_189 = arith.constant 128 : i32
      %dma_wait3A_190 = arith.constant 0 : i32
      %dma_wait3A_191 = tpu.memref_slice %arg6[%select_n3A_165, %dma_wait3A_188, %dma_wait3A_189, %dma_wait3A_190] : memref<2x4x200x16xf32, #tpu.memory_space<vmem>> -> memref<1x1x72x16xf32, #tpu.memory_space<vmem>>
      %dma_wait3A_192 = tpu.memref_squeeze %dma_wait3A_191 : memref<1x1x72x16xf32, #tpu.memory_space<vmem>> -> memref<72x16xf32, #tpu.memory_space<vmem>>
      %dma_wait3A_193 = arith.constant 128 : i32
      %dma_wait3A_194 = tpu.memref_slice %arg5[%select_n3A_165, %dma_wait3A_187, %dma_wait3A_193] : memref<2x4x200xi32, #tpu.memory_space<vmem>> -> memref<1x1x72xi32, #tpu.memory_space<vmem>>
      %dma_wait3A_195 = tpu.memref_squeeze %dma_wait3A_194 : memref<1x1x72xi32, #tpu.memory_space<vmem>> -> memref<72xi32, #tpu.memory_space<vmem>>
      %dma_wait3A_196 = arith.constant 0 : i32
      %dma_wait3A_197 = arith.constant 0 : i32
      %dma_wait3A_198 = tpu.memref_slice %arg3[%dma_wait3A_196, %dma_wait3A_197] : memref<1000000x16xf32, #tpu.memory_space<hbm>> -> memref<1000000x16xf32, #tpu.memory_space<hbm>>
      tpu.wait_indirect_dma semaphore(%arg8 : memref<!tpu.dma_semaphore, #tpu.memory_space<semaphore_mem>>) src(%dma_wait3A_198 : memref<1000000x16xf32, #tpu.memory_space<hbm>>) dst(%dma_wait3A_192 : memref<72x16xf32, #tpu.memory_space<vmem>>)
      %dma_wait3A_199 = arith.constant 1 : i32
      %dma_wait3A_200 = arith.constant 1 : i32
      %dma_wait3A_201 = arith.constant 0 : i32
      %dma_wait3A_202 = arith.constant 0 : i32
      %dma_wait3A_203 = tpu.memref_slice %arg6[%select_n3A_165, %dma_wait3A_200, %dma_wait3A_201, %dma_wait3A_202] : memref<2x4x200x16xf32, #tpu.memory_space<vmem>> -> memref<1x1x128x16xf32, #tpu.memory_space<vmem>>
      %dma_wait3A_204 = tpu.memref_squeeze %dma_wait3A_203 : memref<1x1x128x16xf32, #tpu.memory_space<vmem>> -> memref<128x16xf32, #tpu.memory_space<vmem>>
      %dma_wait3A_205 = arith.constant 0 : i32
      %dma_wait3A_206 = tpu.memref_slice %arg5[%select_n3A_165, %dma_wait3A_199, %dma_wait3A_205] : memref<2x4x200xi32, #tpu.memory_space<vmem>> -> memref<1x1x128xi32, #tpu.memory_space<vmem>>
      %dma_wait3A_207 = tpu.memref_squeeze %dma_wait3A_206 : memref<1x1x128xi32, #tpu.memory_space<vmem>> -> memref<128xi32, #tpu.memory_space<vmem>>
      %dma_wait3A_208 = arith.constant 0 : i32
      %dma_wait3A_209 = arith.constant 0 : i32
      %dma_wait3A_210 = tpu.memref_slice %arg3[%dma_wait3A_208, %dma_wait3A_209] : memref<1000000x16xf32, #tpu.memory_space<hbm>> -> memref<1000000x16xf32, #tpu.memory_space<hbm>>
      tpu.wait_indirect_dma semaphore(%arg8 : memref<!tpu.dma_semaphore, #tpu.memory_space<semaphore_mem>>) src(%dma_wait3A_210 : memref<1000000x16xf32, #tpu.memory_space<hbm>>) dst(%dma_wait3A_204 : memref<128x16xf32, #tpu.memory_space<vmem>>)
      %dma_wait3A_211 = arith.constant 1 : i32
      %dma_wait3A_212 = arith.constant 1 : i32
      %dma_wait3A_213 = arith.constant 128 : i32
      %dma_wait3A_214 = arith.constant 0 : i32
      %dma_wait3A_215 = tpu.memref_slice %arg6[%select_n3A_165, %dma_wait3A_212, %dma_wait3A_213, %dma_wait3A_214] : memref<2x4x200x16xf32, #tpu.memory_space<vmem>> -> memref<1x1x72x16xf32, #tpu.memory_space<vmem>>
      %dma_wait3A_216 = tpu.memref_squeeze %dma_wait3A_215 : memref<1x1x72x16xf32, #tpu.memory_space<vmem>> -> memref<72x16xf32, #tpu.memory_space<vmem>>
      %dma_wait3A_217 = arith.constant 128 : i32
      %dma_wait3A_218 = tpu.memref_slice %arg5[%select_n3A_165, %dma_wait3A_211, %dma_wait3A_217] : memref<2x4x200xi32, #tpu.memory_space<vmem>> -> memref<1x1x72xi32, #tpu.memory_space<vmem>>
      %dma_wait3A_219 = tpu.memref_squeeze %dma_wait3A_218 : memref<1x1x72xi32, #tpu.memory_space<vmem>> -> memref<72xi32, #tpu.memory_space<vmem>>
      %dma_wait3A_220 = arith.constant 0 : i32
      %dma_wait3A_221 = arith.constant 0 : i32
      %dma_wait3A_222 = tpu.memref_slice %arg3[%dma_wait3A_220, %dma_wait3A_221] : memref<1000000x16xf32, #tpu.memory_space<hbm>> -> memref<1000000x16xf32, #tpu.memory_space<hbm>>
      tpu.wait_indirect_dma semaphore(%arg8 : memref<!tpu.dma_semaphore, #tpu.memory_space<semaphore_mem>>) src(%dma_wait3A_222 : memref<1000000x16xf32, #tpu.memory_space<hbm>>) dst(%dma_wait3A_216 : memref<72x16xf32, #tpu.memory_space<vmem>>)
      %dma_wait3A_223 = arith.constant 2 : i32
      %dma_wait3A_224 = arith.constant 2 : i32
      %dma_wait3A_225 = arith.constant 0 : i32
      %dma_wait3A_226 = arith.constant 0 : i32
      %dma_wait3A_227 = tpu.memref_slice %arg6[%select_n3A_165, %dma_wait3A_224, %dma_wait3A_225, %dma_wait3A_226] : memref<2x4x200x16xf32, #tpu.memory_space<vmem>> -> memref<1x1x128x16xf32, #tpu.memory_space<vmem>>
      %dma_wait3A_228 = tpu.memref_squeeze %dma_wait3A_227 : memref<1x1x128x16xf32, #tpu.memory_space<vmem>> -> memref<128x16xf32, #tpu.memory_space<vmem>>
      %dma_wait3A_229 = arith.constant 0 : i32
      %dma_wait3A_230 = tpu.memref_slice %arg5[%select_n3A_165, %dma_wait3A_223, %dma_wait3A_229] : memref<2x4x200xi32, #tpu.memory_space<vmem>> -> memref<1x1x128xi32, #tpu.memory_space<vmem>>
      %dma_wait3A_231 = tpu.memref_squeeze %dma_wait3A_230 : memref<1x1x128xi32, #tpu.memory_space<vmem>> -> memref<128xi32, #tpu.memory_space<vmem>>
      %dma_wait3A_232 = arith.constant 0 : i32
      %dma_wait3A_233 = arith.constant 0 : i32
      %dma_wait3A_234 = tpu.memref_slice %arg3[%dma_wait3A_232, %dma_wait3A_233] : memref<1000000x16xf32, #tpu.memory_space<hbm>> -> memref<1000000x16xf32, #tpu.memory_space<hbm>>
      tpu.wait_indirect_dma semaphore(%arg8 : memref<!tpu.dma_semaphore, #tpu.memory_space<semaphore_mem>>) src(%dma_wait3A_234 : memref<1000000x16xf32, #tpu.memory_space<hbm>>) dst(%dma_wait3A_228 : memref<128x16xf32, #tpu.memory_space<vmem>>)
      %dma_wait3A_235 = arith.constant 2 : i32
      %dma_wait3A_236 = arith.constant 2 : i32
      %dma_wait3A_237 = arith.constant 128 : i32
      %dma_wait3A_238 = arith.constant 0 : i32
      %dma_wait3A_239 = tpu.memref_slice %arg6[%select_n3A_165, %dma_wait3A_236, %dma_wait3A_237, %dma_wait3A_238] : memref<2x4x200x16xf32, #tpu.memory_space<vmem>> -> memref<1x1x72x16xf32, #tpu.memory_space<vmem>>
      %dma_wait3A_240 = tpu.memref_squeeze %dma_wait3A_239 : memref<1x1x72x16xf32, #tpu.memory_space<vmem>> -> memref<72x16xf32, #tpu.memory_space<vmem>>
      %dma_wait3A_241 = arith.constant 128 : i32
      %dma_wait3A_242 = tpu.memref_slice %arg5[%select_n3A_165, %dma_wait3A_235, %dma_wait3A_241] : memref<2x4x200xi32, #tpu.memory_space<vmem>> -> memref<1x1x72xi32, #tpu.memory_space<vmem>>
      %dma_wait3A_243 = tpu.memref_squeeze %dma_wait3A_242 : memref<1x1x72xi32, #tpu.memory_space<vmem>> -> memref<72xi32, #tpu.memory_space<vmem>>
      %dma_wait3A_244 = arith.constant 0 : i32
      %dma_wait3A_245 = arith.constant 0 : i32
      %dma_wait3A_246 = tpu.memref_slice %arg3[%dma_wait3A_244, %dma_wait3A_245] : memref<1000000x16xf32, #tpu.memory_space<hbm>> -> memref<1000000x16xf32, #tpu.memory_space<hbm>>
      tpu.wait_indirect_dma semaphore(%arg8 : memref<!tpu.dma_semaphore, #tpu.memory_space<semaphore_mem>>) src(%dma_wait3A_246 : memref<1000000x16xf32, #tpu.memory_space<hbm>>) dst(%dma_wait3A_240 : memref<72x16xf32, #tpu.memory_space<vmem>>)
      %dma_wait3A_247 = arith.constant 3 : i32
      %dma_wait3A_248 = arith.constant 3 : i32
      %dma_wait3A_249 = arith.constant 0 : i32
      %dma_wait3A_250 = arith.constant 0 : i32
      %dma_wait3A_251 = tpu.memref_slice %arg6[%select_n3A_165, %dma_wait3A_248, %dma_wait3A_249, %dma_wait3A_250] : memref<2x4x200x16xf32, #tpu.memory_space<vmem>> -> memref<1x1x128x16xf32, #tpu.memory_space<vmem>>
      %dma_wait3A_252 = tpu.memref_squeeze %dma_wait3A_251 : memref<1x1x128x16xf32, #tpu.memory_space<vmem>> -> memref<128x16xf32, #tpu.memory_space<vmem>>
      %dma_wait3A_253 = arith.constant 0 : i32
      %dma_wait3A_254 = tpu.memref_slice %arg5[%select_n3A_165, %dma_wait3A_247, %dma_wait3A_253] : memref<2x4x200xi32, #tpu.memory_space<vmem>> -> memref<1x1x128xi32, #tpu.memory_space<vmem>>
      %dma_wait3A_255 = tpu.memref_squeeze %dma_wait3A_254 : memref<1x1x128xi32, #tpu.memory_space<vmem>> -> memref<128xi32, #tpu.memory_space<vmem>>
      %dma_wait3A_256 = arith.constant 0 : i32
      %dma_wait3A_257 = arith.constant 0 : i32
      %dma_wait3A_258 = tpu.memref_slice %arg3[%dma_wait3A_256, %dma_wait3A_257] : memref<1000000x16xf32, #tpu.memory_space<hbm>> -> memref<1000000x16xf32, #tpu.memory_space<hbm>>
      tpu.wait_indirect_dma semaphore(%arg8 : memref<!tpu.dma_semaphore, #tpu.memory_space<semaphore_mem>>) src(%dma_wait3A_258 : memref<1000000x16xf32, #tpu.memory_space<hbm>>) dst(%dma_wait3A_252 : memref<128x16xf32, #tpu.memory_space<vmem>>)
      %dma_wait3A_259 = arith.constant 3 : i32
      %dma_wait3A_260 = arith.constant 3 : i32
      %dma_wait3A_261 = arith.constant 128 : i32
      %dma_wait3A_262 = arith.constant 0 : i32
      %dma_wait3A_263 = tpu.memref_slice %arg6[%select_n3A_165, %dma_wait3A_260, %dma_wait3A_261, %dma_wait3A_262] : memref<2x4x200x16xf32, #tpu.memory_space<vmem>> -> memref<1x1x72x16xf32, #tpu.memory_space<vmem>>
      %dma_wait3A_264 = tpu.memref_squeeze %dma_wait3A_263 : memref<1x1x72x16xf32, #tpu.memory_space<vmem>> -> memref<72x16xf32, #tpu.memory_space<vmem>>
      %dma_wait3A_265 = arith.constant 128 : i32
      %dma_wait3A_266 = tpu.memref_slice %arg5[%select_n3A_165, %dma_wait3A_259, %dma_wait3A_265] : memref<2x4x200xi32, #tpu.memory_space<vmem>> -> memref<1x1x72xi32, #tpu.memory_space<vmem>>
      %dma_wait3A_267 = tpu.memref_squeeze %dma_wait3A_266 : memref<1x1x72xi32, #tpu.memory_space<vmem>> -> memref<72xi32, #tpu.memory_space<vmem>>
      %dma_wait3A_268 = arith.constant 0 : i32
      %dma_wait3A_269 = arith.constant 0 : i32
      %dma_wait3A_270 = tpu.memref_slice %arg3[%dma_wait3A_268, %dma_wait3A_269] : memref<1000000x16xf32, #tpu.memory_space<hbm>> -> memref<1000000x16xf32, #tpu.memory_space<hbm>>
      tpu.wait_indirect_dma semaphore(%arg8 : memref<!tpu.dma_semaphore, #tpu.memory_space<semaphore_mem>>) src(%dma_wait3A_270 : memref<1000000x16xf32, #tpu.memory_space<hbm>>) dst(%dma_wait3A_264 : memref<72x16xf32, #tpu.memory_space<vmem>>)
      %dma_start3A_271 = arith.constant 0 : i32
      %dma_start3A_272 = arith.constant 0 : i32
      %dma_start3A_273 = arith.constant 0 : i32
      %dma_start3A_274 = tpu.memref_slice %arg6[%select_n3A_165, %dma_start3A_271, %dma_start3A_272, %dma_start3A_273] : memref<2x4x200x16xf32, #tpu.memory_space<vmem>> -> memref<1x4x200x16xf32, #tpu.memory_space<vmem>>
      %dma_start3A_275 = tpu.memref_squeeze %dma_start3A_274 : memref<1x4x200x16xf32, #tpu.memory_space<vmem>> -> memref<4x200x16xf32, #tpu.memory_space<vmem>>
      %dma_start3A_276 = arith.constant 0 : i32
      %dma_start3A_277 = arith.constant 0 : i32
      %dma_start3A_278 = tpu.memref_slice %arg4[%add3A_169, %dma_start3A_276, %dma_start3A_277] : memref<16384x200x16xf32, #tpu.memory_space<hbm>> -> memref<4x200x16xf32, #tpu.memory_space<hbm>>
      %dma_start3A_279 = arith.constant 0 : i32
      %dma_start3A_280 = arith.constant 0 : i32
      %dma_start3A_281 = tpu.memref_slice %arg4[%add3A_169, %dma_start3A_279, %dma_start3A_280] : memref<16384x200x16xf32, #tpu.memory_space<hbm>> -> memref<4x200x16xf32, #tpu.memory_space<hbm>>
      %dma_start3A_282 = arith.constant 0 : i32
      %dma_start3A_283 = arith.constant 0 : i32
      %dma_start3A_284 = arith.constant 0 : i32
      %dma_start3A_285 = tpu.memref_slice %arg6[%select_n3A_165, %dma_start3A_282, %dma_start3A_283, %dma_start3A_284] : memref<2x4x200x16xf32, #tpu.memory_space<vmem>> -> memref<1x4x200x16xf32, #tpu.memory_space<vmem>>
      %dma_start3A_286 = tpu.memref_squeeze %dma_start3A_285 : memref<1x4x200x16xf32, #tpu.memory_space<vmem>> -> memref<4x200x16xf32, #tpu.memory_space<vmem>>
      tpu.enqueue_dma source(%dma_start3A_286 : memref<4x200x16xf32, #tpu.memory_space<vmem>>) target(%dma_start3A_281 : memref<4x200x16xf32, #tpu.memory_space<hbm>>) target_semaphore(%arg9 : memref<!tpu.dma_semaphore, #tpu.memory_space<semaphore_mem>>)
      %gt3A = arith.constant 0 : i32
      %gt3A_287 = arith.cmpi sgt, %scan3A_156, %gt3A : i32
      %and3A_288 = arith.andi %lt3A_173, %gt3A_287 : i1
      %convert_element_type3A_289 = arith.extui %and3A_288 : i1 to i32
      %cond3A_290 = arith.constant 0 : i32
      %cond3A_291 = arith.cmpi ne, %convert_element_type3A_289, %cond3A_290 : i32
      scf.if %cond3A_291 {
        %sub3A_295 = arith.constant 4 : i32
        %sub3A_296 = arith.subi %add3A_169, %sub3A_295 : i32
        %dma_wait3A_297 = arith.constant 0 : i32
        %dma_wait3A_298 = arith.constant 0 : i32
        %dma_wait3A_299 = arith.constant 0 : i32
        %dma_wait3A_300 = tpu.memref_slice %arg6[%sub3A_166, %dma_wait3A_297, %dma_wait3A_298, %dma_wait3A_299] : memref<2x4x200x16xf32, #tpu.memory_space<vmem>> -> memref<1x4x200x16xf32, #tpu.memory_space<vmem>>
        %dma_wait3A_301 = tpu.memref_squeeze %dma_wait3A_300 : memref<1x4x200x16xf32, #tpu.memory_space<vmem>> -> memref<4x200x16xf32, #tpu.memory_space<vmem>>
        %dma_wait3A_302 = arith.constant 0 : i32
        %dma_wait3A_303 = arith.constant 0 : i32
        %dma_wait3A_304 = tpu.memref_slice %arg4[%sub3A_296, %dma_wait3A_302, %dma_wait3A_303] : memref<16384x200x16xf32, #tpu.memory_space<hbm>> -> memref<4x200x16xf32, #tpu.memory_space<hbm>>
        %dma_wait3A_305 = arith.constant 0 : i32
        %dma_wait3A_306 = arith.constant 0 : i32
        %dma_wait3A_307 = tpu.memref_slice %arg4[%sub3A_296, %dma_wait3A_305, %dma_wait3A_306] : memref<16384x200x16xf32, #tpu.memory_space<hbm>> -> memref<4x200x16xf32, #tpu.memory_space<hbm>>
        %dma_wait3A_308 = arith.constant 0 : i32
        %dma_wait3A_309 = arith.constant 0 : i32
        %dma_wait3A_310 = arith.constant 0 : i32
        %dma_wait3A_311 = tpu.memref_slice %arg6[%sub3A_166, %dma_wait3A_308, %dma_wait3A_309, %dma_wait3A_310] : memref<2x4x200x16xf32, #tpu.memory_space<vmem>> -> memref<1x4x200x16xf32, #tpu.memory_space<vmem>>
        %dma_wait3A_312 = tpu.memref_squeeze %dma_wait3A_311 : memref<1x4x200x16xf32, #tpu.memory_space<vmem>> -> memref<4x200x16xf32, #tpu.memory_space<vmem>>
        tpu.wait_dma2 semaphore(%arg9 : memref<!tpu.dma_semaphore, #tpu.memory_space<semaphore_mem>>) src(%dma_wait3A_312 : memref<4x200x16xf32, #tpu.memory_space<vmem>>) dst(%dma_wait3A_307 : memref<4x200x16xf32, #tpu.memory_space<hbm>>)
      } else {
      }
      %convert_element_type3A_292 = arith.extui %lt3A_173 : i1 to i32
      %cond3A_293 = arith.constant 0 : i32
      %cond3A_294 = arith.cmpi ne, %convert_element_type3A_292, %cond3A_293 : i32
      scf.if %cond3A_294 {
        %add3A_295 = arith.constant 4 : i32
        %add3A_296 = arith.addi %add3A_169, %add3A_295 : i32
        %dma_wait3A_297 = arith.constant 0 : i32
        %dma_wait3A_298 = arith.constant 0 : i32
        %dma_wait3A_299 = tpu.memref_slice %arg5[%sub3A_166, %dma_wait3A_297, %dma_wait3A_298] : memref<2x4x200xi32, #tpu.memory_space<vmem>> -> memref<1x4x200xi32, #tpu.memory_space<vmem>>
        %dma_wait3A_300 = tpu.memref_squeeze %dma_wait3A_299 : memref<1x4x200xi32, #tpu.memory_space<vmem>> -> memref<4x200xi32, #tpu.memory_space<vmem>>
        %dma_wait3A_301 = arith.constant 0 : i32
        %dma_wait3A_302 = tpu.memref_slice %arg2[%add3A_296, %dma_wait3A_301] : memref<16384x200xi32, #tpu.memory_space<hbm>> -> memref<4x200xi32, #tpu.memory_space<hbm>>
        %dma_wait3A_303 = arith.constant 0 : i32
        %dma_wait3A_304 = arith.constant 0 : i32
        %dma_wait3A_305 = tpu.memref_slice %arg5[%sub3A_166, %dma_wait3A_303, %dma_wait3A_304] : memref<2x4x200xi32, #tpu.memory_space<vmem>> -> memref<1x4x200xi32, #tpu.memory_space<vmem>>
        %dma_wait3A_306 = tpu.memref_squeeze %dma_wait3A_305 : memref<1x4x200xi32, #tpu.memory_space<vmem>> -> memref<4x200xi32, #tpu.memory_space<vmem>>
        %dma_wait3A_307 = arith.constant 0 : i32
        %dma_wait3A_308 = tpu.memref_slice %arg2[%add3A_296, %dma_wait3A_307] : memref<16384x200xi32, #tpu.memory_space<hbm>> -> memref<4x200xi32, #tpu.memory_space<hbm>>
        tpu.wait_dma2 semaphore(%arg7 : memref<!tpu.dma_semaphore, #tpu.memory_space<semaphore_mem>>) src(%dma_wait3A_308 : memref<4x200xi32, #tpu.memory_space<hbm>>) dst(%dma_wait3A_306 : memref<4x200xi32, #tpu.memory_space<vmem>>)
        %dma_start3A_309 = arith.constant 0 : i32
        %dma_start3A_310 = arith.constant 0 : i32
        %dma_start3A_311 = arith.constant 0 : i32
        %dma_start3A_312 = arith.constant 0 : i32
        %dma_start3A_313 = tpu.memref_slice %arg6[%sub3A_166, %dma_start3A_310, %dma_start3A_311, %dma_start3A_312] : memref<2x4x200x16xf32, #tpu.memory_space<vmem>> -> memref<1x1x128x16xf32, #tpu.memory_space<vmem>>
        %dma_start3A_314 = tpu.memref_squeeze %dma_start3A_313 : memref<1x1x128x16xf32, #tpu.memory_space<vmem>> -> memref<128x16xf32, #tpu.memory_space<vmem>>
        %dma_start3A_315 = arith.constant 0 : i32
        %dma_start3A_316 = tpu.memref_slice %arg5[%sub3A_166, %dma_start3A_309, %dma_start3A_315] : memref<2x4x200xi32, #tpu.memory_space<vmem>> -> memref<1x1x128xi32, #tpu.memory_space<vmem>>
        %dma_start3A_317 = tpu.memref_squeeze %dma_start3A_316 : memref<1x1x128xi32, #tpu.memory_space<vmem>> -> memref<128xi32, #tpu.memory_space<vmem>>
        %dma_start3A_318 = arith.constant 0 : i32
        %dma_start3A_319 = arith.constant 0 : i32
        %dma_start3A_320 = tpu.memref_slice %arg3[%dma_start3A_318, %dma_start3A_319] : memref<1000000x16xf32, #tpu.memory_space<hbm>> -> memref<1000000x16xf32, #tpu.memory_space<hbm>>
        tpu.enqueue_indirect_dma source(%dma_start3A_320 : memref<1000000x16xf32, #tpu.memory_space<hbm>>) target(%dma_start3A_314 : memref<128x16xf32, #tpu.memory_space<vmem>>) offsets(%dma_start3A_317 : memref<128xi32, #tpu.memory_space<vmem>>) semaphore(%arg8 : memref<!tpu.dma_semaphore, #tpu.memory_space<semaphore_mem>>)
        %dma_start3A_321 = arith.constant 0 : i32
        %dma_start3A_322 = arith.constant 0 : i32
        %dma_start3A_323 = arith.constant 128 : i32
        %dma_start3A_324 = arith.constant 0 : i32
        %dma_start3A_325 = tpu.memref_slice %arg6[%sub3A_166, %dma_start3A_322, %dma_start3A_323, %dma_start3A_324] : memref<2x4x200x16xf32, #tpu.memory_space<vmem>> -> memref<1x1x72x16xf32, #tpu.memory_space<vmem>>
        %dma_start3A_326 = tpu.memref_squeeze %dma_start3A_325 : memref<1x1x72x16xf32, #tpu.memory_space<vmem>> -> memref<72x16xf32, #tpu.memory_space<vmem>>
        %dma_start3A_327 = arith.constant 128 : i32
        %dma_start3A_328 = tpu.memref_slice %arg5[%sub3A_166, %dma_start3A_321, %dma_start3A_327] : memref<2x4x200xi32, #tpu.memory_space<vmem>> -> memref<1x1x72xi32, #tpu.memory_space<vmem>>
        %dma_start3A_329 = tpu.memref_squeeze %dma_start3A_328 : memref<1x1x72xi32, #tpu.memory_space<vmem>> -> memref<72xi32, #tpu.memory_space<vmem>>
        %dma_start3A_330 = arith.constant 0 : i32
        %dma_start3A_331 = arith.constant 0 : i32
        %dma_start3A_332 = tpu.memref_slice %arg3[%dma_start3A_330, %dma_start3A_331] : memref<1000000x16xf32, #tpu.memory_space<hbm>> -> memref<1000000x16xf32, #tpu.memory_space<hbm>>
        tpu.enqueue_indirect_dma source(%dma_start3A_332 : memref<1000000x16xf32, #tpu.memory_space<hbm>>) target(%dma_start3A_326 : memref<72x16xf32, #tpu.memory_space<vmem>>) offsets(%dma_start3A_329 : memref<72xi32, #tpu.memory_space<vmem>>) semaphore(%arg8 : memref<!tpu.dma_semaphore, #tpu.memory_space<semaphore_mem>>)
        %dma_start3A_333 = arith.constant 1 : i32
        %dma_start3A_334 = arith.constant 1 : i32
        %dma_start3A_335 = arith.constant 0 : i32
        %dma_start3A_336 = arith.constant 0 : i32
        %dma_start3A_337 = tpu.memref_slice %arg6[%sub3A_166, %dma_start3A_334, %dma_start3A_335, %dma_start3A_336] : memref<2x4x200x16xf32, #tpu.memory_space<vmem>> -> memref<1x1x128x16xf32, #tpu.memory_space<vmem>>
        %dma_start3A_338 = tpu.memref_squeeze %dma_start3A_337 : memref<1x1x128x16xf32, #tpu.memory_space<vmem>> -> memref<128x16xf32, #tpu.memory_space<vmem>>
        %dma_start3A_339 = arith.constant 0 : i32
        %dma_start3A_340 = tpu.memref_slice %arg5[%sub3A_166, %dma_start3A_333, %dma_start3A_339] : memref<2x4x200xi32, #tpu.memory_space<vmem>> -> memref<1x1x128xi32, #tpu.memory_space<vmem>>
        %dma_start3A_341 = tpu.memref_squeeze %dma_start3A_340 : memref<1x1x128xi32, #tpu.memory_space<vmem>> -> memref<128xi32, #tpu.memory_space<vmem>>
        %dma_start3A_342 = arith.constant 0 : i32
        %dma_start3A_343 = arith.constant 0 : i32
        %dma_start3A_344 = tpu.memref_slice %arg3[%dma_start3A_342, %dma_start3A_343] : memref<1000000x16xf32, #tpu.memory_space<hbm>> -> memref<1000000x16xf32, #tpu.memory_space<hbm>>
        tpu.enqueue_indirect_dma source(%dma_start3A_344 : memref<1000000x16xf32, #tpu.memory_space<hbm>>) target(%dma_start3A_338 : memref<128x16xf32, #tpu.memory_space<vmem>>) offsets(%dma_start3A_341 : memref<128xi32, #tpu.memory_space<vmem>>) semaphore(%arg8 : memref<!tpu.dma_semaphore, #tpu.memory_space<semaphore_mem>>)
        %dma_start3A_345 = arith.constant 1 : i32
        %dma_start3A_346 = arith.constant 1 : i32
        %dma_start3A_347 = arith.constant 128 : i32
        %dma_start3A_348 = arith.constant 0 : i32
        %dma_start3A_349 = tpu.memref_slice %arg6[%sub3A_166, %dma_start3A_346, %dma_start3A_347, %dma_start3A_348] : memref<2x4x200x16xf32, #tpu.memory_space<vmem>> -> memref<1x1x72x16xf32, #tpu.memory_space<vmem>>
        %dma_start3A_350 = tpu.memref_squeeze %dma_start3A_349 : memref<1x1x72x16xf32, #tpu.memory_space<vmem>> -> memref<72x16xf32, #tpu.memory_space<vmem>>
        %dma_start3A_351 = arith.constant 128 : i32
        %dma_start3A_352 = tpu.memref_slice %arg5[%sub3A_166, %dma_start3A_345, %dma_start3A_351] : memref<2x4x200xi32, #tpu.memory_space<vmem>> -> memref<1x1x72xi32, #tpu.memory_space<vmem>>
        %dma_start3A_353 = tpu.memref_squeeze %dma_start3A_352 : memref<1x1x72xi32, #tpu.memory_space<vmem>> -> memref<72xi32, #tpu.memory_space<vmem>>
        %dma_start3A_354 = arith.constant 0 : i32
        %dma_start3A_355 = arith.constant 0 : i32
        %dma_start3A_356 = tpu.memref_slice %arg3[%dma_start3A_354, %dma_start3A_355] : memref<1000000x16xf32, #tpu.memory_space<hbm>> -> memref<1000000x16xf32, #tpu.memory_space<hbm>>
        tpu.enqueue_indirect_dma source(%dma_start3A_356 : memref<1000000x16xf32, #tpu.memory_space<hbm>>) target(%dma_start3A_350 : memref<72x16xf32, #tpu.memory_space<vmem>>) offsets(%dma_start3A_353 : memref<72xi32, #tpu.memory_space<vmem>>) semaphore(%arg8 : memref<!tpu.dma_semaphore, #tpu.memory_space<semaphore_mem>>)
        %dma_start3A_357 = arith.constant 2 : i32
        %dma_start3A_358 = arith.constant 2 : i32
        %dma_start3A_359 = arith.constant 0 : i32
        %dma_start3A_360 = arith.constant 0 : i32
        %dma_start3A_361 = tpu.memref_slice %arg6[%sub3A_166, %dma_start3A_358, %dma_start3A_359, %dma_start3A_360] : memref<2x4x200x16xf32, #tpu.memory_space<vmem>> -> memref<1x1x128x16xf32, #tpu.memory_space<vmem>>
        %dma_start3A_362 = tpu.memref_squeeze %dma_start3A_361 : memref<1x1x128x16xf32, #tpu.memory_space<vmem>> -> memref<128x16xf32, #tpu.memory_space<vmem>>
        %dma_start3A_363 = arith.constant 0 : i32
        %dma_start3A_364 = tpu.memref_slice %arg5[%sub3A_166, %dma_start3A_357, %dma_start3A_363] : memref<2x4x200xi32, #tpu.memory_space<vmem>> -> memref<1x1x128xi32, #tpu.memory_space<vmem>>
        %dma_start3A_365 = tpu.memref_squeeze %dma_start3A_364 : memref<1x1x128xi32, #tpu.memory_space<vmem>> -> memref<128xi32, #tpu.memory_space<vmem>>
        %dma_start3A_366 = arith.constant 0 : i32
        %dma_start3A_367 = arith.constant 0 : i32
        %dma_start3A_368 = tpu.memref_slice %arg3[%dma_start3A_366, %dma_start3A_367] : memref<1000000x16xf32, #tpu.memory_space<hbm>> -> memref<1000000x16xf32, #tpu.memory_space<hbm>>
        tpu.enqueue_indirect_dma source(%dma_start3A_368 : memref<1000000x16xf32, #tpu.memory_space<hbm>>) target(%dma_start3A_362 : memref<128x16xf32, #tpu.memory_space<vmem>>) offsets(%dma_start3A_365 : memref<128xi32, #tpu.memory_space<vmem>>) semaphore(%arg8 : memref<!tpu.dma_semaphore, #tpu.memory_space<semaphore_mem>>)
        %dma_start3A_369 = arith.constant 2 : i32
        %dma_start3A_370 = arith.constant 2 : i32
        %dma_start3A_371 = arith.constant 128 : i32
        %dma_start3A_372 = arith.constant 0 : i32
        %dma_start3A_373 = tpu.memref_slice %arg6[%sub3A_166, %dma_start3A_370, %dma_start3A_371, %dma_start3A_372] : memref<2x4x200x16xf32, #tpu.memory_space<vmem>> -> memref<1x1x72x16xf32, #tpu.memory_space<vmem>>
        %dma_start3A_374 = tpu.memref_squeeze %dma_start3A_373 : memref<1x1x72x16xf32, #tpu.memory_space<vmem>> -> memref<72x16xf32, #tpu.memory_space<vmem>>
        %dma_start3A_375 = arith.constant 128 : i32
        %dma_start3A_376 = tpu.memref_slice %arg5[%sub3A_166, %dma_start3A_369, %dma_start3A_375] : memref<2x4x200xi32, #tpu.memory_space<vmem>> -> memref<1x1x72xi32, #tpu.memory_space<vmem>>
        %dma_start3A_377 = tpu.memref_squeeze %dma_start3A_376 : memref<1x1x72xi32, #tpu.memory_space<vmem>> -> memref<72xi32, #tpu.memory_space<vmem>>
        %dma_start3A_378 = arith.constant 0 : i32
        %dma_start3A_379 = arith.constant 0 : i32
        %dma_start3A_380 = tpu.memref_slice %arg3[%dma_start3A_378, %dma_start3A_379] : memref<1000000x16xf32, #tpu.memory_space<hbm>> -> memref<1000000x16xf32, #tpu.memory_space<hbm>>
        tpu.enqueue_indirect_dma source(%dma_start3A_380 : memref<1000000x16xf32, #tpu.memory_space<hbm>>) target(%dma_start3A_374 : memref<72x16xf32, #tpu.memory_space<vmem>>) offsets(%dma_start3A_377 : memref<72xi32, #tpu.memory_space<vmem>>) semaphore(%arg8 : memref<!tpu.dma_semaphore, #tpu.memory_space<semaphore_mem>>)
        %dma_start3A_381 = arith.constant 3 : i32
        %dma_start3A_382 = arith.constant 3 : i32
        %dma_start3A_383 = arith.constant 0 : i32
        %dma_start3A_384 = arith.constant 0 : i32
        %dma_start3A_385 = tpu.memref_slice %arg6[%sub3A_166, %dma_start3A_382, %dma_start3A_383, %dma_start3A_384] : memref<2x4x200x16xf32, #tpu.memory_space<vmem>> -> memref<1x1x128x16xf32, #tpu.memory_space<vmem>>
        %dma_start3A_386 = tpu.memref_squeeze %dma_start3A_385 : memref<1x1x128x16xf32, #tpu.memory_space<vmem>> -> memref<128x16xf32, #tpu.memory_space<vmem>>
        %dma_start3A_387 = arith.constant 0 : i32
        %dma_start3A_388 = tpu.memref_slice %arg5[%sub3A_166, %dma_start3A_381, %dma_start3A_387] : memref<2x4x200xi32, #tpu.memory_space<vmem>> -> memref<1x1x128xi32, #tpu.memory_space<vmem>>
        %dma_start3A_389 = tpu.memref_squeeze %dma_start3A_388 : memref<1x1x128xi32, #tpu.memory_space<vmem>> -> memref<128xi32, #tpu.memory_space<vmem>>
        %dma_start3A_390 = arith.constant 0 : i32
        %dma_start3A_391 = arith.constant 0 : i32
        %dma_start3A_392 = tpu.memref_slice %arg3[%dma_start3A_390, %dma_start3A_391] : memref<1000000x16xf32, #tpu.memory_space<hbm>> -> memref<1000000x16xf32, #tpu.memory_space<hbm>>
        tpu.enqueue_indirect_dma source(%dma_start3A_392 : memref<1000000x16xf32, #tpu.memory_space<hbm>>) target(%dma_start3A_386 : memref<128x16xf32, #tpu.memory_space<vmem>>) offsets(%dma_start3A_389 : memref<128xi32, #tpu.memory_space<vmem>>) semaphore(%arg8 : memref<!tpu.dma_semaphore, #tpu.memory_space<semaphore_mem>>)
        %dma_start3A_393 = arith.constant 3 : i32
        %dma_start3A_394 = arith.constant 3 : i32
        %dma_start3A_395 = arith.constant 128 : i32
        %dma_start3A_396 = arith.constant 0 : i32
        %dma_start3A_397 = tpu.memref_slice %arg6[%sub3A_166, %dma_start3A_394, %dma_start3A_395, %dma_start3A_396] : memref<2x4x200x16xf32, #tpu.memory_space<vmem>> -> memref<1x1x72x16xf32, #tpu.memory_space<vmem>>
        %dma_start3A_398 = tpu.memref_squeeze %dma_start3A_397 : memref<1x1x72x16xf32, #tpu.memory_space<vmem>> -> memref<72x16xf32, #tpu.memory_space<vmem>>
        %dma_start3A_399 = arith.constant 128 : i32
        %dma_start3A_400 = tpu.memref_slice %arg5[%sub3A_166, %dma_start3A_393, %dma_start3A_399] : memref<2x4x200xi32, #tpu.memory_space<vmem>> -> memref<1x1x72xi32, #tpu.memory_space<vmem>>
        %dma_start3A_401 = tpu.memref_squeeze %dma_start3A_400 : memref<1x1x72xi32, #tpu.memory_space<vmem>> -> memref<72xi32, #tpu.memory_space<vmem>>
        %dma_start3A_402 = arith.constant 0 : i32
        %dma_start3A_403 = arith.constant 0 : i32
        %dma_start3A_404 = tpu.memref_slice %arg3[%dma_start3A_402, %dma_start3A_403] : memref<1000000x16xf32, #tpu.memory_space<hbm>> -> memref<1000000x16xf32, #tpu.memory_space<hbm>>
        tpu.enqueue_indirect_dma source(%dma_start3A_404 : memref<1000000x16xf32, #tpu.memory_space<hbm>>) target(%dma_start3A_398 : memref<72x16xf32, #tpu.memory_space<vmem>>) offsets(%dma_start3A_401 : memref<72xi32, #tpu.memory_space<vmem>>) semaphore(%arg8 : memref<!tpu.dma_semaphore, #tpu.memory_space<semaphore_mem>>)
      } else {
      }
    }
    %scan3A_118 = arith.constant 128 : i32
    %add3A_119 = arith.constant 504 : i32
    %add3A_120 = arith.addi %mul3A_2, %add3A_119 : i32
    %dma_wait3A = arith.constant 0 : i32
    %dma_wait3A_121 = arith.constant 0 : i32
    %dma_wait3A_122 = arith.constant 0 : i32
    %dma_wait3A_123 = arith.constant 0 : i32
    %dma_wait3A_124 = tpu.memref_slice %arg6[%dma_wait3A, %dma_wait3A_121, %dma_wait3A_122, %dma_wait3A_123] : memref<2x4x200x16xf32, #tpu.memory_space<vmem>> -> memref<1x4x200x16xf32, #tpu.memory_space<vmem>>
    %dma_wait3A_125 = tpu.memref_squeeze %dma_wait3A_124 : memref<1x4x200x16xf32, #tpu.memory_space<vmem>> -> memref<4x200x16xf32, #tpu.memory_space<vmem>>
    %dma_wait3A_126 = arith.constant 0 : i32
    %dma_wait3A_127 = arith.constant 0 : i32
    %dma_wait3A_128 = tpu.memref_slice %arg4[%add3A_120, %dma_wait3A_126, %dma_wait3A_127] : memref<16384x200x16xf32, #tpu.memory_space<hbm>> -> memref<4x200x16xf32, #tpu.memory_space<hbm>>
    %dma_wait3A_129 = arith.constant 0 : i32
    %dma_wait3A_130 = arith.constant 0 : i32
    %dma_wait3A_131 = tpu.memref_slice %arg4[%add3A_120, %dma_wait3A_129, %dma_wait3A_130] : memref<16384x200x16xf32, #tpu.memory_space<hbm>> -> memref<4x200x16xf32, #tpu.memory_space<hbm>>
    %dma_wait3A_132 = arith.constant 0 : i32
    %dma_wait3A_133 = arith.constant 0 : i32
    %dma_wait3A_134 = arith.constant 0 : i32
    %dma_wait3A_135 = tpu.memref_slice %arg6[%dma_wait3A, %dma_wait3A_132, %dma_wait3A_133, %dma_wait3A_134] : memref<2x4x200x16xf32, #tpu.memory_space<vmem>> -> memref<1x4x200x16xf32, #tpu.memory_space<vmem>>
    %dma_wait3A_136 = tpu.memref_squeeze %dma_wait3A_135 : memref<1x4x200x16xf32, #tpu.memory_space<vmem>> -> memref<4x200x16xf32, #tpu.memory_space<vmem>>
    tpu.wait_dma2 semaphore(%arg9 : memref<!tpu.dma_semaphore, #tpu.memory_space<semaphore_mem>>) src(%dma_wait3A_136 : memref<4x200x16xf32, #tpu.memory_space<vmem>>) dst(%dma_wait3A_131 : memref<4x200x16xf32, #tpu.memory_space<hbm>>)
    %add3A_137 = arith.constant 508 : i32
    %add3A_138 = arith.addi %mul3A_2, %add3A_137 : i32
    %dma_wait3A_139 = arith.constant 1 : i32
    %dma_wait3A_140 = arith.constant 0 : i32
    %dma_wait3A_141 = arith.constant 0 : i32
    %dma_wait3A_142 = arith.constant 0 : i32
    %dma_wait3A_143 = tpu.memref_slice %arg6[%dma_wait3A_139, %dma_wait3A_140, %dma_wait3A_141, %dma_wait3A_142] : memref<2x4x200x16xf32, #tpu.memory_space<vmem>> -> memref<1x4x200x16xf32, #tpu.memory_space<vmem>>
    %dma_wait3A_144 = tpu.memref_squeeze %dma_wait3A_143 : memref<1x4x200x16xf32, #tpu.memory_space<vmem>> -> memref<4x200x16xf32, #tpu.memory_space<vmem>>
    %dma_wait3A_145 = arith.constant 0 : i32
    %dma_wait3A_146 = arith.constant 0 : i32
    %dma_wait3A_147 = tpu.memref_slice %arg4[%add3A_138, %dma_wait3A_145, %dma_wait3A_146] : memref<16384x200x16xf32, #tpu.memory_space<hbm>> -> memref<4x200x16xf32, #tpu.memory_space<hbm>>
    %dma_wait3A_148 = arith.constant 0 : i32
    %dma_wait3A_149 = arith.constant 0 : i32
    %dma_wait3A_150 = tpu.memref_slice %arg4[%add3A_138, %dma_wait3A_148, %dma_wait3A_149] : memref<16384x200x16xf32, #tpu.memory_space<hbm>> -> memref<4x200x16xf32, #tpu.memory_space<hbm>>
    %dma_wait3A_151 = arith.constant 0 : i32
    %dma_wait3A_152 = arith.constant 0 : i32
    %dma_wait3A_153 = arith.constant 0 : i32
    %dma_wait3A_154 = tpu.memref_slice %arg6[%dma_wait3A_139, %dma_wait3A_151, %dma_wait3A_152, %dma_wait3A_153] : memref<2x4x200x16xf32, #tpu.memory_space<vmem>> -> memref<1x4x200x16xf32, #tpu.memory_space<vmem>>
    %dma_wait3A_155 = tpu.memref_squeeze %dma_wait3A_154 : memref<1x4x200x16xf32, #tpu.memory_space<vmem>> -> memref<4x200x16xf32, #tpu.memory_space<vmem>>
    tpu.wait_dma2 semaphore(%arg9 : memref<!tpu.dma_semaphore, #tpu.memory_space<semaphore_mem>>) src(%dma_wait3A_155 : memref<4x200x16xf32, #tpu.memory_space<vmem>>) dst(%dma_wait3A_150 : memref<4x200x16xf32, #tpu.memory_space<hbm>>)
    return
  }
}

#map = affine_map<(d0, d1) -> (0, 0)>
#map1 = affine_map<(d0, d1) -> (0, 0, 0)>
module attributes {stable_mosaic.version = 14 : i64} {
  func.func @_gather1(%arg0: i32, %arg1: i32, %arg2: memref<16384x200xi32, #tpu.memory_space<hbm>>, %arg3: memref<1000000x16xf32, #tpu.memory_space<hbm>>, %arg4: memref<16384x200x16xf32, #tpu.memory_space<hbm>>, %arg5: memref<2x4x200xi32, #tpu.memory_space<vmem>>, %arg6: memref<2x4x200x16xf32, #tpu.memory_space<vmem>>, %arg7: memref<!tpu.dma_semaphore, #tpu.memory_space<semaphore_mem>>, %arg8: memref<!tpu.dma_semaphore, #tpu.memory_space<semaphore_mem>>, %arg9: memref<!tpu.dma_semaphore, #tpu.memory_space<semaphore_mem>>) attributes {dimension_semantics = [#tpu.dimension_semantics<core_parallel>, #tpu.dimension_semantics<subcore_parallel>], iteration_bounds = array<i64: 2, 16>, scalar_prefetch = 0 : i64, scratch_operands = 5 : i64, tpu.core_type = #tpu.core_type<sc_vector_subcore>, window_params = [{transform_indices = #map}, {transform_indices = #map}, {transform_indices = #map1}]} {
    %mul3A = arith.constant 2 : i32
    %mul3A_0 = arith.muli %arg1, %mul3A : i32
    %add3A = arith.addi %mul3A_0, %arg0 : i32
    %mul3A_1 = arith.constant 512 : i32
    %mul3A_2 = arith.muli %add3A, %mul3A_1 : i32
    %run_scoped3A = arith.constant 0 : i32
    "tpu.region"() ({
      %run_scoped3A_156 = tpu.sem_alloc : memref<!tpu.dma_semaphore, #tpu.memory_space<semaphore_mem>>
      %dma_start3A_157 = arith.constant 0 : i32
      %dma_start3A_158 = arith.constant 0 : i32
      %dma_start3A_159 = tpu.memref_slice %arg5[%run_scoped3A, %dma_start3A_157, %dma_start3A_158] : memref<2x4x200xi32, #tpu.memory_space<vmem>> -> memref<1x4x200xi32, #tpu.memory_space<vmem>>
      %dma_start3A_160 = tpu.memref_squeeze %dma_start3A_159 : memref<1x4x200xi32, #tpu.memory_space<vmem>> -> memref<4x200xi32, #tpu.memory_space<vmem>>
      %dma_start3A_161 = arith.constant 0 : i32
      %dma_start3A_162 = tpu.memref_slice %arg2[%mul3A_2, %dma_start3A_161] : memref<16384x200xi32, #tpu.memory_space<hbm>> -> memref<4x200xi32, #tpu.memory_space<hbm>>
      %dma_start3A_163 = arith.constant 0 : i32
      %dma_start3A_164 = arith.constant 0 : i32
      %dma_start3A_165 = tpu.memref_slice %arg5[%run_scoped3A, %dma_start3A_163, %dma_start3A_164] : memref<2x4x200xi32, #tpu.memory_space<vmem>> -> memref<1x4x200xi32, #tpu.memory_space<vmem>>
      %dma_start3A_166 = tpu.memref_squeeze %dma_start3A_165 : memref<1x4x200xi32, #tpu.memory_space<vmem>> -> memref<4x200xi32, #tpu.memory_space<vmem>>
      %dma_start3A_167 = arith.constant 0 : i32
      %dma_start3A_168 = tpu.memref_slice %arg2[%mul3A_2, %dma_start3A_167] : memref<16384x200xi32, #tpu.memory_space<hbm>> -> memref<4x200xi32, #tpu.memory_space<hbm>>
      tpu.enqueue_dma source(%dma_start3A_168 : memref<4x200xi32, #tpu.memory_space<hbm>>) target(%dma_start3A_166 : memref<4x200xi32, #tpu.memory_space<vmem>>) target_semaphore(%run_scoped3A_156 : memref<!tpu.dma_semaphore, #tpu.memory_space<semaphore_mem>>)
      %dma_wait3A_169 = arith.constant 0 : i32
      %dma_wait3A_170 = arith.constant 0 : i32
      %dma_wait3A_171 = tpu.memref_slice %arg5[%run_scoped3A, %dma_wait3A_169, %dma_wait3A_170] : memref<2x4x200xi32, #tpu.memory_space<vmem>> -> memref<1x4x200xi32, #tpu.memory_space<vmem>>
      %dma_wait3A_172 = tpu.memref_squeeze %dma_wait3A_171 : memref<1x4x200xi32, #tpu.memory_space<vmem>> -> memref<4x200xi32, #tpu.memory_space<vmem>>
      %dma_wait3A_173 = arith.constant 0 : i32
      %dma_wait3A_174 = tpu.memref_slice %arg2[%mul3A_2, %dma_wait3A_173] : memref<16384x200xi32, #tpu.memory_space<hbm>> -> memref<4x200xi32, #tpu.memory_space<hbm>>
      %dma_wait3A_175 = arith.constant 0 : i32
      %dma_wait3A_176 = arith.constant 0 : i32
      %dma_wait3A_177 = tpu.memref_slice %arg5[%run_scoped3A, %dma_wait3A_175, %dma_wait3A_176] : memref<2x4x200xi32, #tpu.memory_space<vmem>> -> memref<1x4x200xi32, #tpu.memory_space<vmem>>
      %dma_wait3A_178 = tpu.memref_squeeze %dma_wait3A_177 : memref<1x4x200xi32, #tpu.memory_space<vmem>> -> memref<4x200xi32, #tpu.memory_space<vmem>>
      %dma_wait3A_179 = arith.constant 0 : i32
      %dma_wait3A_180 = tpu.memref_slice %arg2[%mul3A_2, %dma_wait3A_179] : memref<16384x200xi32, #tpu.memory_space<hbm>> -> memref<4x200xi32, #tpu.memory_space<hbm>>
      tpu.wait_dma2 semaphore(%run_scoped3A_156 : memref<!tpu.dma_semaphore, #tpu.memory_space<semaphore_mem>>) src(%dma_wait3A_180 : memref<4x200xi32, #tpu.memory_space<hbm>>) dst(%dma_wait3A_178 : memref<4x200xi32, #tpu.memory_space<vmem>>)
      tpu.yield
    }) : () -> ()
    %dma_start3A = arith.constant 0 : i32
    %dma_start3A_3 = arith.constant 0 : i32
    %dma_start3A_4 = arith.constant 0 : i32
    %dma_start3A_5 = arith.constant 0 : i32
    %dma_start3A_6 = arith.constant 0 : i32
    %dma_start3A_7 = arith.constant 0 : i32
    %dma_start3A_8 = tpu.memref_slice %arg6[%dma_start3A_4, %dma_start3A_5, %dma_start3A_6, %dma_start3A_7] : memref<2x4x200x16xf32, #tpu.memory_space<vmem>> -> memref<1x1x128x16xf32, #tpu.memory_space<vmem>>
    %dma_start3A_9 = tpu.memref_squeeze %dma_start3A_8 : memref<1x1x128x16xf32, #tpu.memory_space<vmem>> -> memref<128x16xf32, #tpu.memory_space<vmem>>
    %dma_start3A_10 = arith.constant 0 : i32
    %dma_start3A_11 = tpu.memref_slice %arg5[%dma_start3A, %dma_start3A_3, %dma_start3A_10] : memref<2x4x200xi32, #tpu.memory_space<vmem>> -> memref<1x1x128xi32, #tpu.memory_space<vmem>>
    %dma_start3A_12 = tpu.memref_squeeze %dma_start3A_11 : memref<1x1x128xi32, #tpu.memory_space<vmem>> -> memref<128xi32, #tpu.memory_space<vmem>>
    %dma_start3A_13 = arith.constant 0 : i32
    %dma_start3A_14 = arith.constant 0 : i32
    %dma_start3A_15 = tpu.memref_slice %arg3[%dma_start3A_13, %dma_start3A_14] : memref<1000000x16xf32, #tpu.memory_space<hbm>> -> memref<1000000x16xf32, #tpu.memory_space<hbm>>
    tpu.enqueue_indirect_dma source(%dma_start3A_15 : memref<1000000x16xf32, #tpu.memory_space<hbm>>) target(%dma_start3A_9 : memref<128x16xf32, #tpu.memory_space<vmem>>) offsets(%dma_start3A_12 : memref<128xi32, #tpu.memory_space<vmem>>) semaphore(%arg8 : memref<!tpu.dma_semaphore, #tpu.memory_space<semaphore_mem>>)
    %dma_start3A_16 = arith.constant 0 : i32
    %dma_start3A_17 = arith.constant 0 : i32
    %dma_start3A_18 = arith.constant 0 : i32
    %dma_start3A_19 = arith.constant 0 : i32
    %dma_start3A_20 = arith.constant 128 : i32
    %dma_start3A_21 = arith.constant 0 : i32
    %dma_start3A_22 = tpu.memref_slice %arg6[%dma_start3A_18, %dma_start3A_19, %dma_start3A_20, %dma_start3A_21] : memref<2x4x200x16xf32, #tpu.memory_space<vmem>> -> memref<1x1x72x16xf32, #tpu.memory_space<vmem>>
    %dma_start3A_23 = tpu.memref_squeeze %dma_start3A_22 : memref<1x1x72x16xf32, #tpu.memory_space<vmem>> -> memref<72x16xf32, #tpu.memory_space<vmem>>
    %dma_start3A_24 = arith.constant 128 : i32
    %dma_start3A_25 = tpu.memref_slice %arg5[%dma_start3A_16, %dma_start3A_17, %dma_start3A_24] : memref<2x4x200xi32, #tpu.memory_space<vmem>> -> memref<1x1x72xi32, #tpu.memory_space<vmem>>
    %dma_start3A_26 = tpu.memref_squeeze %dma_start3A_25 : memref<1x1x72xi32, #tpu.memory_space<vmem>> -> memref<72xi32, #tpu.memory_space<vmem>>
    %dma_start3A_27 = arith.constant 0 : i32
    %dma_start3A_28 = arith.constant 0 : i32
    %dma_start3A_29 = tpu.memref_slice %arg3[%dma_start3A_27, %dma_start3A_28] : memref<1000000x16xf32, #tpu.memory_space<hbm>> -> memref<1000000x16xf32, #tpu.memory_space<hbm>>
    tpu.enqueue_indirect_dma source(%dma_start3A_29 : memref<1000000x16xf32, #tpu.memory_space<hbm>>) target(%dma_start3A_23 : memref<72x16xf32, #tpu.memory_space<vmem>>) offsets(%dma_start3A_26 : memref<72xi32, #tpu.memory_space<vmem>>) semaphore(%arg8 : memref<!tpu.dma_semaphore, #tpu.memory_space<semaphore_mem>>)
    %dma_start3A_30 = arith.constant 0 : i32
    %dma_start3A_31 = arith.constant 1 : i32
    %dma_start3A_32 = arith.constant 0 : i32
    %dma_start3A_33 = arith.constant 1 : i32
    %dma_start3A_34 = arith.constant 0 : i32
    %dma_start3A_35 = arith.constant 0 : i32
    %dma_start3A_36 = tpu.memref_slice %arg6[%dma_start3A_32, %dma_start3A_33, %dma_start3A_34, %dma_start3A_35] : memref<2x4x200x16xf32, #tpu.memory_space<vmem>> -> memref<1x1x128x16xf32, #tpu.memory_space<vmem>>
    %dma_start3A_37 = tpu.memref_squeeze %dma_start3A_36 : memref<1x1x128x16xf32, #tpu.memory_space<vmem>> -> memref<128x16xf32, #tpu.memory_space<vmem>>
    %dma_start3A_38 = arith.constant 0 : i32
    %dma_start3A_39 = tpu.memref_slice %arg5[%dma_start3A_30, %dma_start3A_31, %dma_start3A_38] : memref<2x4x200xi32, #tpu.memory_space<vmem>> -> memref<1x1x128xi32, #tpu.memory_space<vmem>>
    %dma_start3A_40 = tpu.memref_squeeze %dma_start3A_39 : memref<1x1x128xi32, #tpu.memory_space<vmem>> -> memref<128xi32, #tpu.memory_space<vmem>>
    %dma_start3A_41 = arith.constant 0 : i32
    %dma_start3A_42 = arith.constant 0 : i32
    %dma_start3A_43 = tpu.memref_slice %arg3[%dma_start3A_41, %dma_start3A_42] : memref<1000000x16xf32, #tpu.memory_space<hbm>> -> memref<1000000x16xf32, #tpu.memory_space<hbm>>
    tpu.enqueue_indirect_dma source(%dma_start3A_43 : memref<1000000x16xf32, #tpu.memory_space<hbm>>) target(%dma_start3A_37 : memref<128x16xf32, #tpu.memory_space<vmem>>) offsets(%dma_start3A_40 : memref<128xi32, #tpu.memory_space<vmem>>) semaphore(%arg8 : memref<!tpu.dma_semaphore, #tpu.memory_space<semaphore_mem>>)
    %dma_start3A_44 = arith.constant 0 : i32
    %dma_start3A_45 = arith.constant 1 : i32
    %dma_start3A_46 = arith.constant 0 : i32
    %dma_start3A_47 = arith.constant 1 : i32
    %dma_start3A_48 = arith.constant 128 : i32
    %dma_start3A_49 = arith.constant 0 : i32
    %dma_start3A_50 = tpu.memref_slice %arg6[%dma_start3A_46, %dma_start3A_47, %dma_start3A_48, %dma_start3A_49] : memref<2x4x200x16xf32, #tpu.memory_space<vmem>> -> memref<1x1x72x16xf32, #tpu.memory_space<vmem>>
    %dma_start3A_51 = tpu.memref_squeeze %dma_start3A_50 : memref<1x1x72x16xf32, #tpu.memory_space<vmem>> -> memref<72x16xf32, #tpu.memory_space<vmem>>
    %dma_start3A_52 = arith.constant 128 : i32
    %dma_start3A_53 = tpu.memref_slice %arg5[%dma_start3A_44, %dma_start3A_45, %dma_start3A_52] : memref<2x4x200xi32, #tpu.memory_space<vmem>> -> memref<1x1x72xi32, #tpu.memory_space<vmem>>
    %dma_start3A_54 = tpu.memref_squeeze %dma_start3A_53 : memref<1x1x72xi32, #tpu.memory_space<vmem>> -> memref<72xi32, #tpu.memory_space<vmem>>
    %dma_start3A_55 = arith.constant 0 : i32
    %dma_start3A_56 = arith.constant 0 : i32
    %dma_start3A_57 = tpu.memref_slice %arg3[%dma_start3A_55, %dma_start3A_56] : memref<1000000x16xf32, #tpu.memory_space<hbm>> -> memref<1000000x16xf32, #tpu.memory_space<hbm>>
    tpu.enqueue_indirect_dma source(%dma_start3A_57 : memref<1000000x16xf32, #tpu.memory_space<hbm>>) target(%dma_start3A_51 : memref<72x16xf32, #tpu.memory_space<vmem>>) offsets(%dma_start3A_54 : memref<72xi32, #tpu.memory_space<vmem>>) semaphore(%arg8 : memref<!tpu.dma_semaphore, #tpu.memory_space<semaphore_mem>>)
    %dma_start3A_58 = arith.constant 0 : i32
    %dma_start3A_59 = arith.constant 2 : i32
    %dma_start3A_60 = arith.constant 0 : i32
    %dma_start3A_61 = arith.constant 2 : i32
    %dma_start3A_62 = arith.constant 0 : i32
    %dma_start3A_63 = arith.constant 0 : i32
    %dma_start3A_64 = tpu.memref_slice %arg6[%dma_start3A_60, %dma_start3A_61, %dma_start3A_62, %dma_start3A_63] : memref<2x4x200x16xf32, #tpu.memory_space<vmem>> -> memref<1x1x128x16xf32, #tpu.memory_space<vmem>>
    %dma_start3A_65 = tpu.memref_squeeze %dma_start3A_64 : memref<1x1x128x16xf32, #tpu.memory_space<vmem>> -> memref<128x16xf32, #tpu.memory_space<vmem>>
    %dma_start3A_66 = arith.constant 0 : i32
    %dma_start3A_67 = tpu.memref_slice %arg5[%dma_start3A_58, %dma_start3A_59, %dma_start3A_66] : memref<2x4x200xi32, #tpu.memory_space<vmem>> -> memref<1x1x128xi32, #tpu.memory_space<vmem>>
    %dma_start3A_68 = tpu.memref_squeeze %dma_start3A_67 : memref<1x1x128xi32, #tpu.memory_space<vmem>> -> memref<128xi32, #tpu.memory_space<vmem>>
    %dma_start3A_69 = arith.constant 0 : i32
    %dma_start3A_70 = arith.constant 0 : i32
    %dma_start3A_71 = tpu.memref_slice %arg3[%dma_start3A_69, %dma_start3A_70] : memref<1000000x16xf32, #tpu.memory_space<hbm>> -> memref<1000000x16xf32, #tpu.memory_space<hbm>>
    tpu.enqueue_indirect_dma source(%dma_start3A_71 : memref<1000000x16xf32, #tpu.memory_space<hbm>>) target(%dma_start3A_65 : memref<128x16xf32, #tpu.memory_space<vmem>>) offsets(%dma_start3A_68 : memref<128xi32, #tpu.memory_space<vmem>>) semaphore(%arg8 : memref<!tpu.dma_semaphore, #tpu.memory_space<semaphore_mem>>)
    %dma_start3A_72 = arith.constant 0 : i32
    %dma_start3A_73 = arith.constant 2 : i32
    %dma_start3A_74 = arith.constant 0 : i32
    %dma_start3A_75 = arith.constant 2 : i32
    %dma_start3A_76 = arith.constant 128 : i32
    %dma_start3A_77 = arith.constant 0 : i32
    %dma_start3A_78 = tpu.memref_slice %arg6[%dma_start3A_74, %dma_start3A_75, %dma_start3A_76, %dma_start3A_77] : memref<2x4x200x16xf32, #tpu.memory_space<vmem>> -> memref<1x1x72x16xf32, #tpu.memory_space<vmem>>
    %dma_start3A_79 = tpu.memref_squeeze %dma_start3A_78 : memref<1x1x72x16xf32, #tpu.memory_space<vmem>> -> memref<72x16xf32, #tpu.memory_space<vmem>>
    %dma_start3A_80 = arith.constant 128 : i32
    %dma_start3A_81 = tpu.memref_slice %arg5[%dma_start3A_72, %dma_start3A_73, %dma_start3A_80] : memref<2x4x200xi32, #tpu.memory_space<vmem>> -> memref<1x1x72xi32, #tpu.memory_space<vmem>>
    %dma_start3A_82 = tpu.memref_squeeze %dma_start3A_81 : memref<1x1x72xi32, #tpu.memory_space<vmem>> -> memref<72xi32, #tpu.memory_space<vmem>>
    %dma_start3A_83 = arith.constant 0 : i32
    %dma_start3A_84 = arith.constant 0 : i32
    %dma_start3A_85 = tpu.memref_slice %arg3[%dma_start3A_83, %dma_start3A_84] : memref<1000000x16xf32, #tpu.memory_space<hbm>> -> memref<1000000x16xf32, #tpu.memory_space<hbm>>
    tpu.enqueue_indirect_dma source(%dma_start3A_85 : memref<1000000x16xf32, #tpu.memory_space<hbm>>) target(%dma_start3A_79 : memref<72x16xf32, #tpu.memory_space<vmem>>) offsets(%dma_start3A_82 : memref<72xi32, #tpu.memory_space<vmem>>) semaphore(%arg8 : memref<!tpu.dma_semaphore, #tpu.memory_space<semaphore_mem>>)
    %dma_start3A_86 = arith.constant 0 : i32
    %dma_start3A_87 = arith.constant 3 : i32
    %dma_start3A_88 = arith.constant 0 : i32
    %dma_start3A_89 = arith.constant 3 : i32
    %dma_start3A_90 = arith.constant 0 : i32
    %dma_start3A_91 = arith.constant 0 : i32
    %dma_start3A_92 = tpu.memref_slice %arg6[%dma_start3A_88, %dma_start3A_89, %dma_start3A_90, %dma_start3A_91] : memref<2x4x200x16xf32, #tpu.memory_space<vmem>> -> memref<1x1x128x16xf32, #tpu.memory_space<vmem>>
    %dma_start3A_93 = tpu.memref_squeeze %dma_start3A_92 : memref<1x1x128x16xf32, #tpu.memory_space<vmem>> -> memref<128x16xf32, #tpu.memory_space<vmem>>
    %dma_start3A_94 = arith.constant 0 : i32
    %dma_start3A_95 = tpu.memref_slice %arg5[%dma_start3A_86, %dma_start3A_87, %dma_start3A_94] : memref<2x4x200xi32, #tpu.memory_space<vmem>> -> memref<1x1x128xi32, #tpu.memory_space<vmem>>
    %dma_start3A_96 = tpu.memref_squeeze %dma_start3A_95 : memref<1x1x128xi32, #tpu.memory_space<vmem>> -> memref<128xi32, #tpu.memory_space<vmem>>
    %dma_start3A_97 = arith.constant 0 : i32
    %dma_start3A_98 = arith.constant 0 : i32
    %dma_start3A_99 = tpu.memref_slice %arg3[%dma_start3A_97, %dma_start3A_98] : memref<1000000x16xf32, #tpu.memory_space<hbm>> -> memref<1000000x16xf32, #tpu.memory_space<hbm>>
    tpu.enqueue_indirect_dma source(%dma_start3A_99 : memref<1000000x16xf32, #tpu.memory_space<hbm>>) target(%dma_start3A_93 : memref<128x16xf32, #tpu.memory_space<vmem>>) offsets(%dma_start3A_96 : memref<128xi32, #tpu.memory_space<vmem>>) semaphore(%arg8 : memref<!tpu.dma_semaphore, #tpu.memory_space<semaphore_mem>>)
    %dma_start3A_100 = arith.constant 0 : i32
    %dma_start3A_101 = arith.constant 3 : i32
    %dma_start3A_102 = arith.constant 0 : i32
    %dma_start3A_103 = arith.constant 3 : i32
    %dma_start3A_104 = arith.constant 128 : i32
    %dma_start3A_105 = arith.constant 0 : i32
    %dma_start3A_106 = tpu.memref_slice %arg6[%dma_start3A_102, %dma_start3A_103, %dma_start3A_104, %dma_start3A_105] : memref<2x4x200x16xf32, #tpu.memory_space<vmem>> -> memref<1x1x72x16xf32, #tpu.memory_space<vmem>>
    %dma_start3A_107 = tpu.memref_squeeze %dma_start3A_106 : memref<1x1x72x16xf32, #tpu.memory_space<vmem>> -> memref<72x16xf32, #tpu.memory_space<vmem>>
    %dma_start3A_108 = arith.constant 128 : i32
    %dma_start3A_109 = tpu.memref_slice %arg5[%dma_start3A_100, %dma_start3A_101, %dma_start3A_108] : memref<2x4x200xi32, #tpu.memory_space<vmem>> -> memref<1x1x72xi32, #tpu.memory_space<vmem>>
    %dma_start3A_110 = tpu.memref_squeeze %dma_start3A_109 : memref<1x1x72xi32, #tpu.memory_space<vmem>> -> memref<72xi32, #tpu.memory_space<vmem>>
    %dma_start3A_111 = arith.constant 0 : i32
    %dma_start3A_112 = arith.constant 0 : i32
    %dma_start3A_113 = tpu.memref_slice %arg3[%dma_start3A_111, %dma_start3A_112] : memref<1000000x16xf32, #tpu.memory_space<hbm>> -> memref<1000000x16xf32, #tpu.memory_space<hbm>>
    tpu.enqueue_indirect_dma source(%dma_start3A_113 : memref<1000000x16xf32, #tpu.memory_space<hbm>>) target(%dma_start3A_107 : memref<72x16xf32, #tpu.memory_space<vmem>>) offsets(%dma_start3A_110 : memref<72xi32, #tpu.memory_space<vmem>>) semaphore(%arg8 : memref<!tpu.dma_semaphore, #tpu.memory_space<semaphore_mem>>)
    %scan3A = arith.constant 0 : i32
    %scan3A_114 = arith.constant 0 : i32
    %scan3A_115 = arith.constant 128 : i32
    %scan3A_116 = arith.addi %scan3A_114, %scan3A_115 : i32
    %scan3A_117 = arith.constant 1 : i32
    scf.for %scan3A_156 = %scan3A_114 to %scan3A_116 step %scan3A_117  : i32 {
      %jit3A = arith.constant 2 : i32
      %eq3A = arith.constant 0 : i32
      %eq3A_157 = arith.cmpi eq, %jit3A, %eq3A : i32
      %jit3A_158 = arith.constant 1 : i32
      %select_n3A = arith.select %eq3A_157, %jit3A_158, %jit3A : i32
      %rem3A = arith.remsi %scan3A_156, %select_n3A : i32
      %ne3A = arith.constant 0 : i32
      %ne3A_159 = arith.cmpi ne, %rem3A, %ne3A : i32
      %lt3A = arith.constant 0 : i32
      %lt3A_160 = arith.cmpi slt, %rem3A, %lt3A : i32
      %lt3A_161 = arith.constant 0 : i32
      %lt3A_162 = arith.cmpi slt, %select_n3A, %lt3A_161 : i32
      %ne3A_163 = arith.xori %lt3A_160, %lt3A_162 : i1
      %and3A = arith.andi %ne3A_163, %ne3A_159 : i1
      %add3A_164 = arith.addi %rem3A, %select_n3A : i32
      %select_n3A_165 = arith.select %and3A, %add3A_164, %rem3A : i32
      %sub3A = arith.constant 1 : i32
      %sub3A_166 = arith.subi %sub3A, %select_n3A_165 : i32
      %mul3A_167 = arith.constant 4 : i32
      %mul3A_168 = arith.muli %scan3A_156, %mul3A_167 : i32
      %add3A_169 = arith.addi %mul3A_2, %mul3A_168 : i32
      %add3A_170 = arith.constant 1 : i32
      %add3A_171 = arith.addi %scan3A_156, %add3A_170 : i32
      %lt3A_172 = arith.constant 128 : i32
      %lt3A_173 = arith.cmpi slt, %add3A_171, %lt3A_172 : i32
      %convert_element_type3A = arith.extui %lt3A_173 : i1 to i32
      %cond3A = arith.constant 0 : i32
      %cond3A_174 = arith.cmpi ne, %convert_element_type3A, %cond3A : i32
      scf.if %cond3A_174 {
        %add3A_295 = arith.constant 4 : i32
        %add3A_296 = arith.addi %add3A_169, %add3A_295 : i32
        %dma_start3A_297 = arith.constant 0 : i32
        %dma_start3A_298 = arith.constant 0 : i32
        %dma_start3A_299 = tpu.memref_slice %arg5[%sub3A_166, %dma_start3A_297, %dma_start3A_298] : memref<2x4x200xi32, #tpu.memory_space<vmem>> -> memref<1x4x200xi32, #tpu.memory_space<vmem>>
        %dma_start3A_300 = tpu.memref_squeeze %dma_start3A_299 : memref<1x4x200xi32, #tpu.memory_space<vmem>> -> memref<4x200xi32, #tpu.memory_space<vmem>>
        %dma_start3A_301 = arith.constant 0 : i32
        %dma_start3A_302 = tpu.memref_slice %arg2[%add3A_296, %dma_start3A_301] : memref<16384x200xi32, #tpu.memory_space<hbm>> -> memref<4x200xi32, #tpu.memory_space<hbm>>
        %dma_start3A_303 = arith.constant 0 : i32
        %dma_start3A_304 = arith.constant 0 : i32
        %dma_start3A_305 = tpu.memref_slice %arg5[%sub3A_166, %dma_start3A_303, %dma_start3A_304] : memref<2x4x200xi32, #tpu.memory_space<vmem>> -> memref<1x4x200xi32, #tpu.memory_space<vmem>>
        %dma_start3A_306 = tpu.memref_squeeze %dma_start3A_305 : memref<1x4x200xi32, #tpu.memory_space<vmem>> -> memref<4x200xi32, #tpu.memory_space<vmem>>
        %dma_start3A_307 = arith.constant 0 : i32
        %dma_start3A_308 = tpu.memref_slice %arg2[%add3A_296, %dma_start3A_307] : memref<16384x200xi32, #tpu.memory_space<hbm>> -> memref<4x200xi32, #tpu.memory_space<hbm>>
        tpu.enqueue_dma source(%dma_start3A_308 : memref<4x200xi32, #tpu.memory_space<hbm>>) target(%dma_start3A_306 : memref<4x200xi32, #tpu.memory_space<vmem>>) target_semaphore(%arg7 : memref<!tpu.dma_semaphore, #tpu.memory_space<semaphore_mem>>)
      } else {
      }
      %dma_wait3A_175 = arith.constant 0 : i32
      %dma_wait3A_176 = arith.constant 0 : i32
      %dma_wait3A_177 = arith.constant 0 : i32
      %dma_wait3A_178 = arith.constant 0 : i32
      %dma_wait3A_179 = tpu.memref_slice %arg6[%select_n3A_165, %dma_wait3A_176, %dma_wait3A_177, %dma_wait3A_178] : memref<2x4x200x16xf32, #tpu.memory_space<vmem>> -> memref<1x1x128x16xf32, #tpu.memory_space<vmem>>
      %dma_wait3A_180 = tpu.memref_squeeze %dma_wait3A_179 : memref<1x1x128x16xf32, #tpu.memory_space<vmem>> -> memref<128x16xf32, #tpu.memory_space<vmem>>
      %dma_wait3A_181 = arith.constant 0 : i32
      %dma_wait3A_182 = tpu.memref_slice %arg5[%select_n3A_165, %dma_wait3A_175, %dma_wait3A_181] : memref<2x4x200xi32, #tpu.memory_space<vmem>> -> memref<1x1x128xi32, #tpu.memory_space<vmem>>
      %dma_wait3A_183 = tpu.memref_squeeze %dma_wait3A_182 : memref<1x1x128xi32, #tpu.memory_space<vmem>> -> memref<128xi32, #tpu.memory_space<vmem>>
      %dma_wait3A_184 = arith.constant 0 : i32
      %dma_wait3A_185 = arith.constant 0 : i32
      %dma_wait3A_186 = tpu.memref_slice %arg3[%dma_wait3A_184, %dma_wait3A_185] : memref<1000000x16xf32, #tpu.memory_space<hbm>> -> memref<1000000x16xf32, #tpu.memory_space<hbm>>
      tpu.wait_indirect_dma semaphore(%arg8 : memref<!tpu.dma_semaphore, #tpu.memory_space<semaphore_mem>>) src(%dma_wait3A_186 : memref<1000000x16xf32, #tpu.memory_space<hbm>>) dst(%dma_wait3A_180 : memref<128x16xf32, #tpu.memory_space<vmem>>)
      %dma_wait3A_187 = arith.constant 0 : i32
      %dma_wait3A_188 = arith.constant 0 : i32
      %dma_wait3A_189 = arith.constant 128 : i32
      %dma_wait3A_190 = arith.constant 0 : i32
      %dma_wait3A_191 = tpu.memref_slice %arg6[%select_n3A_165, %dma_wait3A_188, %dma_wait3A_189, %dma_wait3A_190] : memref<2x4x200x16xf32, #tpu.memory_space<vmem>> -> memref<1x1x72x16xf32, #tpu.memory_space<vmem>>
      %dma_wait3A_192 = tpu.memref_squeeze %dma_wait3A_191 : memref<1x1x72x16xf32, #tpu.memory_space<vmem>> -> memref<72x16xf32, #tpu.memory_space<vmem>>
      %dma_wait3A_193 = arith.constant 128 : i32
      %dma_wait3A_194 = tpu.memref_slice %arg5[%select_n3A_165, %dma_wait3A_187, %dma_wait3A_193] : memref<2x4x200xi32, #tpu.memory_space<vmem>> -> memref<1x1x72xi32, #tpu.memory_space<vmem>>
      %dma_wait3A_195 = tpu.memref_squeeze %dma_wait3A_194 : memref<1x1x72xi32, #tpu.memory_space<vmem>> -> memref<72xi32, #tpu.memory_space<vmem>>
      %dma_wait3A_196 = arith.constant 0 : i32
      %dma_wait3A_197 = arith.constant 0 : i32
      %dma_wait3A_198 = tpu.memref_slice %arg3[%dma_wait3A_196, %dma_wait3A_197] : memref<1000000x16xf32, #tpu.memory_space<hbm>> -> memref<1000000x16xf32, #tpu.memory_space<hbm>>
      tpu.wait_indirect_dma semaphore(%arg8 : memref<!tpu.dma_semaphore, #tpu.memory_space<semaphore_mem>>) src(%dma_wait3A_198 : memref<1000000x16xf32, #tpu.memory_space<hbm>>) dst(%dma_wait3A_192 : memref<72x16xf32, #tpu.memory_space<vmem>>)
      %dma_wait3A_199 = arith.constant 1 : i32
      %dma_wait3A_200 = arith.constant 1 : i32
      %dma_wait3A_201 = arith.constant 0 : i32
      %dma_wait3A_202 = arith.constant 0 : i32
      %dma_wait3A_203 = tpu.memref_slice %arg6[%select_n3A_165, %dma_wait3A_200, %dma_wait3A_201, %dma_wait3A_202] : memref<2x4x200x16xf32, #tpu.memory_space<vmem>> -> memref<1x1x128x16xf32, #tpu.memory_space<vmem>>
      %dma_wait3A_204 = tpu.memref_squeeze %dma_wait3A_203 : memref<1x1x128x16xf32, #tpu.memory_space<vmem>> -> memref<128x16xf32, #tpu.memory_space<vmem>>
      %dma_wait3A_205 = arith.constant 0 : i32
      %dma_wait3A_206 = tpu.memref_slice %arg5[%select_n3A_165, %dma_wait3A_199, %dma_wait3A_205] : memref<2x4x200xi32, #tpu.memory_space<vmem>> -> memref<1x1x128xi32, #tpu.memory_space<vmem>>
      %dma_wait3A_207 = tpu.memref_squeeze %dma_wait3A_206 : memref<1x1x128xi32, #tpu.memory_space<vmem>> -> memref<128xi32, #tpu.memory_space<vmem>>
      %dma_wait3A_208 = arith.constant 0 : i32
      %dma_wait3A_209 = arith.constant 0 : i32
      %dma_wait3A_210 = tpu.memref_slice %arg3[%dma_wait3A_208, %dma_wait3A_209] : memref<1000000x16xf32, #tpu.memory_space<hbm>> -> memref<1000000x16xf32, #tpu.memory_space<hbm>>
      tpu.wait_indirect_dma semaphore(%arg8 : memref<!tpu.dma_semaphore, #tpu.memory_space<semaphore_mem>>) src(%dma_wait3A_210 : memref<1000000x16xf32, #tpu.memory_space<hbm>>) dst(%dma_wait3A_204 : memref<128x16xf32, #tpu.memory_space<vmem>>)
      %dma_wait3A_211 = arith.constant 1 : i32
      %dma_wait3A_212 = arith.constant 1 : i32
      %dma_wait3A_213 = arith.constant 128 : i32
      %dma_wait3A_214 = arith.constant 0 : i32
      %dma_wait3A_215 = tpu.memref_slice %arg6[%select_n3A_165, %dma_wait3A_212, %dma_wait3A_213, %dma_wait3A_214] : memref<2x4x200x16xf32, #tpu.memory_space<vmem>> -> memref<1x1x72x16xf32, #tpu.memory_space<vmem>>
      %dma_wait3A_216 = tpu.memref_squeeze %dma_wait3A_215 : memref<1x1x72x16xf32, #tpu.memory_space<vmem>> -> memref<72x16xf32, #tpu.memory_space<vmem>>
      %dma_wait3A_217 = arith.constant 128 : i32
      %dma_wait3A_218 = tpu.memref_slice %arg5[%select_n3A_165, %dma_wait3A_211, %dma_wait3A_217] : memref<2x4x200xi32, #tpu.memory_space<vmem>> -> memref<1x1x72xi32, #tpu.memory_space<vmem>>
      %dma_wait3A_219 = tpu.memref_squeeze %dma_wait3A_218 : memref<1x1x72xi32, #tpu.memory_space<vmem>> -> memref<72xi32, #tpu.memory_space<vmem>>
      %dma_wait3A_220 = arith.constant 0 : i32
      %dma_wait3A_221 = arith.constant 0 : i32
      %dma_wait3A_222 = tpu.memref_slice %arg3[%dma_wait3A_220, %dma_wait3A_221] : memref<1000000x16xf32, #tpu.memory_space<hbm>> -> memref<1000000x16xf32, #tpu.memory_space<hbm>>
      tpu.wait_indirect_dma semaphore(%arg8 : memref<!tpu.dma_semaphore, #tpu.memory_space<semaphore_mem>>) src(%dma_wait3A_222 : memref<1000000x16xf32, #tpu.memory_space<hbm>>) dst(%dma_wait3A_216 : memref<72x16xf32, #tpu.memory_space<vmem>>)
      %dma_wait3A_223 = arith.constant 2 : i32
      %dma_wait3A_224 = arith.constant 2 : i32
      %dma_wait3A_225 = arith.constant 0 : i32
      %dma_wait3A_226 = arith.constant 0 : i32
      %dma_wait3A_227 = tpu.memref_slice %arg6[%select_n3A_165, %dma_wait3A_224, %dma_wait3A_225, %dma_wait3A_226] : memref<2x4x200x16xf32, #tpu.memory_space<vmem>> -> memref<1x1x128x16xf32, #tpu.memory_space<vmem>>
      %dma_wait3A_228 = tpu.memref_squeeze %dma_wait3A_227 : memref<1x1x128x16xf32, #tpu.memory_space<vmem>> -> memref<128x16xf32, #tpu.memory_space<vmem>>
      %dma_wait3A_229 = arith.constant 0 : i32
      %dma_wait3A_230 = tpu.memref_slice %arg5[%select_n3A_165, %dma_wait3A_223, %dma_wait3A_229] : memref<2x4x200xi32, #tpu.memory_space<vmem>> -> memref<1x1x128xi32, #tpu.memory_space<vmem>>
      %dma_wait3A_231 = tpu.memref_squeeze %dma_wait3A_230 : memref<1x1x128xi32, #tpu.memory_space<vmem>> -> memref<128xi32, #tpu.memory_space<vmem>>
      %dma_wait3A_232 = arith.constant 0 : i32
      %dma_wait3A_233 = arith.constant 0 : i32
      %dma_wait3A_234 = tpu.memref_slice %arg3[%dma_wait3A_232, %dma_wait3A_233] : memref<1000000x16xf32, #tpu.memory_space<hbm>> -> memref<1000000x16xf32, #tpu.memory_space<hbm>>
      tpu.wait_indirect_dma semaphore(%arg8 : memref<!tpu.dma_semaphore, #tpu.memory_space<semaphore_mem>>) src(%dma_wait3A_234 : memref<1000000x16xf32, #tpu.memory_space<hbm>>) dst(%dma_wait3A_228 : memref<128x16xf32, #tpu.memory_space<vmem>>)
      %dma_wait3A_235 = arith.constant 2 : i32
      %dma_wait3A_236 = arith.constant 2 : i32
      %dma_wait3A_237 = arith.constant 128 : i32
      %dma_wait3A_238 = arith.constant 0 : i32
      %dma_wait3A_239 = tpu.memref_slice %arg6[%select_n3A_165, %dma_wait3A_236, %dma_wait3A_237, %dma_wait3A_238] : memref<2x4x200x16xf32, #tpu.memory_space<vmem>> -> memref<1x1x72x16xf32, #tpu.memory_space<vmem>>
      %dma_wait3A_240 = tpu.memref_squeeze %dma_wait3A_239 : memref<1x1x72x16xf32, #tpu.memory_space<vmem>> -> memref<72x16xf32, #tpu.memory_space<vmem>>
      %dma_wait3A_241 = arith.constant 128 : i32
      %dma_wait3A_242 = tpu.memref_slice %arg5[%select_n3A_165, %dma_wait3A_235, %dma_wait3A_241] : memref<2x4x200xi32, #tpu.memory_space<vmem>> -> memref<1x1x72xi32, #tpu.memory_space<vmem>>
      %dma_wait3A_243 = tpu.memref_squeeze %dma_wait3A_242 : memref<1x1x72xi32, #tpu.memory_space<vmem>> -> memref<72xi32, #tpu.memory_space<vmem>>
      %dma_wait3A_244 = arith.constant 0 : i32
      %dma_wait3A_245 = arith.constant 0 : i32
      %dma_wait3A_246 = tpu.memref_slice %arg3[%dma_wait3A_244, %dma_wait3A_245] : memref<1000000x16xf32, #tpu.memory_space<hbm>> -> memref<1000000x16xf32, #tpu.memory_space<hbm>>
      tpu.wait_indirect_dma semaphore(%arg8 : memref<!tpu.dma_semaphore, #tpu.memory_space<semaphore_mem>>) src(%dma_wait3A_246 : memref<1000000x16xf32, #tpu.memory_space<hbm>>) dst(%dma_wait3A_240 : memref<72x16xf32, #tpu.memory_space<vmem>>)
      %dma_wait3A_247 = arith.constant 3 : i32
      %dma_wait3A_248 = arith.constant 3 : i32
      %dma_wait3A_249 = arith.constant 0 : i32
      %dma_wait3A_250 = arith.constant 0 : i32
      %dma_wait3A_251 = tpu.memref_slice %arg6[%select_n3A_165, %dma_wait3A_248, %dma_wait3A_249, %dma_wait3A_250] : memref<2x4x200x16xf32, #tpu.memory_space<vmem>> -> memref<1x1x128x16xf32, #tpu.memory_space<vmem>>
      %dma_wait3A_252 = tpu.memref_squeeze %dma_wait3A_251 : memref<1x1x128x16xf32, #tpu.memory_space<vmem>> -> memref<128x16xf32, #tpu.memory_space<vmem>>
      %dma_wait3A_253 = arith.constant 0 : i32
      %dma_wait3A_254 = tpu.memref_slice %arg5[%select_n3A_165, %dma_wait3A_247, %dma_wait3A_253] : memref<2x4x200xi32, #tpu.memory_space<vmem>> -> memref<1x1x128xi32, #tpu.memory_space<vmem>>
      %dma_wait3A_255 = tpu.memref_squeeze %dma_wait3A_254 : memref<1x1x128xi32, #tpu.memory_space<vmem>> -> memref<128xi32, #tpu.memory_space<vmem>>
      %dma_wait3A_256 = arith.constant 0 : i32
      %dma_wait3A_257 = arith.constant 0 : i32
      %dma_wait3A_258 = tpu.memref_slice %arg3[%dma_wait3A_256, %dma_wait3A_257] : memref<1000000x16xf32, #tpu.memory_space<hbm>> -> memref<1000000x16xf32, #tpu.memory_space<hbm>>
      tpu.wait_indirect_dma semaphore(%arg8 : memref<!tpu.dma_semaphore, #tpu.memory_space<semaphore_mem>>) src(%dma_wait3A_258 : memref<1000000x16xf32, #tpu.memory_space<hbm>>) dst(%dma_wait3A_252 : memref<128x16xf32, #tpu.memory_space<vmem>>)
      %dma_wait3A_259 = arith.constant 3 : i32
      %dma_wait3A_260 = arith.constant 3 : i32
      %dma_wait3A_261 = arith.constant 128 : i32
      %dma_wait3A_262 = arith.constant 0 : i32
      %dma_wait3A_263 = tpu.memref_slice %arg6[%select_n3A_165, %dma_wait3A_260, %dma_wait3A_261, %dma_wait3A_262] : memref<2x4x200x16xf32, #tpu.memory_space<vmem>> -> memref<1x1x72x16xf32, #tpu.memory_space<vmem>>
      %dma_wait3A_264 = tpu.memref_squeeze %dma_wait3A_263 : memref<1x1x72x16xf32, #tpu.memory_space<vmem>> -> memref<72x16xf32, #tpu.memory_space<vmem>>
      %dma_wait3A_265 = arith.constant 128 : i32
      %dma_wait3A_266 = tpu.memref_slice %arg5[%select_n3A_165, %dma_wait3A_259, %dma_wait3A_265] : memref<2x4x200xi32, #tpu.memory_space<vmem>> -> memref<1x1x72xi32, #tpu.memory_space<vmem>>
      %dma_wait3A_267 = tpu.memref_squeeze %dma_wait3A_266 : memref<1x1x72xi32, #tpu.memory_space<vmem>> -> memref<72xi32, #tpu.memory_space<vmem>>
      %dma_wait3A_268 = arith.constant 0 : i32
      %dma_wait3A_269 = arith.constant 0 : i32
      %dma_wait3A_270 = tpu.memref_slice %arg3[%dma_wait3A_268, %dma_wait3A_269] : memref<1000000x16xf32, #tpu.memory_space<hbm>> -> memref<1000000x16xf32, #tpu.memory_space<hbm>>
      tpu.wait_indirect_dma semaphore(%arg8 : memref<!tpu.dma_semaphore, #tpu.memory_space<semaphore_mem>>) src(%dma_wait3A_270 : memref<1000000x16xf32, #tpu.memory_space<hbm>>) dst(%dma_wait3A_264 : memref<72x16xf32, #tpu.memory_space<vmem>>)
      %dma_start3A_271 = arith.constant 0 : i32
      %dma_start3A_272 = arith.constant 0 : i32
      %dma_start3A_273 = arith.constant 0 : i32
      %dma_start3A_274 = tpu.memref_slice %arg6[%select_n3A_165, %dma_start3A_271, %dma_start3A_272, %dma_start3A_273] : memref<2x4x200x16xf32, #tpu.memory_space<vmem>> -> memref<1x4x200x16xf32, #tpu.memory_space<vmem>>
      %dma_start3A_275 = tpu.memref_squeeze %dma_start3A_274 : memref<1x4x200x16xf32, #tpu.memory_space<vmem>> -> memref<4x200x16xf32, #tpu.memory_space<vmem>>
      %dma_start3A_276 = arith.constant 0 : i32
      %dma_start3A_277 = arith.constant 0 : i32
      %dma_start3A_278 = tpu.memref_slice %arg4[%add3A_169, %dma_start3A_276, %dma_start3A_277] : memref<16384x200x16xf32, #tpu.memory_space<hbm>> -> memref<4x200x16xf32, #tpu.memory_space<hbm>>
      %dma_start3A_279 = arith.constant 0 : i32
      %dma_start3A_280 = arith.constant 0 : i32
      %dma_start3A_281 = tpu.memref_slice %arg4[%add3A_169, %dma_start3A_279, %dma_start3A_280] : memref<16384x200x16xf32, #tpu.memory_space<hbm>> -> memref<4x200x16xf32, #tpu.memory_space<hbm>>
      %dma_start3A_282 = arith.constant 0 : i32
      %dma_start3A_283 = arith.constant 0 : i32
      %dma_start3A_284 = arith.constant 0 : i32
      %dma_start3A_285 = tpu.memref_slice %arg6[%select_n3A_165, %dma_start3A_282, %dma_start3A_283, %dma_start3A_284] : memref<2x4x200x16xf32, #tpu.memory_space<vmem>> -> memref<1x4x200x16xf32, #tpu.memory_space<vmem>>
      %dma_start3A_286 = tpu.memref_squeeze %dma_start3A_285 : memref<1x4x200x16xf32, #tpu.memory_space<vmem>> -> memref<4x200x16xf32, #tpu.memory_space<vmem>>
      tpu.enqueue_dma source(%dma_start3A_286 : memref<4x200x16xf32, #tpu.memory_space<vmem>>) target(%dma_start3A_281 : memref<4x200x16xf32, #tpu.memory_space<hbm>>) target_semaphore(%arg9 : memref<!tpu.dma_semaphore, #tpu.memory_space<semaphore_mem>>)
      %gt3A = arith.constant 0 : i32
      %gt3A_287 = arith.cmpi sgt, %scan3A_156, %gt3A : i32
      %and3A_288 = arith.andi %lt3A_173, %gt3A_287 : i1
      %convert_element_type3A_289 = arith.extui %and3A_288 : i1 to i32
      %cond3A_290 = arith.constant 0 : i32
      %cond3A_291 = arith.cmpi ne, %convert_element_type3A_289, %cond3A_290 : i32
      scf.if %cond3A_291 {
        %sub3A_295 = arith.constant 4 : i32
        %sub3A_296 = arith.subi %add3A_169, %sub3A_295 : i32
        %dma_wait3A_297 = arith.constant 0 : i32
        %dma_wait3A_298 = arith.constant 0 : i32
        %dma_wait3A_299 = arith.constant 0 : i32
        %dma_wait3A_300 = tpu.memref_slice %arg6[%sub3A_166, %dma_wait3A_297, %dma_wait3A_298, %dma_wait3A_299] : memref<2x4x200x16xf32, #tpu.memory_space<vmem>> -> memref<1x4x200x16xf32, #tpu.memory_space<vmem>>
        %dma_wait3A_301 = tpu.memref_squeeze %dma_wait3A_300 : memref<1x4x200x16xf32, #tpu.memory_space<vmem>> -> memref<4x200x16xf32, #tpu.memory_space<vmem>>
        %dma_wait3A_302 = arith.constant 0 : i32
        %dma_wait3A_303 = arith.constant 0 : i32
        %dma_wait3A_304 = tpu.memref_slice %arg4[%sub3A_296, %dma_wait3A_302, %dma_wait3A_303] : memref<16384x200x16xf32, #tpu.memory_space<hbm>> -> memref<4x200x16xf32, #tpu.memory_space<hbm>>
        %dma_wait3A_305 = arith.constant 0 : i32
        %dma_wait3A_306 = arith.constant 0 : i32
        %dma_wait3A_307 = tpu.memref_slice %arg4[%sub3A_296, %dma_wait3A_305, %dma_wait3A_306] : memref<16384x200x16xf32, #tpu.memory_space<hbm>> -> memref<4x200x16xf32, #tpu.memory_space<hbm>>
        %dma_wait3A_308 = arith.constant 0 : i32
        %dma_wait3A_309 = arith.constant 0 : i32
        %dma_wait3A_310 = arith.constant 0 : i32
        %dma_wait3A_311 = tpu.memref_slice %arg6[%sub3A_166, %dma_wait3A_308, %dma_wait3A_309, %dma_wait3A_310] : memref<2x4x200x16xf32, #tpu.memory_space<vmem>> -> memref<1x4x200x16xf32, #tpu.memory_space<vmem>>
        %dma_wait3A_312 = tpu.memref_squeeze %dma_wait3A_311 : memref<1x4x200x16xf32, #tpu.memory_space<vmem>> -> memref<4x200x16xf32, #tpu.memory_space<vmem>>
        tpu.wait_dma2 semaphore(%arg9 : memref<!tpu.dma_semaphore, #tpu.memory_space<semaphore_mem>>) src(%dma_wait3A_312 : memref<4x200x16xf32, #tpu.memory_space<vmem>>) dst(%dma_wait3A_307 : memref<4x200x16xf32, #tpu.memory_space<hbm>>)
      } else {
      }
      %convert_element_type3A_292 = arith.extui %lt3A_173 : i1 to i32
      %cond3A_293 = arith.constant 0 : i32
      %cond3A_294 = arith.cmpi ne, %convert_element_type3A_292, %cond3A_293 : i32
      scf.if %cond3A_294 {
        %add3A_295 = arith.constant 4 : i32
        %add3A_296 = arith.addi %add3A_169, %add3A_295 : i32
        %dma_wait3A_297 = arith.constant 0 : i32
        %dma_wait3A_298 = arith.constant 0 : i32
        %dma_wait3A_299 = tpu.memref_slice %arg5[%sub3A_166, %dma_wait3A_297, %dma_wait3A_298] : memref<2x4x200xi32, #tpu.memory_space<vmem>> -> memref<1x4x200xi32, #tpu.memory_space<vmem>>
        %dma_wait3A_300 = tpu.memref_squeeze %dma_wait3A_299 : memref<1x4x200xi32, #tpu.memory_space<vmem>> -> memref<4x200xi32, #tpu.memory_space<vmem>>
        %dma_wait3A_301 = arith.constant 0 : i32
        %dma_wait3A_302 = tpu.memref_slice %arg2[%add3A_296, %dma_wait3A_301] : memref<16384x200xi32, #tpu.memory_space<hbm>> -> memref<4x200xi32, #tpu.memory_space<hbm>>
        %dma_wait3A_303 = arith.constant 0 : i32
        %dma_wait3A_304 = arith.constant 0 : i32
        %dma_wait3A_305 = tpu.memref_slice %arg5[%sub3A_166, %dma_wait3A_303, %dma_wait3A_304] : memref<2x4x200xi32, #tpu.memory_space<vmem>> -> memref<1x4x200xi32, #tpu.memory_space<vmem>>
        %dma_wait3A_306 = tpu.memref_squeeze %dma_wait3A_305 : memref<1x4x200xi32, #tpu.memory_space<vmem>> -> memref<4x200xi32, #tpu.memory_space<vmem>>
        %dma_wait3A_307 = arith.constant 0 : i32
        %dma_wait3A_308 = tpu.memref_slice %arg2[%add3A_296, %dma_wait3A_307] : memref<16384x200xi32, #tpu.memory_space<hbm>> -> memref<4x200xi32, #tpu.memory_space<hbm>>
        tpu.wait_dma2 semaphore(%arg7 : memref<!tpu.dma_semaphore, #tpu.memory_space<semaphore_mem>>) src(%dma_wait3A_308 : memref<4x200xi32, #tpu.memory_space<hbm>>) dst(%dma_wait3A_306 : memref<4x200xi32, #tpu.memory_space<vmem>>)
        %dma_start3A_309 = arith.constant 0 : i32
        %dma_start3A_310 = arith.constant 0 : i32
        %dma_start3A_311 = arith.constant 0 : i32
        %dma_start3A_312 = arith.constant 0 : i32
        %dma_start3A_313 = tpu.memref_slice %arg6[%sub3A_166, %dma_start3A_310, %dma_start3A_311, %dma_start3A_312] : memref<2x4x200x16xf32, #tpu.memory_space<vmem>> -> memref<1x1x128x16xf32, #tpu.memory_space<vmem>>
        %dma_start3A_314 = tpu.memref_squeeze %dma_start3A_313 : memref<1x1x128x16xf32, #tpu.memory_space<vmem>> -> memref<128x16xf32, #tpu.memory_space<vmem>>
        %dma_start3A_315 = arith.constant 0 : i32
        %dma_start3A_316 = tpu.memref_slice %arg5[%sub3A_166, %dma_start3A_309, %dma_start3A_315] : memref<2x4x200xi32, #tpu.memory_space<vmem>> -> memref<1x1x128xi32, #tpu.memory_space<vmem>>
        %dma_start3A_317 = tpu.memref_squeeze %dma_start3A_316 : memref<1x1x128xi32, #tpu.memory_space<vmem>> -> memref<128xi32, #tpu.memory_space<vmem>>
        %dma_start3A_318 = arith.constant 0 : i32
        %dma_start3A_319 = arith.constant 0 : i32
        %dma_start3A_320 = tpu.memref_slice %arg3[%dma_start3A_318, %dma_start3A_319] : memref<1000000x16xf32, #tpu.memory_space<hbm>> -> memref<1000000x16xf32, #tpu.memory_space<hbm>>
        tpu.enqueue_indirect_dma source(%dma_start3A_320 : memref<1000000x16xf32, #tpu.memory_space<hbm>>) target(%dma_start3A_314 : memref<128x16xf32, #tpu.memory_space<vmem>>) offsets(%dma_start3A_317 : memref<128xi32, #tpu.memory_space<vmem>>) semaphore(%arg8 : memref<!tpu.dma_semaphore, #tpu.memory_space<semaphore_mem>>)
        %dma_start3A_321 = arith.constant 0 : i32
        %dma_start3A_322 = arith.constant 0 : i32
        %dma_start3A_323 = arith.constant 128 : i32
        %dma_start3A_324 = arith.constant 0 : i32
        %dma_start3A_325 = tpu.memref_slice %arg6[%sub3A_166, %dma_start3A_322, %dma_start3A_323, %dma_start3A_324] : memref<2x4x200x16xf32, #tpu.memory_space<vmem>> -> memref<1x1x72x16xf32, #tpu.memory_space<vmem>>
        %dma_start3A_326 = tpu.memref_squeeze %dma_start3A_325 : memref<1x1x72x16xf32, #tpu.memory_space<vmem>> -> memref<72x16xf32, #tpu.memory_space<vmem>>
        %dma_start3A_327 = arith.constant 128 : i32
        %dma_start3A_328 = tpu.memref_slice %arg5[%sub3A_166, %dma_start3A_321, %dma_start3A_327] : memref<2x4x200xi32, #tpu.memory_space<vmem>> -> memref<1x1x72xi32, #tpu.memory_space<vmem>>
        %dma_start3A_329 = tpu.memref_squeeze %dma_start3A_328 : memref<1x1x72xi32, #tpu.memory_space<vmem>> -> memref<72xi32, #tpu.memory_space<vmem>>
        %dma_start3A_330 = arith.constant 0 : i32
        %dma_start3A_331 = arith.constant 0 : i32
        %dma_start3A_332 = tpu.memref_slice %arg3[%dma_start3A_330, %dma_start3A_331] : memref<1000000x16xf32, #tpu.memory_space<hbm>> -> memref<1000000x16xf32, #tpu.memory_space<hbm>>
        tpu.enqueue_indirect_dma source(%dma_start3A_332 : memref<1000000x16xf32, #tpu.memory_space<hbm>>) target(%dma_start3A_326 : memref<72x16xf32, #tpu.memory_space<vmem>>) offsets(%dma_start3A_329 : memref<72xi32, #tpu.memory_space<vmem>>) semaphore(%arg8 : memref<!tpu.dma_semaphore, #tpu.memory_space<semaphore_mem>>)
        %dma_start3A_333 = arith.constant 1 : i32
        %dma_start3A_334 = arith.constant 1 : i32
        %dma_start3A_335 = arith.constant 0 : i32
        %dma_start3A_336 = arith.constant 0 : i32
        %dma_start3A_337 = tpu.memref_slice %arg6[%sub3A_166, %dma_start3A_334, %dma_start3A_335, %dma_start3A_336] : memref<2x4x200x16xf32, #tpu.memory_space<vmem>> -> memref<1x1x128x16xf32, #tpu.memory_space<vmem>>
        %dma_start3A_338 = tpu.memref_squeeze %dma_start3A_337 : memref<1x1x128x16xf32, #tpu.memory_space<vmem>> -> memref<128x16xf32, #tpu.memory_space<vmem>>
        %dma_start3A_339 = arith.constant 0 : i32
        %dma_start3A_340 = tpu.memref_slice %arg5[%sub3A_166, %dma_start3A_333, %dma_start3A_339] : memref<2x4x200xi32, #tpu.memory_space<vmem>> -> memref<1x1x128xi32, #tpu.memory_space<vmem>>
        %dma_start3A_341 = tpu.memref_squeeze %dma_start3A_340 : memref<1x1x128xi32, #tpu.memory_space<vmem>> -> memref<128xi32, #tpu.memory_space<vmem>>
        %dma_start3A_342 = arith.constant 0 : i32
        %dma_start3A_343 = arith.constant 0 : i32
        %dma_start3A_344 = tpu.memref_slice %arg3[%dma_start3A_342, %dma_start3A_343] : memref<1000000x16xf32, #tpu.memory_space<hbm>> -> memref<1000000x16xf32, #tpu.memory_space<hbm>>
        tpu.enqueue_indirect_dma source(%dma_start3A_344 : memref<1000000x16xf32, #tpu.memory_space<hbm>>) target(%dma_start3A_338 : memref<128x16xf32, #tpu.memory_space<vmem>>) offsets(%dma_start3A_341 : memref<128xi32, #tpu.memory_space<vmem>>) semaphore(%arg8 : memref<!tpu.dma_semaphore, #tpu.memory_space<semaphore_mem>>)
        %dma_start3A_345 = arith.constant 1 : i32
        %dma_start3A_346 = arith.constant 1 : i32
        %dma_start3A_347 = arith.constant 128 : i32
        %dma_start3A_348 = arith.constant 0 : i32
        %dma_start3A_349 = tpu.memref_slice %arg6[%sub3A_166, %dma_start3A_346, %dma_start3A_347, %dma_start3A_348] : memref<2x4x200x16xf32, #tpu.memory_space<vmem>> -> memref<1x1x72x16xf32, #tpu.memory_space<vmem>>
        %dma_start3A_350 = tpu.memref_squeeze %dma_start3A_349 : memref<1x1x72x16xf32, #tpu.memory_space<vmem>> -> memref<72x16xf32, #tpu.memory_space<vmem>>
        %dma_start3A_351 = arith.constant 128 : i32
        %dma_start3A_352 = tpu.memref_slice %arg5[%sub3A_166, %dma_start3A_345, %dma_start3A_351] : memref<2x4x200xi32, #tpu.memory_space<vmem>> -> memref<1x1x72xi32, #tpu.memory_space<vmem>>
        %dma_start3A_353 = tpu.memref_squeeze %dma_start3A_352 : memref<1x1x72xi32, #tpu.memory_space<vmem>> -> memref<72xi32, #tpu.memory_space<vmem>>
        %dma_start3A_354 = arith.constant 0 : i32
        %dma_start3A_355 = arith.constant 0 : i32
        %dma_start3A_356 = tpu.memref_slice %arg3[%dma_start3A_354, %dma_start3A_355] : memref<1000000x16xf32, #tpu.memory_space<hbm>> -> memref<1000000x16xf32, #tpu.memory_space<hbm>>
        tpu.enqueue_indirect_dma source(%dma_start3A_356 : memref<1000000x16xf32, #tpu.memory_space<hbm>>) target(%dma_start3A_350 : memref<72x16xf32, #tpu.memory_space<vmem>>) offsets(%dma_start3A_353 : memref<72xi32, #tpu.memory_space<vmem>>) semaphore(%arg8 : memref<!tpu.dma_semaphore, #tpu.memory_space<semaphore_mem>>)
        %dma_start3A_357 = arith.constant 2 : i32
        %dma_start3A_358 = arith.constant 2 : i32
        %dma_start3A_359 = arith.constant 0 : i32
        %dma_start3A_360 = arith.constant 0 : i32
        %dma_start3A_361 = tpu.memref_slice %arg6[%sub3A_166, %dma_start3A_358, %dma_start3A_359, %dma_start3A_360] : memref<2x4x200x16xf32, #tpu.memory_space<vmem>> -> memref<1x1x128x16xf32, #tpu.memory_space<vmem>>
        %dma_start3A_362 = tpu.memref_squeeze %dma_start3A_361 : memref<1x1x128x16xf32, #tpu.memory_space<vmem>> -> memref<128x16xf32, #tpu.memory_space<vmem>>
        %dma_start3A_363 = arith.constant 0 : i32
        %dma_start3A_364 = tpu.memref_slice %arg5[%sub3A_166, %dma_start3A_357, %dma_start3A_363] : memref<2x4x200xi32, #tpu.memory_space<vmem>> -> memref<1x1x128xi32, #tpu.memory_space<vmem>>
        %dma_start3A_365 = tpu.memref_squeeze %dma_start3A_364 : memref<1x1x128xi32, #tpu.memory_space<vmem>> -> memref<128xi32, #tpu.memory_space<vmem>>
        %dma_start3A_366 = arith.constant 0 : i32
        %dma_start3A_367 = arith.constant 0 : i32
        %dma_start3A_368 = tpu.memref_slice %arg3[%dma_start3A_366, %dma_start3A_367] : memref<1000000x16xf32, #tpu.memory_space<hbm>> -> memref<1000000x16xf32, #tpu.memory_space<hbm>>
        tpu.enqueue_indirect_dma source(%dma_start3A_368 : memref<1000000x16xf32, #tpu.memory_space<hbm>>) target(%dma_start3A_362 : memref<128x16xf32, #tpu.memory_space<vmem>>) offsets(%dma_start3A_365 : memref<128xi32, #tpu.memory_space<vmem>>) semaphore(%arg8 : memref<!tpu.dma_semaphore, #tpu.memory_space<semaphore_mem>>)
        %dma_start3A_369 = arith.constant 2 : i32
        %dma_start3A_370 = arith.constant 2 : i32
        %dma_start3A_371 = arith.constant 128 : i32
        %dma_start3A_372 = arith.constant 0 : i32
        %dma_start3A_373 = tpu.memref_slice %arg6[%sub3A_166, %dma_start3A_370, %dma_start3A_371, %dma_start3A_372] : memref<2x4x200x16xf32, #tpu.memory_space<vmem>> -> memref<1x1x72x16xf32, #tpu.memory_space<vmem>>
        %dma_start3A_374 = tpu.memref_squeeze %dma_start3A_373 : memref<1x1x72x16xf32, #tpu.memory_space<vmem>> -> memref<72x16xf32, #tpu.memory_space<vmem>>
        %dma_start3A_375 = arith.constant 128 : i32
        %dma_start3A_376 = tpu.memref_slice %arg5[%sub3A_166, %dma_start3A_369, %dma_start3A_375] : memref<2x4x200xi32, #tpu.memory_space<vmem>> -> memref<1x1x72xi32, #tpu.memory_space<vmem>>
        %dma_start3A_377 = tpu.memref_squeeze %dma_start3A_376 : memref<1x1x72xi32, #tpu.memory_space<vmem>> -> memref<72xi32, #tpu.memory_space<vmem>>
        %dma_start3A_378 = arith.constant 0 : i32
        %dma_start3A_379 = arith.constant 0 : i32
        %dma_start3A_380 = tpu.memref_slice %arg3[%dma_start3A_378, %dma_start3A_379] : memref<1000000x16xf32, #tpu.memory_space<hbm>> -> memref<1000000x16xf32, #tpu.memory_space<hbm>>
        tpu.enqueue_indirect_dma source(%dma_start3A_380 : memref<1000000x16xf32, #tpu.memory_space<hbm>>) target(%dma_start3A_374 : memref<72x16xf32, #tpu.memory_space<vmem>>) offsets(%dma_start3A_377 : memref<72xi32, #tpu.memory_space<vmem>>) semaphore(%arg8 : memref<!tpu.dma_semaphore, #tpu.memory_space<semaphore_mem>>)
        %dma_start3A_381 = arith.constant 3 : i32
        %dma_start3A_382 = arith.constant 3 : i32
        %dma_start3A_383 = arith.constant 0 : i32
        %dma_start3A_384 = arith.constant 0 : i32
        %dma_start3A_385 = tpu.memref_slice %arg6[%sub3A_166, %dma_start3A_382, %dma_start3A_383, %dma_start3A_384] : memref<2x4x200x16xf32, #tpu.memory_space<vmem>> -> memref<1x1x128x16xf32, #tpu.memory_space<vmem>>
        %dma_start3A_386 = tpu.memref_squeeze %dma_start3A_385 : memref<1x1x128x16xf32, #tpu.memory_space<vmem>> -> memref<128x16xf32, #tpu.memory_space<vmem>>
        %dma_start3A_387 = arith.constant 0 : i32
        %dma_start3A_388 = tpu.memref_slice %arg5[%sub3A_166, %dma_start3A_381, %dma_start3A_387] : memref<2x4x200xi32, #tpu.memory_space<vmem>> -> memref<1x1x128xi32, #tpu.memory_space<vmem>>
        %dma_start3A_389 = tpu.memref_squeeze %dma_start3A_388 : memref<1x1x128xi32, #tpu.memory_space<vmem>> -> memref<128xi32, #tpu.memory_space<vmem>>
        %dma_start3A_390 = arith.constant 0 : i32
        %dma_start3A_391 = arith.constant 0 : i32
        %dma_start3A_392 = tpu.memref_slice %arg3[%dma_start3A_390, %dma_start3A_391] : memref<1000000x16xf32, #tpu.memory_space<hbm>> -> memref<1000000x16xf32, #tpu.memory_space<hbm>>
        tpu.enqueue_indirect_dma source(%dma_start3A_392 : memref<1000000x16xf32, #tpu.memory_space<hbm>>) target(%dma_start3A_386 : memref<128x16xf32, #tpu.memory_space<vmem>>) offsets(%dma_start3A_389 : memref<128xi32, #tpu.memory_space<vmem>>) semaphore(%arg8 : memref<!tpu.dma_semaphore, #tpu.memory_space<semaphore_mem>>)
        %dma_start3A_393 = arith.constant 3 : i32
        %dma_start3A_394 = arith.constant 3 : i32
        %dma_start3A_395 = arith.constant 128 : i32
        %dma_start3A_396 = arith.constant 0 : i32
        %dma_start3A_397 = tpu.memref_slice %arg6[%sub3A_166, %dma_start3A_394, %dma_start3A_395, %dma_start3A_396] : memref<2x4x200x16xf32, #tpu.memory_space<vmem>> -> memref<1x1x72x16xf32, #tpu.memory_space<vmem>>
        %dma_start3A_398 = tpu.memref_squeeze %dma_start3A_397 : memref<1x1x72x16xf32, #tpu.memory_space<vmem>> -> memref<72x16xf32, #tpu.memory_space<vmem>>
        %dma_start3A_399 = arith.constant 128 : i32
        %dma_start3A_400 = tpu.memref_slice %arg5[%sub3A_166, %dma_start3A_393, %dma_start3A_399] : memref<2x4x200xi32, #tpu.memory_space<vmem>> -> memref<1x1x72xi32, #tpu.memory_space<vmem>>
        %dma_start3A_401 = tpu.memref_squeeze %dma_start3A_400 : memref<1x1x72xi32, #tpu.memory_space<vmem>> -> memref<72xi32, #tpu.memory_space<vmem>>
        %dma_start3A_402 = arith.constant 0 : i32
        %dma_start3A_403 = arith.constant 0 : i32
        %dma_start3A_404 = tpu.memref_slice %arg3[%dma_start3A_402, %dma_start3A_403] : memref<1000000x16xf32, #tpu.memory_space<hbm>> -> memref<1000000x16xf32, #tpu.memory_space<hbm>>
        tpu.enqueue_indirect_dma source(%dma_start3A_404 : memref<1000000x16xf32, #tpu.memory_space<hbm>>) target(%dma_start3A_398 : memref<72x16xf32, #tpu.memory_space<vmem>>) offsets(%dma_start3A_401 : memref<72xi32, #tpu.memory_space<vmem>>) semaphore(%arg8 : memref<!tpu.dma_semaphore, #tpu.memory_space<semaphore_mem>>)
      } else {
      }
    }
    %scan3A_118 = arith.constant 128 : i32
    %add3A_119 = arith.constant 504 : i32
    %add3A_120 = arith.addi %mul3A_2, %add3A_119 : i32
    %dma_wait3A = arith.constant 0 : i32
    %dma_wait3A_121 = arith.constant 0 : i32
    %dma_wait3A_122 = arith.constant 0 : i32
    %dma_wait3A_123 = arith.constant 0 : i32
    %dma_wait3A_124 = tpu.memref_slice %arg6[%dma_wait3A, %dma_wait3A_121, %dma_wait3A_122, %dma_wait3A_123] : memref<2x4x200x16xf32, #tpu.memory_space<vmem>> -> memref<1x4x200x16xf32, #tpu.memory_space<vmem>>
    %dma_wait3A_125 = tpu.memref_squeeze %dma_wait3A_124 : memref<1x4x200x16xf32, #tpu.memory_space<vmem>> -> memref<4x200x16xf32, #tpu.memory_space<vmem>>
    %dma_wait3A_126 = arith.constant 0 : i32
    %dma_wait3A_127 = arith.constant 0 : i32
    %dma_wait3A_128 = tpu.memref_slice %arg4[%add3A_120, %dma_wait3A_126, %dma_wait3A_127] : memref<16384x200x16xf32, #tpu.memory_space<hbm>> -> memref<4x200x16xf32, #tpu.memory_space<hbm>>
    %dma_wait3A_129 = arith.constant 0 : i32
    %dma_wait3A_130 = arith.constant 0 : i32
    %dma_wait3A_131 = tpu.memref_slice %arg4[%add3A_120, %dma_wait3A_129, %dma_wait3A_130] : memref<16384x200x16xf32, #tpu.memory_space<hbm>> -> memref<4x200x16xf32, #tpu.memory_space<hbm>>
    %dma_wait3A_132 = arith.constant 0 : i32
    %dma_wait3A_133 = arith.constant 0 : i32
    %dma_wait3A_134 = arith.constant 0 : i32
    %dma_wait3A_135 = tpu.memref_slice %arg6[%dma_wait3A, %dma_wait3A_132, %dma_wait3A_133, %dma_wait3A_134] : memref<2x4x200x16xf32, #tpu.memory_space<vmem>> -> memref<1x4x200x16xf32, #tpu.memory_space<vmem>>
    %dma_wait3A_136 = tpu.memref_squeeze %dma_wait3A_135 : memref<1x4x200x16xf32, #tpu.memory_space<vmem>> -> memref<4x200x16xf32, #tpu.memory_space<vmem>>
    tpu.wait_dma2 semaphore(%arg9 : memref<!tpu.dma_semaphore, #tpu.memory_space<semaphore_mem>>) src(%dma_wait3A_136 : memref<4x200x16xf32, #tpu.memory_space<vmem>>) dst(%dma_wait3A_131 : memref<4x200x16xf32, #tpu.memory_space<hbm>>)
    %add3A_137 = arith.constant 508 : i32
    %add3A_138 = arith.addi %mul3A_2, %add3A_137 : i32
    %dma_wait3A_139 = arith.constant 1 : i32
    %dma_wait3A_140 = arith.constant 0 : i32
    %dma_wait3A_141 = arith.constant 0 : i32
    %dma_wait3A_142 = arith.constant 0 : i32
    %dma_wait3A_143 = tpu.memref_slice %arg6[%dma_wait3A_139, %dma_wait3A_140, %dma_wait3A_141, %dma_wait3A_142] : memref<2x4x200x16xf32, #tpu.memory_space<vmem>> -> memref<1x4x200x16xf32, #tpu.memory_space<vmem>>
    %dma_wait3A_144 = tpu.memref_squeeze %dma_wait3A_143 : memref<1x4x200x16xf32, #tpu.memory_space<vmem>> -> memref<4x200x16xf32, #tpu.memory_space<vmem>>
    %dma_wait3A_145 = arith.constant 0 : i32
    %dma_wait3A_146 = arith.constant 0 : i32
    %dma_wait3A_147 = tpu.memref_slice %arg4[%add3A_138, %dma_wait3A_145, %dma_wait3A_146] : memref<16384x200x16xf32, #tpu.memory_space<hbm>> -> memref<4x200x16xf32, #tpu.memory_space<hbm>>
    %dma_wait3A_148 = arith.constant 0 : i32
    %dma_wait3A_149 = arith.constant 0 : i32
    %dma_wait3A_150 = tpu.memref_slice %arg4[%add3A_138, %dma_wait3A_148, %dma_wait3A_149] : memref<16384x200x16xf32, #tpu.memory_space<hbm>> -> memref<4x200x16xf32, #tpu.memory_space<hbm>>
    %dma_wait3A_151 = arith.constant 0 : i32
    %dma_wait3A_152 = arith.constant 0 : i32
    %dma_wait3A_153 = arith.constant 0 : i32
    %dma_wait3A_154 = tpu.memref_slice %arg6[%dma_wait3A_139, %dma_wait3A_151, %dma_wait3A_152, %dma_wait3A_153] : memref<2x4x200x16xf32, #tpu.memory_space<vmem>> -> memref<1x4x200x16xf32, #tpu.memory_space<vmem>>
    %dma_wait3A_155 = tpu.memref_squeeze %dma_wait3A_154 : memref<1x4x200x16xf32, #tpu.memory_space<vmem>> -> memref<4x200x16xf32, #tpu.memory_space<vmem>>
    tpu.wait_dma2 semaphore(%arg9 : memref<!tpu.dma_semaphore, #tpu.memory_space<semaphore_mem>>) src(%dma_wait3A_155 : memref<4x200x16xf32, #tpu.memory_space<vmem>>) dst(%dma_wait3A_150 : memref<4x200x16xf32, #tpu.memory_space<hbm>>)
    return
  }
}

</mosaic_0001>

<sc_bundles>
// kernel: kernel.4.cloned.1.call-start
scs
__scs_entry_jumppad:
0x0: {  	(pc) =	sbr.rel $0x88, $3  }
0x1: {  	(tag) =	ssettag $0x0;
	lr =	simm.s32 $0x1  }
0x2: {  	[smem:$0x3F9E] =	sst lr;
	_ =	strace $0xD0000000  }
0x3: {  	_ = 	snop  }
0x4: {  	_ = 	snop  }
0x5: {  	_ = 	snop  }
0x6: {  	_ = 	snop  }
0x7: {  	_ = 	snop  }
__scs_overlays_trampoline_lowered:
0x8: {  	[smem:$0x3FAD] =	sst s0  }
0x9: {  	[smem:$0x3FAE] =	sst s1  }
0xa: {  	[smem:$0x3FAF] =	sst s2  }
0xb: {  	[smem:$0x3FB0] =	sst s3  }
0xc: {  	[smem:$0x3FB1] =	sst s4  }
0xd: {  	[smem:$0x3FB2] =	sst s5  }
0xe: {  	[smem:$0x3FB3] =	sst s6  }
0xf: {  	[smem:$0x3FB4] =	sst s7  }
0x10: {  	[smem:$0x3FB5] =	sst s8  }
0x11: {  	[smem:$0x3FB6] =	sst s9;
	s0 =	simm.s32 @!p0 $0x0  }
0x12: {  	s1 =	sld [smem:$0x3F9C];
	s0 =	simm.s32 @p0 $0x1  }
0x13: {  	[smem:$0x3FB7] =	sst s0;
	s0 =	simm.s32 @!p1 $0x0  }
0x14: {  	s2 =	sld [smem:$0x3F9B];
	s0 =	simm.s32 @p1 $0x1  }
0x15: {  	[smem:$0x3FB8] =	sst s0;
	s0 =	simm.s32 @!p2 $0x0  }
0x16: {  	s3 =	sld [smem:$0x3FDB];
	s0 =	simm.s32 @p2 $0x1  }
0x17: {  	s4 =	simm.s32 $0x1BF5;
	[smem:$0x3FBA] =	sst s0  }
0x18: {  	s0 =	sld [smem:$0x3F9D];
	_ =	swait.ge [sflag:s4], $0x0  }
0x19: {  	s7 =	sld [smem:$0x3F9E]  }
0x1a: {  	s8 =	sadd.s32 $0xFFFFE003, lr  }
0x1b: {  	s9 =	sadd.s32 $0xFFFFFEF7, lr;
	s5 =	simm.s32 $0xFFFFFFFF;
	p2 =	slt.u32 s8, $0xFFFFF086  }
0x1c: {  	p1 =	slt.u32 s9, $0xF7A;
	s5 =	simm.s32 @!p2 $0x0  }
0x1d: {  	s5 =	simm.s32 @p1 $0x1;
	p0 =	seq.s32 s7, s2  }
0x1e: {  	s7 =	smul.u32 @!p0 $0xF7A, s2;
	p2 =	seq.s32 @!p0 s5, $0x0  }
0x1f: {  	s9 =	smul.u32 $0xF7A, s1;
	s8 =	simm.s32 @!p0 $0x1BF5;
	p2 =	por !p2, p0  }
0x20: {  	[sflag:s8] =	ssyncset.s32 @!p0 $0xFFFFF086;
	s6 =	sadd.s32 @!p0 s3, s7;
	s7 =	simm.s32 @!p0 $0x108  }
0x21: {  	s3 =	sadd.s32 s3, s9;
	s6 =	sadd.s32 @!p0 $0x88, s6;
	s7 =	simm.s32 @p2 $0x1082  }
0x22: {  	[simem:s7], [sflag:s8] =	dma.local @!p0 [hbm:s6], $0xF7A  }
0x23: {  	s9 =	sor.u32 $0xD0000000, s2;
	s6 =	simm.s32 $0x108;
	_ =	swait.ge @!p0 [sflag:s8], $0x0  }
0x24: {  	s3 =	sadd.s32 $0x88, s3;
	s6 =	simm.s32 @!p1 $0x1082;
	[sflag:s4] =	ssyncset.s32 $0xFFFFF086  }
0x25: {  	[simem:s6], [sflag:s4] =	dma.local [hbm:s3], $0xF7A  }
0x26: {  	[smem:$0x3F9E] =	sst s1;
	(tag) =	ssettag s2;
	_ =	strace s9  }
0x27: {  	s1 =	sld [smem:$0x3FAE]  }
0x28: {  	s2 =	sld [smem:$0x3FAF]  }
0x29: {  	s4 =	sld [smem:$0x3FB1]  }
0x2a: {  	p0 =	seq.s32 s5, $0x0;
	s5 =	sld [smem:$0x3FB2]  }
0x2b: {  	s6 =	sld [smem:$0x3FB3]  }
0x2c: {  	s7 =	sld [smem:$0x3FB4]  }
0x2d: {  	s3 =	simm.s32 $0x108;
	s8 =	sld [smem:$0x3FB5]  }
0x2e: {  	s3 =	simm.s32 @!p0 $0x1082;
	s9 =	sld [smem:$0x3FB6]  }
0x2f: {  	lr =	sadd.s32 s0, s3;
	s0 =	sld [smem:$0x3FAD]  }
0x30: {  	s3 =	sld [smem:$0x3FB0]  }
0x31: {  	[smem:$0x3FB9] =	sst s10  }
0x32: {  	s10 =	sld [smem:$0x3FB7];
	_ =	sdelay $0x3  }
0x33: {  	p0 =	seq.s32 s10, $0x1;
	s10 =	sld [smem:$0x3FB9];
	_ =	sdelay $0x3  }
0x34: {  	[smem:$0x3FB9] =	sst s10  }
0x35: {  	s10 =	sld [smem:$0x3FB8];
	_ =	sdelay $0x3  }
0x36: {  	p1 =	seq.s32 s10, $0x1;
	s10 =	sld [smem:$0x3FB9];
	_ =	sdelay $0x3  }
0x37: {  	[smem:$0x3FB9] =	sst s10  }
0x38: {  	s10 =	sld [smem:$0x3FBA]  }
0x39: {  	_ = 	snop;
	(pc) =	sbr.ind lr, $3  }
0x3a: {  	_ = 	snop  }
0x3b: {  	_ = 	snop  }
0x3c: {  	p2 =	seq.s32 s10, $0x1;
	s10 =	sld [smem:$0x3FB9]  }
0x3d: {  	_ =	shalt  }
0x3e: {  	_ =	shalt  }
0x3f: {  	_ =	shalt  }
0x40: {  	_ =	shalt  }
0x41: {  	_ =	shalt  }
0x42: {  	_ =	shalt  }
0x43: {  	_ =	shalt  }
0x44: {  	_ =	shalt  }
0x45: {  	_ =	shalt  }
0x46: {  	_ =	shalt  }
0x47: {  	_ =	shalt  }
0x48: {  	_ =	shalt  }
0x49: {  	_ =	shalt  }
0x4a: {  	_ =	shalt  }
0x4b: {  	_ =	shalt  }
0x4c: {  	_ =	shalt  }
0x4d: {  	_ =	shalt  }
0x4e: {  	_ =	shalt  }
0x4f: {  	_ =	shalt  }
0x50: {  	_ =	shalt  }
0x51: {  	_ =	shalt  }
0x52: {  	_ =	shalt  }
0x53: {  	_ =	shalt  }
0x54: {  	_ =	shalt  }
0x55: {  	_ =	shalt  }
0x56: {  	_ =	shalt  }
0x57: {  	_ =	shalt  }
0x58: {  	_ =	shalt  }
0x59: {  	_ =	shalt  }
0x5a: {  	_ =	shalt  }
0x5b: {  	_ =	shalt  }
0x5c: {  	_ =	shalt  }
0x5d: {  	_ =	shalt  }
0x5e: {  	_ =	shalt  }
0x5f: {  	_ =	shalt  }
0x60: {  	_ =	shalt  }
0x61: {  	_ =	shalt  }
0x62: {  	_ =	shalt  }
0x63: {  	_ =	shalt  }
0x64: {  	_ =	shalt  }
0x65: {  	_ =	shalt  }
0x66: {  	_ =	shalt  }
0x67: {  	_ =	shalt  }
0x68: {  	_ =	shalt  }
0x69: {  	_ =	shalt  }
0x6a: {  	_ =	shalt  }
0x6b: {  	_ =	shalt  }
0x6c: {  	_ =	shalt  }
0x6d: {  	_ =	shalt  }
0x6e: {  	_ =	shalt  }
0x6f: {  	_ =	shalt  }
0x70: {  	_ =	shalt  }
0x71: {  	_ =	shalt  }
0x72: {  	_ =	shalt  }
0x73: {  	_ =	shalt  }
0x74: {  	_ =	shalt  }
0x75: {  	_ =	shalt  }
0x76: {  	_ =	shalt  }
0x77: {  	_ =	shalt  }
0x78: {  	_ =	shalt  }
0x79: {  	_ =	shalt  }
0x7a: {  	_ =	shalt  }
0x7b: {  	_ =	shalt  }
0x7c: {  	_ =	shalt  }
0x7d: {  	_ =	shalt  }
0x7e: {  	_ =	shalt  }
0x7f: {  	_ =	shalt  }
0x80: {  	_ =	shalt  }
0x81: {  	_ =	shalt  }
0x82: {  	_ =	shalt  }
0x83: {  	_ =	shalt  }
0x84: {  	_ =	shalt  }
0x85: {  	_ =	shalt  }
0x86: {  	_ =	shalt  }
0x87: {  	_ =	shalt  }
.Lfunc_end0:
.L_simem_size_0:
called_computation.2_lowered:
.L_overlay_start_0:
0x88: {  	s2 =	sld [smem:$0x3FD9]  }
0x89: {  	s3 =	sld [smem:$0x3FFE];
	_ =	sdelay $0x1  }
0x8a: {  	s1 =	srdreg.scid  }
0x8b: {  	s0 =	sand.u32 $0x1, s1  }
0x8c: {  	s14 =	sshll.u32 s0, $0xA;
	s2 =	sadd.s32 s3, s2  }
0x8d: {  	s2 =	sadd.s32 s2, s14  }
0x8e: {  	[smem:$0x3FC5] =	sst s2  }
0x8f: {  	_ = 	snop  }
0x90: {  	s2 =	sld [smem:$0x3FD0];
	_ =	sdelay $0x2  }
0x91: {  	s15 =	simm.s32 $0xB;
	s4 =	simm.s32 $0x10  }
0x92: {  	[smem:s4], [sflag:s15] =	dma.local [hbm:s2], $0x1  }
0x93: {  	_ =	swait.eq [sflag:s15], $0x1  }
0x94: {  	[sflag:s15] =	ssyncset.done $0x0  }
0x95: {  	s16 =	sld [smem:$0x10];
	[sflag:s15] =	ssyncadd.s32 $0xFFFFFFFF  }
0x96: {  	s17 =	sld [smem:$0x11];
	(tm) =	ssettm $0x1  }
0x97: {  	s18 =	sld [smem:$0x3FFB];
	_ =	sdelay $0x3  }
0x98: {  	_ =	strace s18  }
0x99: {  	s4 =	sld [smem:$0x3FFC];
	_ =	sdelay $0x3  }
0x9a: {  	_ =	strace s4  }
0x9b: {  	s4 =	sld [smem:$0x3FFD];
	_ =	sdelay $0x3  }
0x9c: {  	_ =	strace s4  }
0x9d: {  	_ =	strace $0x8FFFFFFF  }
0x9e: {  	s19 =	sld [smem:$0x3FDB];
	_ =	sdelay $0x1  }
0x9f: {  	s5 =	simm.s32 $_scs_section_size  }
0xa0: {  	s6 =	simm.s32 $_size__tile_overlayer_lowered;
	s7 =	simm.s32 $_tile_overlayer_lowered  }
0xa1: {  	s22 =	simm.s32 $0x1BFF;
	s21 =	sshll.u32 s7, $0x1;
	s4 =	sadd.s32 s5, s19  }
0xa2: {  	s8 =	simm.s32 $0x0;
	s20 =	sshll.u32 s6, $0x1;
	s6 =	sadd.s32 s21, s4  }
0xa3: {  	[timem:s8], [sflag:s22] =	dma.local [hbm:s6], s20  }
0xa4: {  	_ =	swait.ge [sflag:s22], s20  }
0xa5: {  	s5 =	ssub.s32 $0x0, s20;
	[sflag:s22] =	ssyncset.done $0x0  }
0xa6: {  	[sflag:s22] =	ssyncadd.s32 s5;
	_ =	sdelay $0x1  }
0xa7: {  	s23 =	simm.s32 $0x1B8B  }
0xa8: {  	_ =	swait.ge [sflag:s23], $0x1  }
0xa9: {  	[sflag:s23] =	ssyncset.done $0x0  }
0xaa: {  	s25 =	simm.s32 $0x1B8E;
	s24 =	sld [smem:$0x3FFE];
	[sflag:s23] =	ssyncadd.s32 $0xFFFFFFFF  }
0xab: {  	s26 =	simm.s32 $execute0_lowered;
	[smem:$0x3FD2] =	sst s25  }
0xac: {  	s6 =	sshll.u32 s26, $0x1;
	_ =	strace $0x80000046;
	[dreg:$0x1] =	wrdreg $0xFFFFFFFF  }
0xad: {  	s28 =	simm.s32 $_size_execute0_lowered;
	s4 =	sadd.s32 s4, s6;
	[dreg:$0x0] =	wrdreg $0x0  }
0xae: {  	s6 =	sshll.u32 s28, $0x1;
	[dreg:$0x2] =	wrdreg s4  }
0xaf: {  	[dreg:$0x3] =	wrdreg s6  }
0xb0: {  	[dreg:$0x4] =	wrdreg $0xC0  }
0xb1: {  	_ =	task [dreg:s8], $0x5FFFF  }
0xb2: {  	[dreg:$0x1] =	wrdreg $0xFFFFFFFF  }
0xb3: {  	[dreg:$0x0] =	wrdreg $0x60  }
0xb4: {  	[dreg:$0x2] =	wrdreg s24  }
0xb5: {  	[dreg:$0x3] =	wrdreg s17  }
0xb6: {  	[dreg:$0x4] =	wrdreg s16  }
0xb7: {  	[dreg:$0x5] =	wrdreg $0x9  }
0xb8: {  	_ =	task.clear_ibuf [dreg:s8], $0x6FFFF;
	_ =	strace $0x90000046  }
0xb9: {  	s29 =	simm.s32 $0x9;
	_ =	strace $0x80000048  }
0xba: {  	_ =	swait.ge [sflag:s29], $0x1  }
0xbb: {  	[sflag:s29] =	ssyncadd.s32 $0xFFFFFFFF  }
0xbc: {  	_ =	strace $0x90000048  }
0xbd: {  	_ =	sfence  }
0xbe: {  	s30 =	sld [smem:$0x0];
	_ =	sdelay $0x2  }
0xbf: {  	s31 =	sshll.u32 s1, $0xD;
	s1 =	sshrl.u32 s1, $0x2  }
0xc0: {  	s3 =	sand.u32 $0x4000, s31;
	s1 =	sadd.s32 s1, s30  }
0xc1: {  	s0 =	sor.u32 s3, s0;
	s1 =	sshll.u32 s1, $0x11  }
0xc2: {  	s0 =	sor.u32 s1, s0  }
0xc3: {  	s0 =	sadd.s32 $0x8F2B, s0  }
0xc4: {  	[sflag:s0] =	ssyncadd.remote.s32 $0x1  }
0xc5: {  	_ =	sfence.sel $0xFFFF  }
0xc6: {  	[dreg:$0x0] =	wrdreg $0xFFFFFFFF;
	(pc) =	sbr.abs _section_cstart, $3  }
0xc7: {  	[dreg:$0x1] =	wrdreg $0xFFFFFFFF  }
0xc8: {  	_ =	task.clear_ibuf [dreg:s8], $0x2FFFF;
	_ =	strace $0x9FFFFFFF  }
0xc9: {  	(tm) =	ssettm $0x7FFFFFFF  }
tec
execute0_lowered:
.L_overlay_start_1:
0x0: {  	(tag) =	ssettag $0x1  }
0x1: {  	s0 =	srdreg.scid;
	s1 =	rddreg [dreg:$0x0]  }
0x2: {  	s11 =	stileid.u32;
	s2 =	rddreg [dreg:$0x1]  }
0x3: {  	s8 =	rddreg [dreg:$0x2];
	s12 =	simm.s32 $0x80;
	s13 =	simm.s32 $0x640  }
0x4: {  	s14 =	simm.s32 $0x48;
	s29 =	simm.s32 $0x320;
	s30 =	simm.s32 $0x2  }
0x5: {  	s31 =	simm.s32 $0x3840;
	s28 =	simm.s32 $0x3;
	s9 =	smul.u32 $0x32000, s11  }
0x6: {  	s0 =	sand.u32 $0x1, s0;
	s3 =	sshll.u32 s11, $0xA;
	s11 =	smul.u32 $0x64000, s11  }
0x7: {  	s1 =	sadd.s32 $0x1000, s1;
	s4 =	sshll.u32 s0, $0x9;
	s10 =	smul.u32 $0x19000, s0  }
0x8: {  	s6 =	ssub.s32 $0x2, s0;
	s0 =	smul.u32 $0x32000, s0;
	s4 =	sor.u32 s4, s3  }
0x9: {  	s3 =	simm.s32 $0x0;
	s25 =	sshrl.u32 s6, $0x1;
	s26 =	sadd.s32 s11, s8  }
0xa: {  	s11 =	simm.s32 $0x4;
	s5 =	smul.u32 $0x19, s4;
	[smem:$0x7FF] =	sst s3  }
0xb: {  	s7 =	smul.u32 $0x190, s4;
	s6 =	ssub.s32 s6, s25;
	s9 =	sadd.s32 s10, s9  }
0xc: {  	s0 =	sadd.s32 s0, s26;
	s25 =	simm.s32 $0x5F8;
	s26 =	simm.s32 $0x65C0  }
0xd: {  	_ =	strace $0x80000047;
	s9 =	sor.u32 $0x640, s9;
	s10 =	sadd.s32 $0x640, s0  }
0xe: {  	s4 =	sadd.s32 s1, s5;
	s5 =	smax.u32 s6, $0x1;
	s6 =	sadd.s32 s8, s7  }
0xf: {  	s0 =	simm.s32 $0x0;
	s9 =	sshrl.u32 s9, $0x3;
	s7 =	sadd.s32 $0x319C0, s6  }
0x10: {  	s8 =	sadd.s32 $0x64, s4;
	s16 =	sadd.s32 s9, s1;
	s1 =	simm.s32 $0x1  }
.LBB2_1:
0x11: {  	[tilespmem:s3], [sflag:$0x4] =	stream.linear.gather [hbm4b:s4+s3], $0x320, $0x38;
	[tilespmem:$0x6A40] =	vst v63  }
0x12: {  	_ =	swait.ge [sflag:s11], $0x320  }
0x13: {  	[sflag:s11] =	ssyncset.done $0x0  }
0x14: {  	[sflag:s11] =	ssyncadd.s32 $0xFFFFFCE0  }
0x15: {  	[tilespmem:s13], [sflag:$0x2] =	stream.indirect.gather [hbm4b:s2+s12], $0x10, s3, s12, $0xb8;
	[tilespmem:$0x6A40] =	vst v63  }
0x16: {  	s9 =	simm.s32 $0xE40  }
0x17: {  	[tilespmem:s9], [sflag:$0x2] =	stream.indirect.gather [hbm4b:s2+s14], $0x10, s12, s14, $0xb8;
	[tilespmem:$0x6A40] =	vst v63  }
0x18: {  	s24 =	simm.s32 $0xC8;
	s15 =	simm.s32 $0x12C0  }
0x19: {  	[tilespmem:s15], [sflag:$0x2] =	stream.indirect.gather [hbm4b:s2+s12], $0x10, s24, s12, $0xb8;
	[tilespmem:$0x6A40] =	vst v63  }
0x1a: {  	s17 =	simm.s32 $0x148;
	s18 =	simm.s32 $0x1AC0  }
0x1b: {  	[tilespmem:s18], [sflag:$0x2] =	stream.indirect.gather [hbm4b:s2+s14], $0x10, s17, s14, $0xb8;
	[tilespmem:$0x6A40] =	vst v63  }
0x1c: {  	s19 =	simm.s32 $0x190;
	s20 =	simm.s32 $0x1F40  }
0x1d: {  	[tilespmem:s20], [sflag:$0x2] =	stream.indirect.gather [hbm4b:s2+s12], $0x10, s19, s12, $0xb8;
	[tilespmem:$0x6A40] =	vst v63  }
0x1e: {  	s21 =	simm.s32 $0x210;
	s22 =	simm.s32 $0x2740  }
0x1f: {  	[tilespmem:s22], [sflag:$0x2] =	stream.indirect.gather [hbm4b:s2+s14], $0x10, s21, s14, $0xb8;
	[tilespmem:$0x6A40] =	vst v63  }
0x20: {  	s23 =	simm.s32 $0x258;
	s24 =	simm.s32 $0x2BC0  }
0x21: {  	[tilespmem:s24], [sflag:$0x2] =	stream.indirect.gather [hbm4b:s2+s12], $0x10, s23, s12, $0xb8;
	[tilespmem:$0x6A40] =	vst v63  }
0x22: {  	s17 =	simm.s32 $0x2D8;
	s18 =	simm.s32 $0x33C0  }
0x23: {  	[tilespmem:s18], [sflag:$0x2] =	stream.indirect.gather [hbm4b:s2+s14], $0x10, s17, s14, $0xb8;
	[tilespmem:$0x6A40] =	vst v63  }
0x24: {  	_ = 	snop  }
0x25: {  	[tilespmem:s29], [sflag:$0x1] =	stream.linear.gather [hbm4b:s8+s3], $0x320, $0x38;
	[tilespmem:$0x6A40] =	vst v63  }
0x26: {  	_ =	swait.ge [sflag:s30], $0x800  }
0x27: {  	[sflag:s30] =	ssyncset.done $0x0  }
0x28: {  	[sflag:s30] =	ssyncadd.s32 $0xFFFFF800  }
0x29: {  	_ =	swait.ge [sflag:s30], $0x480  }
0x2a: {  	[sflag:s30] =	ssyncset.done $0x0  }
0x2b: {  	[sflag:s30] =	ssyncadd.s32 $0xFFFFFB80  }
0x2c: {  	_ =	swait.ge [sflag:s30], $0x800  }
0x2d: {  	[sflag:s30] =	ssyncset.done $0x0  }
0x2e: {  	[sflag:s30] =	ssyncadd.s32 $0xFFFFF800  }
0x2f: {  	_ =	swait.ge [sflag:s30], $0x480  }
0x30: {  	[sflag:s30] =	ssyncset.done $0x0  }
0x31: {  	[sflag:s30] =	ssyncadd.s32 $0xFFFFFB80  }
0x32: {  	_ =	swait.ge [sflag:s30], $0x800  }
0x33: {  	[sflag:s30] =	ssyncset.done $0x0  }
0x34: {  	[sflag:s30] =	ssyncadd.s32 $0xFFFFF800  }
0x35: {  	_ =	swait.ge [sflag:s30], $0x480  }
0x36: {  	[sflag:s30] =	ssyncset.done $0x0  }
0x37: {  	[sflag:s30] =	ssyncadd.s32 $0xFFFFFB80  }
0x38: {  	_ =	swait.ge [sflag:s30], $0x800  }
0x39: {  	[sflag:s30] =	ssyncset.done $0x0  }
0x3a: {  	[sflag:s30] =	ssyncadd.s32 $0xFFFFF800  }
0x3b: {  	_ =	swait.ge [sflag:s30], $0x480  }
0x3c: {  	[sflag:s30] =	ssyncset.done $0x0  }
0x3d: {  	[sflag:s30] =	ssyncadd.s32 $0xFFFFFB80  }
0x3e: {  	[hbm4b:s6+s3] =	stream.linear.scatter [tilespmem:s13], [sflag:$0x3], $0x3200, $0x38;
	[tilespmem:$0x6A40] =	vst v63  }
0x3f: {  	_ =	swait.ge [sflag:s1], $0x320  }
0x40: {  	[sflag:s1] =	ssyncset.done $0x0  }
0x41: {  	[sflag:s1] =	ssyncadd.s32 $0xFFFFFCE0  }
0x42: {  	[tilespmem:s31], [sflag:$0x2] =	stream.indirect.gather [hbm4b:s2+s12], $0x10, s29, s12, $0xb8;
	[tilespmem:$0x6A40] =	vst v63  }
0x43: {  	s19 =	simm.s32 $0x3A0;
	s20 =	simm.s32 $0x4040  }
0x44: {  	[tilespmem:s20], [sflag:$0x2] =	stream.indirect.gather [hbm4b:s2+s14], $0x10, s19, s14, $0xb8;
	[tilespmem:$0x6A40] =	vst v63  }
0x45: {  	s21 =	simm.s32 $0x3E8;
	s22 =	simm.s32 $0x44C0  }
0x46: {  	[tilespmem:s22], [sflag:$0x2] =	stream.indirect.gather [hbm4b:s2+s12], $0x10, s21, s12, $0xb8;
	[tilespmem:$0x6A40] =	vst v63  }
0x47: {  	s23 =	simm.s32 $0x468;
	s24 =	simm.s32 $0x4CC0  }
0x48: {  	[tilespmem:s24], [sflag:$0x2] =	stream.indirect.gather [hbm4b:s2+s14], $0x10, s23, s14, $0xb8;
	[tilespmem:$0x6A40] =	vst v63  }
0x49: {  	s17 =	simm.s32 $0x4B0;
	s18 =	simm.s32 $0x5140  }
0x4a: {  	[tilespmem:s18], [sflag:$0x2] =	stream.indirect.gather [hbm4b:s2+s12], $0x10, s17, s12, $0xb8;
	[tilespmem:$0x6A40] =	vst v63  }
0x4b: {  	s19 =	simm.s32 $0x530;
	s20 =	simm.s32 $0x5940;
	s23 =	sand.u32 $0x1, s1  }
0x4c: {  	[tilespmem:s20], [sflag:$0x2] =	stream.indirect.gather [hbm4b:s2+s14], $0x10, s19, s14, $0xb8;
	[tilespmem:$0x6A40] =	vst v63  }
0x4d: {  	s21 =	simm.s32 $0x578;
	s22 =	simm.s32 $0x5DC0;
	s17 =	sxor.u32 $0x1, s23  }
0x4e: {  	[tilespmem:s22], [sflag:$0x2] =	stream.indirect.gather [hbm4b:s2+s12], $0x10, s21, s12, $0xb8;
	[tilespmem:$0x6A40] =	vst v63  }
0x4f: {  	s24 =	smul.u32 $0xC80, s17  }
0x50: {  	[tilespmem:s26], [sflag:$0x2] =	stream.indirect.gather [hbm4b:s2+s14], $0x10, s25, s14, $0xb8;
	[tilespmem:$0x6A40] =	vst v63  }
0x51: {  	s9 =	sshrl.u32 s24, $0x2  }
0x52: {  	[tilespmem:s9], [sflag:$0x1] =	stream.linear.gather [hbm4b:s16+s3], $0x320, $0x38;
	[tilespmem:$0x6A40] =	vst v63  }
0x53: {  	_ =	swait.ge [sflag:s30], $0x800  }
0x54: {  	[sflag:s30] =	ssyncset.done $0x0  }
0x55: {  	[sflag:s30] =	ssyncadd.s32 $0xFFFFF800  }
0x56: {  	_ =	swait.ge [sflag:s30], $0x480  }
0x57: {  	[sflag:s30] =	ssyncset.done $0x0  }
0x58: {  	[sflag:s30] =	ssyncadd.s32 $0xFFFFFB80  }
0x59: {  	_ =	swait.ge [sflag:s30], $0x800  }
0x5a: {  	[sflag:s30] =	ssyncset.done $0x0  }
0x5b: {  	[sflag:s30] =	ssyncadd.s32 $0xFFFFF800  }
0x5c: {  	_ =	swait.ge [sflag:s30], $0x480  }
0x5d: {  	[sflag:s30] =	ssyncset.done $0x0  }
0x5e: {  	[sflag:s30] =	ssyncadd.s32 $0xFFFFFB80  }
0x5f: {  	_ =	swait.ge [sflag:s30], $0x800  }
0x60: {  	[sflag:s30] =	ssyncset.done $0x0  }
0x61: {  	[sflag:s30] =	ssyncadd.s32 $0xFFFFF800  }
0x62: {  	_ =	swait.ge [sflag:s30], $0x480  }
0x63: {  	[sflag:s30] =	ssyncset.done $0x0  }
0x64: {  	[sflag:s30] =	ssyncadd.s32 $0xFFFFFB80  }
0x65: {  	_ =	swait.ge [sflag:s30], $0x800  }
0x66: {  	[sflag:s30] =	ssyncset.done $0x0  }
0x67: {  	s15 =	smul.u32 $0xC800, s23;
	[sflag:s30] =	ssyncadd.s32 $0xFFFFF800  }
0x68: {  	_ =	swait.ge [sflag:s30], $0x480  }
0x69: {  	s15 =	sshrl.u32 s15, $0x2;
	[sflag:s30] =	ssyncset.done $0x0  }
0x6a: {  	s15 =	sadd.s32 $0x640, s15;
	[sflag:s30] =	ssyncadd.s32 $0xFFFFFB80  }
0x6b: {  	[hbm4b:s10+s3] =	stream.linear.scatter [tilespmem:s15], [sflag:$0x3], $0x3200, $0x38;
	[tilespmem:$0x6A40] =	vst v63  }
0x6c: {  	_ =	swait.ge [sflag:s28], $0x3200  }
0x6d: {  	[sflag:s28] =	ssyncset.done $0x0  }
0x6e: {  	s18 =	smul.u32 $0xC800, s17;
	[sflag:s28] =	ssyncadd.s32 $0xFFFFCE00  }
0x6f: {  	_ =	swait.ge [sflag:s1], $0x320  }
0x70: {  	s18 =	sshrl.u32 s18, $0x2;
	[sflag:s1] =	ssyncset.done $0x0  }
0x71: {  	s15 =	sadd.s32 $0x640, s18;
	[sflag:s1] =	ssyncadd.s32 $0xFFFFFCE0  }
0x72: {  	[tilespmem:s15], [sflag:$0x2] =	stream.indirect.gather [hbm4b:s2+s12], $0x10, s9, s12, $0xb8;
	[tilespmem:$0x6A40] =	vst v63  }
0x73: {  	s19 =	sadd.s32 $0xE40, s18;
	s20 =	sadd.s32 $0x80, s9  }
0x74: {  	[tilespmem:s19], [sflag:$0x2] =	stream.indirect.gather [hbm4b:s2+s14], $0x10, s20, s14, $0xb8;
	[tilespmem:$0x6A40] =	vst v63  }
0x75: {  	s21 =	sadd.s32 $0x12C0, s18;
	s22 =	sadd.s32 $0xC8, s9;
	s23 =	sadd.s32 $0x1AC0, s18  }
0x76: {  	[tilespmem:s21], [sflag:$0x2] =	stream.indirect.gather [hbm4b:s2+s12], $0x10, s22, s12, $0xb8;
	[tilespmem:$0x6A40] =	vst v63  }
0x77: {  	s24 =	sadd.s32 $0x148, s9;
	s15 =	sadd.s32 $0x640, s10;
	s19 =	sadd.s32 $0x1F40, s18  }
0x78: {  	[tilespmem:s23], [sflag:$0x2] =	stream.indirect.gather [hbm4b:s2+s14], $0x10, s24, s14, $0xb8;
	[tilespmem:$0x6A40] =	vst v63  }
0x79: {  	s20 =	sadd.s32 $0x190, s9;
	s21 =	sadd.s32 $0x2740, s18;
	s22 =	sadd.s32 $0x210, s9  }
0x7a: {  	[tilespmem:s19], [sflag:$0x2] =	stream.indirect.gather [hbm4b:s2+s12], $0x10, s20, s12, $0xb8;
	[tilespmem:$0x6A40] =	vst v63  }
0x7b: {  	s23 =	simm.s32 $0x2;
	s24 =	sadd.s32 $0x2BC0, s18;
	s19 =	sadd.s32 $0x258, s9  }
0x7c: {  	[tilespmem:s21], [sflag:$0x2] =	stream.indirect.gather [hbm4b:s2+s14], $0x10, s22, s14, $0xb8;
	[tilespmem:$0x6A40] =	vst v63  }
0x7d: {  	s21 =	sand.u32 $0x1, s23;
	s22 =	sadd.s32 $0x33C0, s18;
	s23 =	sadd.s32 $0x2D8, s9  }
0x7e: {  	[tilespmem:s24], [sflag:$0x2] =	stream.indirect.gather [hbm4b:s2+s12], $0x10, s19, s12, $0xb8;
	[tilespmem:$0x6A40] =	vst v63  }
0x7f: {  	s9 =	smov.u32 s16;
	s17 =	sxor.u32 $0x1, s21;
	s19 =	simm.s32 $0x3  }
.LBB2_2:
0x80: {  	s24 =	smul.u32 $0xC80, s17  }
0x81: {  	s9 =	sadd.s32 $0x64, s9;
	s20 =	smov.u32 s19;
	s18 =	sadd.s32 $0x1, s19  }
0x82: {  	[tilespmem:s22], [sflag:$0x2] =	stream.indirect.gather [hbm4b:s2+s14], $0x10, s23, s14, $0xb8;
	[tilespmem:$0x6A40] =	vst v63  }
0x83: {  	p0 =	sne.s32 s19, $0x7E;
	s21 =	smul.u32 $0xC800, s21;
	s19 =	sshrl.u32 s24, $0x2  }
0x84: {  	[tilespmem:s19], [sflag:$0x1] =	stream.linear.gather [hbm4b:s9+s3], $0x320, $0x38;
	[tilespmem:$0x6A40] =	vst v63  }
0x85: {  	s21 =	sshrl.u32 s21, $0x2;
	_ =	swait.ge [sflag:s30], $0x800  }
0x86: {  	[sflag:s30] =	ssyncset.done $0x0  }
0x87: {  	[sflag:s30] =	ssyncadd.s32 $0xFFFFF800  }
0x88: {  	_ =	swait.ge [sflag:s30], $0x480  }
0x89: {  	[sflag:s30] =	ssyncset.done $0x0  }
0x8a: {  	[sflag:s30] =	ssyncadd.s32 $0xFFFFFB80  }
0x8b: {  	_ =	swait.ge [sflag:s30], $0x800  }
0x8c: {  	[sflag:s30] =	ssyncset.done $0x0  }
0x8d: {  	[sflag:s30] =	ssyncadd.s32 $0xFFFFF800  }
0x8e: {  	_ =	swait.ge [sflag:s30], $0x480  }
0x8f: {  	[sflag:s30] =	ssyncset.done $0x0  }
0x90: {  	[sflag:s30] =	ssyncadd.s32 $0xFFFFFB80  }
0x91: {  	_ =	swait.ge [sflag:s30], $0x800  }
0x92: {  	[sflag:s30] =	ssyncset.done $0x0  }
0x93: {  	[sflag:s30] =	ssyncadd.s32 $0xFFFFF800  }
0x94: {  	_ =	swait.ge [sflag:s30], $0x480  }
0x95: {  	[sflag:s30] =	ssyncset.done $0x0  }
0x96: {  	[sflag:s30] =	ssyncadd.s32 $0xFFFFFB80  }
0x97: {  	_ =	swait.ge [sflag:s30], $0x800  }
0x98: {  	[sflag:s30] =	ssyncset.done $0x0  }
0x99: {  	[sflag:s30] =	ssyncadd.s32 $0xFFFFF800  }
0x9a: {  	_ =	swait.ge [sflag:s30], $0x480  }
0x9b: {  	[sflag:s30] =	ssyncset.done $0x0  }
0x9c: {  	s21 =	sadd.s32 $0x640, s21;
	[sflag:s30] =	ssyncadd.s32 $0xFFFFFB80  }
0x9d: {  	[hbm4b:s15+s3] =	stream.linear.scatter [tilespmem:s21], [sflag:$0x3], $0x3200, $0x38;
	[tilespmem:$0x6A40] =	vst v63  }
0x9e: {  	_ =	swait.ge [sflag:s28], $0x3200  }
0x9f: {  	[sflag:s28] =	ssyncset.done $0x0  }
0xa0: {  	s17 =	smul.u32 $0xC800, s17;
	[sflag:s28] =	ssyncadd.s32 $0xFFFFCE00  }
0xa1: {  	_ =	swait.ge [sflag:s1], $0x320  }
0xa2: {  	s22 =	sshrl.u32 s17, $0x2;
	[sflag:s1] =	ssyncset.done $0x0  }
0xa3: {  	s17 =	sadd.s32 $0x640, s22;
	[sflag:s1] =	ssyncadd.s32 $0xFFFFFCE0  }
0xa4: {  	[tilespmem:s17], [sflag:$0x2] =	stream.indirect.gather [hbm4b:s2+s12], $0x10, s19, s12, $0xb8;
	[tilespmem:$0x6A40] =	vst v63  }
0xa5: {  	s21 =	sadd.s32 $0x80, s19;
	s17 =	sadd.s32 $0xE40, s22  }
0xa6: {  	[tilespmem:s17], [sflag:$0x2] =	stream.indirect.gather [hbm4b:s2+s14], $0x10, s21, s14, $0xb8;
	[tilespmem:$0x6A40] =	vst v63  }
0xa7: {  	s17 =	sadd.s32 $0x12C0, s22;
	s21 =	sadd.s32 $0xC8, s19  }
0xa8: {  	[tilespmem:s17], [sflag:$0x2] =	stream.indirect.gather [hbm4b:s2+s12], $0x10, s21, s12, $0xb8;
	[tilespmem:$0x6A40] =	vst v63  }
0xa9: {  	s23 =	sadd.s32 $0x2D8, s19;
	s17 =	sadd.s32 $0x1AC0, s22;
	s21 =	sadd.s32 $0x148, s19  }
0xaa: {  	[tilespmem:s17], [sflag:$0x2] =	stream.indirect.gather [hbm4b:s2+s14], $0x10, s21, s14, $0xb8;
	[tilespmem:$0x6A40] =	vst v63  }
0xab: {  	s15 =	sadd.s32 $0x640, s15;
	s17 =	sadd.s32 $0x1F40, s22;
	s21 =	sadd.s32 $0x190, s19  }
0xac: {  	[tilespmem:s17], [sflag:$0x2] =	stream.indirect.gather [hbm4b:s2+s12], $0x10, s21, s12, $0xb8;
	[tilespmem:$0x6A40] =	vst v63  }
.Ltmp0:
0xad: {  	s17 =	sadd.s32 $0x2740, s22;
	s21 =	sadd.s32 $0x210, s19;
	(pc) =	sbr.rel @p0 .LBB2_2-.Ltmp0, $4  }
0xae: {  	[tilespmem:s17], [sflag:$0x2] =	stream.indirect.gather [hbm4b:s2+s14], $0x10, s21, s14, $0xb8;
	[tilespmem:$0x6A40] =	vst v63  }
0xaf: {  	s21 =	sand.u32 $0x1, s20;
	s17 =	sadd.s32 $0x2BC0, s22;
	s20 =	sadd.s32 $0x258, s19  }
0xb0: {  	[tilespmem:s17], [sflag:$0x2] =	stream.indirect.gather [hbm4b:s2+s12], $0x10, s20, s12, $0xb8;
	[tilespmem:$0x6A40] =	vst v63  }
0xb1: {  	s22 =	sadd.s32 $0x33C0, s22;
	s19 =	smov.u32 s18;
	s17 =	sxor.u32 $0x1, s21  }
0xb2: {  	s18 =	smul.u32 $0xC80, s17  }
0xb3: {  	[tilespmem:s22], [sflag:$0x2] =	stream.indirect.gather [hbm4b:s2+s14], $0x10, s23, s14, $0xb8;
	[tilespmem:$0x6A40] =	vst v63  }
0xb4: {  	s9 =	sadd.s32 $0x64, s9;
	s18 =	sshrl.u32 s18, $0x2  }
0xb5: {  	[tilespmem:s18], [sflag:$0x1] =	stream.linear.gather [hbm4b:s9+s3], $0x320, $0x38;
	[tilespmem:$0x6A40] =	vst v63  }
0xb6: {  	_ =	swait.ge [sflag:s30], $0x800  }
0xb7: {  	[sflag:s30] =	ssyncset.done $0x0  }
0xb8: {  	[sflag:s30] =	ssyncadd.s32 $0xFFFFF800  }
0xb9: {  	_ =	swait.ge [sflag:s30], $0x480  }
0xba: {  	[sflag:s30] =	ssyncset.done $0x0  }
0xbb: {  	[sflag:s30] =	ssyncadd.s32 $0xFFFFFB80  }
0xbc: {  	_ =	swait.ge [sflag:s30], $0x800  }
0xbd: {  	[sflag:s30] =	ssyncset.done $0x0  }
0xbe: {  	[sflag:s30] =	ssyncadd.s32 $0xFFFFF800  }
0xbf: {  	_ =	swait.ge [sflag:s30], $0x480  }
0xc0: {  	[sflag:s30] =	ssyncset.done $0x0  }
0xc1: {  	[sflag:s30] =	ssyncadd.s32 $0xFFFFFB80  }
0xc2: {  	_ =	swait.ge [sflag:s30], $0x800  }
0xc3: {  	[sflag:s30] =	ssyncset.done $0x0  }
0xc4: {  	[sflag:s30] =	ssyncadd.s32 $0xFFFFF800  }
0xc5: {  	_ =	swait.ge [sflag:s30], $0x480  }
0xc6: {  	[sflag:s30] =	ssyncset.done $0x0  }
0xc7: {  	[sflag:s30] =	ssyncadd.s32 $0xFFFFFB80  }
0xc8: {  	_ =	swait.ge [sflag:s30], $0x800  }
0xc9: {  	[sflag:s30] =	ssyncset.done $0x0  }
0xca: {  	s24 =	smul.u32 $0xC800, s21;
	[sflag:s30] =	ssyncadd.s32 $0xFFFFF800  }
0xcb: {  	_ =	swait.ge [sflag:s30], $0x480  }
0xcc: {  	s9 =	sshrl.u32 s24, $0x2;
	[sflag:s30] =	ssyncset.done $0x0  }
0xcd: {  	s9 =	sadd.s32 $0x640, s9;
	[sflag:s30] =	ssyncadd.s32 $0xFFFFFB80  }
0xce: {  	[hbm4b:s15+s3] =	stream.linear.scatter [tilespmem:s9], [sflag:$0x3], $0x3200, $0x38;
	[tilespmem:$0x6A40] =	vst v63  }
0xcf: {  	_ =	swait.ge [sflag:s28], $0x3200  }
0xd0: {  	[sflag:s28] =	ssyncset.done $0x0  }
0xd1: {  	s15 =	smul.u32 $0xC800, s17;
	[sflag:s28] =	ssyncadd.s32 $0xFFFFCE00  }
0xd2: {  	_ =	swait.ge [sflag:s1], $0x320  }
0xd3: {  	s9 =	sshrl.u32 s15, $0x2;
	[sflag:s1] =	ssyncset.done $0x0  }
0xd4: {  	s17 =	sadd.s32 $0x640, s9;
	[sflag:s1] =	ssyncadd.s32 $0xFFFFFCE0  }
0xd5: {  	[tilespmem:s17], [sflag:$0x2] =	stream.indirect.gather [hbm4b:s2+s12], $0x10, s18, s12, $0xb8;
	[tilespmem:$0x6A40] =	vst v63  }
0xd6: {  	s20 =	sadd.s32 $0x80, s18;
	s19 =	sadd.s32 $0xE40, s9  }
0xd7: {  	[tilespmem:s19], [sflag:$0x2] =	stream.indirect.gather [hbm4b:s2+s14], $0x10, s20, s14, $0xb8;
	[tilespmem:$0x6A40] =	vst v63  }
0xd8: {  	s22 =	sadd.s32 $0xC8, s18;
	s21 =	sadd.s32 $0x12C0, s9  }
0xd9: {  	[tilespmem:s21], [sflag:$0x2] =	stream.indirect.gather [hbm4b:s2+s12], $0x10, s22, s12, $0xb8;
	[tilespmem:$0x6A40] =	vst v63  }
0xda: {  	s24 =	sadd.s32 $0x148, s18;
	s23 =	sadd.s32 $0x1AC0, s9  }
0xdb: {  	[tilespmem:s23], [sflag:$0x2] =	stream.indirect.gather [hbm4b:s2+s14], $0x10, s24, s14, $0xb8;
	[tilespmem:$0x6A40] =	vst v63  }
0xdc: {  	s17 =	sadd.s32 $0x1F40, s9;
	s19 =	sadd.s32 $0x190, s18  }
0xdd: {  	[tilespmem:s17], [sflag:$0x2] =	stream.indirect.gather [hbm4b:s2+s12], $0x10, s19, s12, $0xb8;
	[tilespmem:$0x6A40] =	vst v63  }
0xde: {  	s20 =	sadd.s32 $0x2740, s9;
	s21 =	sadd.s32 $0x210, s18  }
0xdf: {  	[tilespmem:s20], [sflag:$0x2] =	stream.indirect.gather [hbm4b:s2+s14], $0x10, s21, s14, $0xb8;
	[tilespmem:$0x6A40] =	vst v63  }
0xe0: {  	s22 =	sadd.s32 $0x2BC0, s9;
	s23 =	sadd.s32 $0x258, s18  }
0xe1: {  	[tilespmem:s22], [sflag:$0x2] =	stream.indirect.gather [hbm4b:s2+s12], $0x10, s23, s12, $0xb8;
	[tilespmem:$0x6A40] =	vst v63  }
0xe2: {  	s9 =	sadd.s32 $0x33C0, s9;
	s24 =	sadd.s32 $0x2D8, s18  }
0xe3: {  	[tilespmem:s9], [sflag:$0x2] =	stream.indirect.gather [hbm4b:s2+s14], $0x10, s24, s14, $0xb8;
	[tilespmem:$0x6A40] =	vst v63  }
0xe4: {  	_ =	swait.ge [sflag:s30], $0x800  }
0xe5: {  	[sflag:s30] =	ssyncset.done $0x0  }
0xe6: {  	[sflag:s30] =	ssyncadd.s32 $0xFFFFF800  }
0xe7: {  	_ =	swait.ge [sflag:s30], $0x480  }
0xe8: {  	[sflag:s30] =	ssyncset.done $0x0  }
0xe9: {  	[sflag:s30] =	ssyncadd.s32 $0xFFFFFB80  }
0xea: {  	_ =	swait.ge [sflag:s30], $0x800  }
0xeb: {  	[sflag:s30] =	ssyncset.done $0x0  }
0xec: {  	[sflag:s30] =	ssyncadd.s32 $0xFFFFF800  }
0xed: {  	_ =	swait.ge [sflag:s30], $0x480  }
0xee: {  	[sflag:s30] =	ssyncset.done $0x0  }
0xef: {  	[sflag:s30] =	ssyncadd.s32 $0xFFFFFB80  }
0xf0: {  	_ =	swait.ge [sflag:s30], $0x800  }
0xf1: {  	[sflag:s30] =	ssyncset.done $0x0  }
0xf2: {  	[sflag:s30] =	ssyncadd.s32 $0xFFFFF800  }
0xf3: {  	_ =	swait.ge [sflag:s30], $0x480  }
0xf4: {  	[sflag:s30] =	ssyncset.done $0x0  }
0xf5: {  	[sflag:s30] =	ssyncadd.s32 $0xFFFFFB80  }
0xf6: {  	_ =	swait.ge [sflag:s30], $0x800  }
0xf7: {  	[sflag:s30] =	ssyncset.done $0x0  }
0xf8: {  	[sflag:s30] =	ssyncadd.s32 $0xFFFFF800  }
0xf9: {  	_ =	swait.ge [sflag:s30], $0x480  }
0xfa: {  	[sflag:s30] =	ssyncset.done $0x0  }
0xfb: {  	s0 =	sadd.s32 $0x1, s0;
	[sflag:s30] =	ssyncadd.s32 $0xFFFFFB80  }
0xfc: {  	[hbm4b:s7+s3] =	stream.linear.scatter [tilespmem:s31], [sflag:$0x3], $0x3200, $0x38;
	[tilespmem:$0x6A40] =	vst v63  }
0xfd: {  	p0 =	sne.s32 s0, s5;
	_ =	swait.ge [sflag:s28], $0x3200  }
.Ltmp1:
0xfe: {  	[sflag:s28] =	ssyncset.done $0x0;
	(pc) =	sbr.rel @p0 .LBB2_1-.Ltmp1, $4  }
0xff: {  	[sflag:s28] =	ssyncadd.s32 $0xFFFFCE00  }
0x100: {  	_ =	swait.ge [sflag:s28], $0x3200  }
0x101: {  	[sflag:s28] =	ssyncset.done $0x0  }
0x102: {  	[sflag:s28] =	ssyncadd.s32 $0xFFFFCE00  }
0x103: {  	_ =	sfence.sel $0x180000  }
0x104: {  	[bflag:$0x0] =	sbarrier.arrive $0xFFFF  }
0x105: {  	_ =	strace $0x90000047  }
0x106: {  	s0 =	stileid.u32;
	[bflag:$0x2] =	sbarrier.arrive $0xFFFF  }
0x107: {  	p0 =	sne.s32 s0, $0x0;
	s0 =	rddreg [dreg:$0x3]  }
0x108: {  	s0 =	sadd.s32 @!p0 $0x100000, s0  }
0x109: {  	[sflag:s0] =	ssyncadd.tile.s32 @!p0 $0x1;
	_ =	shalt  }
.Lfunc_end2:
_tile_overlayer_lowered:
.L_overlay_start_2:
0x10a: {  	(tag) =	ssettag $0x2  }
0x10b: {  	s0 =	rddreg [dreg:$0x0];
	s2 =	stileid.u32  }
0x10c: {  	s1 =	rddreg [dreg:$0x1];
	p0 =	sne.s32 s2, $0x0  }
0x10d: {  	s3 =	rddreg [dreg:$0x2];
	[bflag:$0x3] =	sbarrier.arrive $0xFFFF;
	s2 =	simm.s32 @!p0 $0x1C04  }
0x10e: {  	[timem:s3], [sflag:s2] =	dma.local @!p0 [hbm:s0], s1  }
0x10f: {  	s0 =	simm.s32 @!p0 $0x4  }
0x110: {  	_ =	swait.ge @!p0 [sflag:s0], s1  }
0x111: {  	s1 =	ssub.s32 @!p0 $0x0, s1;
	[sflag:s0] =	ssyncset.done @!p0 $0x0  }
0x112: {  	[sflag:s0] =	ssyncadd.s32 @!p0 s1  }
0x113: {  	[bflag:$0x3] =	sbarrier.arrive $0xFFFF  }
0x114: {  	_ =	shalt  }

// kernel: kernel.7.cloned.1.call-start
scs
__scs_entry_jumppad:
0x0: {  	(pc) =	sbr.rel $0x88, $3  }
0x1: {  	(tag) =	ssettag $0x0;
	lr =	simm.s32 $0x1  }
0x2: {  	[smem:$0x3F9E] =	sst lr;
	_ =	strace $0xD0000000  }
0x3: {  	_ = 	snop  }
0x4: {  	_ = 	snop  }
0x5: {  	_ = 	snop  }
0x6: {  	_ = 	snop  }
0x7: {  	_ = 	snop  }
__scs_overlays_trampoline_lowered:
0x8: {  	[smem:$0x3FAD] =	sst s0  }
0x9: {  	[smem:$0x3FAE] =	sst s1  }
0xa: {  	[smem:$0x3FAF] =	sst s2  }
0xb: {  	[smem:$0x3FB0] =	sst s3  }
0xc: {  	[smem:$0x3FB1] =	sst s4  }
0xd: {  	[smem:$0x3FB2] =	sst s5  }
0xe: {  	[smem:$0x3FB3] =	sst s6  }
0xf: {  	[smem:$0x3FB4] =	sst s7  }
0x10: {  	[smem:$0x3FB5] =	sst s8  }
0x11: {  	[smem:$0x3FB6] =	sst s9;
	s0 =	simm.s32 @!p0 $0x0  }
0x12: {  	s1 =	sld [smem:$0x3F9C];
	s0 =	simm.s32 @p0 $0x1  }
0x13: {  	[smem:$0x3FB7] =	sst s0;
	s0 =	simm.s32 @!p1 $0x0  }
0x14: {  	s2 =	sld [smem:$0x3F9B];
	s0 =	simm.s32 @p1 $0x1  }
0x15: {  	[smem:$0x3FB8] =	sst s0;
	s0 =	simm.s32 @!p2 $0x0  }
0x16: {  	s3 =	sld [smem:$0x3FDB];
	s0 =	simm.s32 @p2 $0x1  }
0x17: {  	s4 =	simm.s32 $0x1BF5;
	[smem:$0x3FBA] =	sst s0  }
0x18: {  	s0 =	sld [smem:$0x3F9D];
	_ =	swait.ge [sflag:s4], $0x0  }
0x19: {  	s7 =	sld [smem:$0x3F9E]  }
0x1a: {  	s8 =	sadd.s32 $0xFFFFE003, lr  }
0x1b: {  	s9 =	sadd.s32 $0xFFFFFEF7, lr;
	s5 =	simm.s32 $0xFFFFFFFF;
	p2 =	slt.u32 s8, $0xFFFFF086  }
0x1c: {  	p1 =	slt.u32 s9, $0xF7A;
	s5 =	simm.s32 @!p2 $0x0  }
0x1d: {  	s5 =	simm.s32 @p1 $0x1;
	p0 =	seq.s32 s7, s2  }
0x1e: {  	s7 =	smul.u32 @!p0 $0xF7A, s2;
	p2 =	seq.s32 @!p0 s5, $0x0  }
0x1f: {  	s9 =	smul.u32 $0xF7A, s1;
	s8 =	simm.s32 @!p0 $0x1BF5;
	p2 =	por !p2, p0  }
0x20: {  	[sflag:s8] =	ssyncset.s32 @!p0 $0xFFFFF086;
	s6 =	sadd.s32 @!p0 s3, s7;
	s7 =	simm.s32 @!p0 $0x108  }
0x21: {  	s3 =	sadd.s32 s3, s9;
	s6 =	sadd.s32 @!p0 $0x88, s6;
	s7 =	simm.s32 @p2 $0x1082  }
0x22: {  	[simem:s7], [sflag:s8] =	dma.local @!p0 [hbm:s6], $0xF7A  }
0x23: {  	s9 =	sor.u32 $0xD0000000, s2;
	s6 =	simm.s32 $0x108;
	_ =	swait.ge @!p0 [sflag:s8], $0x0  }
0x24: {  	s3 =	sadd.s32 $0x88, s3;
	s6 =	simm.s32 @!p1 $0x1082;
	[sflag:s4] =	ssyncset.s32 $0xFFFFF086  }
0x25: {  	[simem:s6], [sflag:s4] =	dma.local [hbm:s3], $0xF7A  }
0x26: {  	[smem:$0x3F9E] =	sst s1;
	(tag) =	ssettag s2;
	_ =	strace s9  }
0x27: {  	s1 =	sld [smem:$0x3FAE]  }
0x28: {  	s2 =	sld [smem:$0x3FAF]  }
0x29: {  	s4 =	sld [smem:$0x3FB1]  }
0x2a: {  	p0 =	seq.s32 s5, $0x0;
	s5 =	sld [smem:$0x3FB2]  }
0x2b: {  	s6 =	sld [smem:$0x3FB3]  }
0x2c: {  	s7 =	sld [smem:$0x3FB4]  }
0x2d: {  	s3 =	simm.s32 $0x108;
	s8 =	sld [smem:$0x3FB5]  }
0x2e: {  	s3 =	simm.s32 @!p0 $0x1082;
	s9 =	sld [smem:$0x3FB6]  }
0x2f: {  	lr =	sadd.s32 s0, s3;
	s0 =	sld [smem:$0x3FAD]  }
0x30: {  	s3 =	sld [smem:$0x3FB0]  }
0x31: {  	[smem:$0x3FB9] =	sst s10  }
0x32: {  	s10 =	sld [smem:$0x3FB7];
	_ =	sdelay $0x3  }
0x33: {  	p0 =	seq.s32 s10, $0x1;
	s10 =	sld [smem:$0x3FB9];
	_ =	sdelay $0x3  }
0x34: {  	[smem:$0x3FB9] =	sst s10  }
0x35: {  	s10 =	sld [smem:$0x3FB8];
	_ =	sdelay $0x3  }
0x36: {  	p1 =	seq.s32 s10, $0x1;
	s10 =	sld [smem:$0x3FB9];
	_ =	sdelay $0x3  }
0x37: {  	[smem:$0x3FB9] =	sst s10  }
0x38: {  	s10 =	sld [smem:$0x3FBA]  }
0x39: {  	_ = 	snop;
	(pc) =	sbr.ind lr, $3  }
0x3a: {  	_ = 	snop  }
0x3b: {  	_ = 	snop  }
0x3c: {  	p2 =	seq.s32 s10, $0x1;
	s10 =	sld [smem:$0x3FB9]  }
0x3d: {  	_ =	shalt  }
0x3e: {  	_ =	shalt  }
0x3f: {  	_ =	shalt  }
0x40: {  	_ =	shalt  }
0x41: {  	_ =	shalt  }
0x42: {  	_ =	shalt  }
0x43: {  	_ =	shalt  }
0x44: {  	_ =	shalt  }
0x45: {  	_ =	shalt  }
0x46: {  	_ =	shalt  }
0x47: {  	_ =	shalt  }
0x48: {  	_ =	shalt  }
0x49: {  	_ =	shalt  }
0x4a: {  	_ =	shalt  }
0x4b: {  	_ =	shalt  }
0x4c: {  	_ =	shalt  }
0x4d: {  	_ =	shalt  }
0x4e: {  	_ =	shalt  }
0x4f: {  	_ =	shalt  }
0x50: {  	_ =	shalt  }
0x51: {  	_ =	shalt  }
0x52: {  	_ =	shalt  }
0x53: {  	_ =	shalt  }
0x54: {  	_ =	shalt  }
0x55: {  	_ =	shalt  }
0x56: {  	_ =	shalt  }
0x57: {  	_ =	shalt  }
0x58: {  	_ =	shalt  }
0x59: {  	_ =	shalt  }
0x5a: {  	_ =	shalt  }
0x5b: {  	_ =	shalt  }
0x5c: {  	_ =	shalt  }
0x5d: {  	_ =	shalt  }
0x5e: {  	_ =	shalt  }
0x5f: {  	_ =	shalt  }
0x60: {  	_ =	shalt  }
0x61: {  	_ =	shalt  }
0x62: {  	_ =	shalt  }
0x63: {  	_ =	shalt  }
0x64: {  	_ =	shalt  }
0x65: {  	_ =	shalt  }
0x66: {  	_ =	shalt  }
0x67: {  	_ =	shalt  }
0x68: {  	_ =	shalt  }
0x69: {  	_ =	shalt  }
0x6a: {  	_ =	shalt  }
0x6b: {  	_ =	shalt  }
0x6c: {  	_ =	shalt  }
0x6d: {  	_ =	shalt  }
0x6e: {  	_ =	shalt  }
0x6f: {  	_ =	shalt  }
0x70: {  	_ =	shalt  }
0x71: {  	_ =	shalt  }
0x72: {  	_ =	shalt  }
0x73: {  	_ =	shalt  }
0x74: {  	_ =	shalt  }
0x75: {  	_ =	shalt  }
0x76: {  	_ =	shalt  }
0x77: {  	_ =	shalt  }
0x78: {  	_ =	shalt  }
0x79: {  	_ =	shalt  }
0x7a: {  	_ =	shalt  }
0x7b: {  	_ =	shalt  }
0x7c: {  	_ =	shalt  }
0x7d: {  	_ =	shalt  }
0x7e: {  	_ =	shalt  }
0x7f: {  	_ =	shalt  }
0x80: {  	_ =	shalt  }
0x81: {  	_ =	shalt  }
0x82: {  	_ =	shalt  }
0x83: {  	_ =	shalt  }
0x84: {  	_ =	shalt  }
0x85: {  	_ =	shalt  }
0x86: {  	_ =	shalt  }
0x87: {  	_ =	shalt  }
.Lfunc_end0:
.L_simem_size_0:
called_computation.3_lowered:
.L_overlay_start_0:
0x88: {  	s2 =	sld [smem:$0x3FD9]  }
0x89: {  	s3 =	sld [smem:$0x3FFE];
	_ =	sdelay $0x1  }
0x8a: {  	s1 =	srdreg.scid  }
0x8b: {  	s0 =	sand.u32 $0x1, s1  }
0x8c: {  	s15 =	sshll.u32 s0, $0xA;
	s2 =	sadd.s32 s3, s2  }
0x8d: {  	s2 =	sadd.s32 s2, s15  }
0x8e: {  	[smem:$0x3FC5] =	sst s2  }
0x8f: {  	_ = 	snop  }
0x90: {  	s2 =	sld [smem:$0x3FD0];
	_ =	sdelay $0x2  }
0x91: {  	s16 =	simm.s32 $0xB;
	s4 =	simm.s32 $0x10  }
0x92: {  	[smem:s4], [sflag:s16] =	dma.local [hbm:s2], $0x1  }
0x93: {  	_ =	swait.eq [sflag:s16], $0x1  }
0x94: {  	[sflag:s16] =	ssyncset.done $0x0  }
0x95: {  	[sflag:s16] =	ssyncadd.s32 $0xFFFFFFFF  }
0x96: {  	s17 =	sld [smem:$0x12];
	(tm) =	ssettm $0x1  }
0x97: {  	s18 =	sld [smem:$0x3FFB];
	_ =	sdelay $0x3  }
0x98: {  	_ =	strace s18  }
0x99: {  	s2 =	sld [smem:$0x3FFC];
	_ =	sdelay $0x3  }
0x9a: {  	_ =	strace s2  }
0x9b: {  	s2 =	sld [smem:$0x3FFD];
	_ =	sdelay $0x3  }
0x9c: {  	_ =	strace s2  }
0x9d: {  	_ =	strace $0x8FFFFFFF  }
0x9e: {  	s19 =	sld [smem:$0x3FDB];
	_ =	sdelay $0x1  }
0x9f: {  	s20 =	simm.s32 $_scs_section_size  }
0xa0: {  	s5 =	simm.s32 $_size__tile_overlayer_lowered;
	s6 =	simm.s32 $_tile_overlayer_lowered  }
0xa1: {  	s7 =	simm.s32 $0x1BFF;
	s21 =	sshll.u32 s6, $0x1;
	s4 =	sadd.s32 s20, s19  }
0xa2: {  	s22 =	simm.s32 $0x0;
	s5 =	sshll.u32 s5, $0x1;
	s6 =	sadd.s32 s21, s4  }
0xa3: {  	[timem:s22], [sflag:s7] =	dma.local [hbm:s6], s5  }
0xa4: {  	_ =	swait.ge [sflag:s7], s5  }
0xa5: {  	s5 =	ssub.s32 $0x0, s5;
	[sflag:s7] =	ssyncset.done $0x0  }
0xa6: {  	[sflag:s7] =	ssyncadd.s32 s5;
	_ =	sdelay $0x1  }
0xa7: {  	s23 =	simm.s32 $0x1B8B  }
0xa8: {  	_ =	swait.ge [sflag:s23], $0x1  }
0xa9: {  	[sflag:s23] =	ssyncset.done $0x0  }
0xaa: {  	[sflag:s23] =	ssyncadd.s32 $0xFFFFFFFF  }
0xab: {  	s5 =	sld [smem:$0x0]  }
0xac: {  	s6 =	sand.u32 $0xFFFFFFFE, s1  }
0xad: {  	p0 =	sne.s32 s1, s6  }
0xae: {  	s6 =	sshll.u32 @p0 s6, $0xE  }
0xaf: {  	s6 =	sadd.s32 @p0 $0x11B8D, s6;
	s7 =	sshll.u32 @p0 s5, $0x11  }
0xb0: {  	s6 =	sor.u32 @p0 s7, s6  }
0xb1: {  	[sflag:s6] =	ssyncadd.remote.s32 @p0 $0x1;
	_ =	sdelay $0x1  }
0xb2: {  	s6 =	simm.s32 @p0 $0x1B8D  }
0xb3: {  	_ =	swait.eq @p0 [sflag:s6], $0x1  }
0xb4: {  	[sflag:s6] =	ssyncadd.s32 @p0 $0xFFFFFFFF  }
0xb5: {  	s7 =	sshll.u32 @!p0 s1, $0xE  }
0xb6: {  	s7 =	sor.u32 @!p0 $0x4000, s7;
	s6 =	simm.s32 @!p0 $0x1B8D  }
0xb7: {  	s5 =	sshll.u32 @!p0 s5, $0x11;
	s7 =	sadd.s32 @!p0 $0x11B8D, s7;
	_ =	swait.eq @!p0 [sflag:s6], $0x1  }
0xb8: {  	s5 =	sor.u32 @!p0 s5, s7;
	[sflag:s6] =	ssyncadd.s32 @!p0 $0xFFFFFFFF  }
0xb9: {  	s25 =	simm.s32 $0x1B8E;
	s24 =	sld [smem:$0x3FFE];
	[sflag:s5] =	ssyncadd.remote.s32 @!p0 $0x1  }
0xba: {  	s26 =	simm.s32 $execute0_lowered;
	[smem:$0x3FD2] =	sst s25  }
0xbb: {  	s6 =	sshll.u32 s26, $0x1;
	_ =	strace $0x80000049;
	[dreg:$0x1] =	wrdreg $0xFFFFFFFF  }
0xbc: {  	s28 =	simm.s32 $_size_execute0_lowered;
	s4 =	sadd.s32 s4, s6;
	[dreg:$0x0] =	wrdreg $0x0  }
0xbd: {  	s6 =	sshll.u32 s28, $0x1;
	[dreg:$0x2] =	wrdreg s4  }
0xbe: {  	[dreg:$0x3] =	wrdreg s6  }
0xbf: {  	[dreg:$0x4] =	wrdreg $0xC0  }
0xc0: {  	_ =	task [dreg:s22], $0x5FFFF  }
0xc1: {  	[dreg:$0x1] =	wrdreg $0xFFFFFFFF  }
0xc2: {  	[dreg:$0x0] =	wrdreg $0x60  }
0xc3: {  	[dreg:$0x2] =	wrdreg s24  }
0xc4: {  	[dreg:$0x3] =	wrdreg s17  }
0xc5: {  	[dreg:$0x4] =	wrdreg $0xA  }
0xc6: {  	_ =	task.clear_ibuf [dreg:s22], $0x5FFFF;
	_ =	strace $0x90000049  }
0xc7: {  	s29 =	simm.s32 $0xA;
	_ =	strace $0x8000004B  }
0xc8: {  	_ =	swait.ge [sflag:s29], $0x1  }
0xc9: {  	[sflag:s29] =	ssyncadd.s32 $0xFFFFFFFF  }
0xca: {  	_ =	strace $0x9000004B  }
0xcb: {  	_ =	sfence  }
0xcc: {  	s30 =	sld [smem:$0x0];
	_ =	sdelay $0x2  }
0xcd: {  	s31 =	sshll.u32 s1, $0xD;
	s1 =	sshrl.u32 s1, $0x2  }
0xce: {  	s4 =	sand.u32 $0x4000, s31;
	s1 =	sadd.s32 s1, s30  }
0xcf: {  	s0 =	sor.u32 s4, s0;
	s1 =	sshll.u32 s1, $0x11  }
0xd0: {  	s0 =	sor.u32 s1, s0  }
0xd1: {  	s0 =	sadd.s32 $0x8F2B, s0  }
0xd2: {  	[sflag:s0] =	ssyncadd.remote.s32 $0x1  }
0xd3: {  	_ =	sfence.sel $0xFFFF  }
0xd4: {  	[dreg:$0x0] =	wrdreg $0xFFFFFFFF;
	(pc) =	sbr.abs _section_cstart, $3  }
0xd5: {  	[dreg:$0x1] =	wrdreg $0xFFFFFFFF  }
0xd6: {  	_ =	task.clear_ibuf [dreg:s22], $0x2FFFF;
	_ =	strace $0x9FFFFFFF  }
0xd7: {  	(tm) =	ssettm $0x7FFFFFFF  }
tec
execute0_lowered:
.L_overlay_start_1:
0x0: {  	(tag) =	ssettag $0x1  }
0x1: {  	s0 =	srdreg.scid;
	s1 =	rddreg [dreg:$0x0]  }
0x2: {  	s11 =	stileid.u32;
	s8 =	rddreg [dreg:$0x1]  }
0x3: {  	s2 =	simm.s32 $0x0;
	s12 =	simm.s32 $0x80;
	s13 =	simm.s32 $0x640  }
0x4: {  	s14 =	simm.s32 $0x48;
	s29 =	simm.s32 $0x320;
	s30 =	simm.s32 $0x2  }
0x5: {  	s31 =	simm.s32 $0x3840;
	s28 =	simm.s32 $0x3;
	s10 =	smul.u32 $0x32000, s11  }
0x6: {  	s0 =	sand.u32 $0x1, s0;
	s3 =	sshll.u32 s11, $0xA;
	s26 =	smul.u32 $0x64000, s11  }
0x7: {  	[smem:$0x7FF] =	sst s2;
	s4 =	sshll.u32 s0, $0x9;
	s25 =	smul.u32 $0x19000, s0  }
0x8: {  	s5 =	ssub.s32 $0x2, s0;
	s0 =	smul.u32 $0x32000, s0;
	s3 =	sor.u32 s4, s3  }
0x9: {  	s9 =	sadd.s32 $0x1000, s1;
	s11 =	simm.s32 $0x4;
	s4 =	smul.u32 $0x19, s3  }
0xa: {  	_ =	strace $0x8000004A;
	s7 =	sshrl.u32 s5, $0x1;
	s6 =	smul.u32 $0x190, s3  }
0xb: {  	s3 =	sadd.s32 $0xFA7400, s1;
	s24 =	ssub.s32 s5, s7;
	s10 =	sadd.s32 s25, s10  }
0xc: {  	s1 =	sadd.s32 s26, s8;
	s25 =	simm.s32 $0x5F8;
	s26 =	simm.s32 $0x65C0  }
0xd: {  	s5 =	smax.u32 s24, $0x1;
	s10 =	sor.u32 $0x640, s10;
	s0 =	sadd.s32 s0, s1  }
0xe: {  	s1 =	simm.s32 $0x1;
	s4 =	sadd.s32 s9, s4;
	s6 =	sadd.s32 s8, s6  }
0xf: {  	s10 =	sshrl.u32 s10, $0x3;
	s7 =	sadd.s32 $0x319C0, s6;
	s8 =	sadd.s32 $0x64, s4  }
0x10: {  	s16 =	sadd.s32 s10, s9;
	s10 =	sadd.s32 $0x640, s0;
	s0 =	simm.s32 $0x0  }
.LBB2_1:
0x11: {  	[tilespmem:s2], [sflag:$0x4] =	stream.linear.gather [hbm4b:s4+s2], $0x320, $0x38;
	[tilespmem:$0x6A40] =	vst v63  }
0x12: {  	_ =	swait.ge [sflag:s11], $0x320  }
0x13: {  	[sflag:s11] =	ssyncset.done $0x0  }
0x14: {  	[sflag:s11] =	ssyncadd.s32 $0xFFFFFCE0  }
0x15: {  	[tilespmem:s13], [sflag:$0x2] =	stream.indirect.gather [hbm4b:s3+s12], $0x10, s2, s12, $0xb8;
	[tilespmem:$0x6A40] =	vst v63  }
0x16: {  	s9 =	simm.s32 $0xE40  }
0x17: {  	[tilespmem:s9], [sflag:$0x2] =	stream.indirect.gather [hbm4b:s3+s14], $0x10, s12, s14, $0xb8;
	[tilespmem:$0x6A40] =	vst v63  }
0x18: {  	s24 =	simm.s32 $0xC8;
	s15 =	simm.s32 $0x12C0  }
0x19: {  	[tilespmem:s15], [sflag:$0x2] =	stream.indirect.gather [hbm4b:s3+s12], $0x10, s24, s12, $0xb8;
	[tilespmem:$0x6A40] =	vst v63  }
0x1a: {  	s17 =	simm.s32 $0x148;
	s18 =	simm.s32 $0x1AC0  }
0x1b: {  	[tilespmem:s18], [sflag:$0x2] =	stream.indirect.gather [hbm4b:s3+s14], $0x10, s17, s14, $0xb8;
	[tilespmem:$0x6A40] =	vst v63  }
0x1c: {  	s19 =	simm.s32 $0x190;
	s20 =	simm.s32 $0x1F40  }
0x1d: {  	[tilespmem:s20], [sflag:$0x2] =	stream.indirect.gather [hbm4b:s3+s12], $0x10, s19, s12, $0xb8;
	[tilespmem:$0x6A40] =	vst v63  }
0x1e: {  	s21 =	simm.s32 $0x210;
	s22 =	simm.s32 $0x2740  }
0x1f: {  	[tilespmem:s22], [sflag:$0x2] =	stream.indirect.gather [hbm4b:s3+s14], $0x10, s21, s14, $0xb8;
	[tilespmem:$0x6A40] =	vst v63  }
0x20: {  	s23 =	simm.s32 $0x258;
	s24 =	simm.s32 $0x2BC0  }
0x21: {  	[tilespmem:s24], [sflag:$0x2] =	stream.indirect.gather [hbm4b:s3+s12], $0x10, s23, s12, $0xb8;
	[tilespmem:$0x6A40] =	vst v63  }
0x22: {  	s17 =	simm.s32 $0x2D8;
	s18 =	simm.s32 $0x33C0  }
0x23: {  	[tilespmem:s18], [sflag:$0x2] =	stream.indirect.gather [hbm4b:s3+s14], $0x10, s17, s14, $0xb8;
	[tilespmem:$0x6A40] =	vst v63  }
0x24: {  	_ = 	snop  }
0x25: {  	[tilespmem:s29], [sflag:$0x1] =	stream.linear.gather [hbm4b:s8+s2], $0x320, $0x38;
	[tilespmem:$0x6A40] =	vst v63  }
0x26: {  	_ =	swait.ge [sflag:s30], $0x800  }
0x27: {  	[sflag:s30] =	ssyncset.done $0x0  }
0x28: {  	[sflag:s30] =	ssyncadd.s32 $0xFFFFF800  }
0x29: {  	_ =	swait.ge [sflag:s30], $0x480  }
0x2a: {  	[sflag:s30] =	ssyncset.done $0x0  }
0x2b: {  	[sflag:s30] =	ssyncadd.s32 $0xFFFFFB80  }
0x2c: {  	_ =	swait.ge [sflag:s30], $0x800  }
0x2d: {  	[sflag:s30] =	ssyncset.done $0x0  }
0x2e: {  	[sflag:s30] =	ssyncadd.s32 $0xFFFFF800  }
0x2f: {  	_ =	swait.ge [sflag:s30], $0x480  }
0x30: {  	[sflag:s30] =	ssyncset.done $0x0  }
0x31: {  	[sflag:s30] =	ssyncadd.s32 $0xFFFFFB80  }
0x32: {  	_ =	swait.ge [sflag:s30], $0x800  }
0x33: {  	[sflag:s30] =	ssyncset.done $0x0  }
0x34: {  	[sflag:s30] =	ssyncadd.s32 $0xFFFFF800  }
0x35: {  	_ =	swait.ge [sflag:s30], $0x480  }
0x36: {  	[sflag:s30] =	ssyncset.done $0x0  }
0x37: {  	[sflag:s30] =	ssyncadd.s32 $0xFFFFFB80  }
0x38: {  	_ =	swait.ge [sflag:s30], $0x800  }
0x39: {  	[sflag:s30] =	ssyncset.done $0x0  }
0x3a: {  	[sflag:s30] =	ssyncadd.s32 $0xFFFFF800  }
0x3b: {  	_ =	swait.ge [sflag:s30], $0x480  }
0x3c: {  	[sflag:s30] =	ssyncset.done $0x0  }
0x3d: {  	[sflag:s30] =	ssyncadd.s32 $0xFFFFFB80  }
0x3e: {  	[hbm4b:s6+s2] =	stream.linear.scatter [tilespmem:s13], [sflag:$0x3], $0x3200, $0x38;
	[tilespmem:$0x6A40] =	vst v63  }
0x3f: {  	_ =	swait.ge [sflag:s1], $0x320  }
0x40: {  	[sflag:s1] =	ssyncset.done $0x0  }
0x41: {  	[sflag:s1] =	ssyncadd.s32 $0xFFFFFCE0  }
0x42: {  	[tilespmem:s31], [sflag:$0x2] =	stream.indirect.gather [hbm4b:s3+s12], $0x10, s29, s12, $0xb8;
	[tilespmem:$0x6A40] =	vst v63  }
0x43: {  	s19 =	simm.s32 $0x3A0;
	s20 =	simm.s32 $0x4040  }
0x44: {  	[tilespmem:s20], [sflag:$0x2] =	stream.indirect.gather [hbm4b:s3+s14], $0x10, s19, s14, $0xb8;
	[tilespmem:$0x6A40] =	vst v63  }
0x45: {  	s21 =	simm.s32 $0x3E8;
	s22 =	simm.s32 $0x44C0  }
0x46: {  	[tilespmem:s22], [sflag:$0x2] =	stream.indirect.gather [hbm4b:s3+s12], $0x10, s21, s12, $0xb8;
	[tilespmem:$0x6A40] =	vst v63  }
0x47: {  	s23 =	simm.s32 $0x468;
	s24 =	simm.s32 $0x4CC0  }
0x48: {  	[tilespmem:s24], [sflag:$0x2] =	stream.indirect.gather [hbm4b:s3+s14], $0x10, s23, s14, $0xb8;
	[tilespmem:$0x6A40] =	vst v63  }
0x49: {  	s17 =	simm.s32 $0x4B0;
	s18 =	simm.s32 $0x5140  }
0x4a: {  	[tilespmem:s18], [sflag:$0x2] =	stream.indirect.gather [hbm4b:s3+s12], $0x10, s17, s12, $0xb8;
	[tilespmem:$0x6A40] =	vst v63  }
0x4b: {  	s19 =	simm.s32 $0x530;
	s20 =	simm.s32 $0x5940;
	s23 =	sand.u32 $0x1, s1  }
0x4c: {  	[tilespmem:s20], [sflag:$0x2] =	stream.indirect.gather [hbm4b:s3+s14], $0x10, s19, s14, $0xb8;
	[tilespmem:$0x6A40] =	vst v63  }
0x4d: {  	s21 =	simm.s32 $0x578;
	s22 =	simm.s32 $0x5DC0;
	s17 =	sxor.u32 $0x1, s23  }
0x4e: {  	[tilespmem:s22], [sflag:$0x2] =	stream.indirect.gather [hbm4b:s3+s12], $0x10, s21, s12, $0xb8;
	[tilespmem:$0x6A40] =	vst v63  }
0x4f: {  	s24 =	smul.u32 $0xC80, s17  }
0x50: {  	[tilespmem:s26], [sflag:$0x2] =	stream.indirect.gather [hbm4b:s3+s14], $0x10, s25, s14, $0xb8;
	[tilespmem:$0x6A40] =	vst v63  }
0x51: {  	s9 =	sshrl.u32 s24, $0x2  }
0x52: {  	[tilespmem:s9], [sflag:$0x1] =	stream.linear.gather [hbm4b:s16+s2], $0x320, $0x38;
	[tilespmem:$0x6A40] =	vst v63  }
0x53: {  	_ =	swait.ge [sflag:s30], $0x800  }
0x54: {  	[sflag:s30] =	ssyncset.done $0x0  }
0x55: {  	[sflag:s30] =	ssyncadd.s32 $0xFFFFF800  }
0x56: {  	_ =	swait.ge [sflag:s30], $0x480  }
0x57: {  	[sflag:s30] =	ssyncset.done $0x0  }
0x58: {  	[sflag:s30] =	ssyncadd.s32 $0xFFFFFB80  }
0x59: {  	_ =	swait.ge [sflag:s30], $0x800  }
0x5a: {  	[sflag:s30] =	ssyncset.done $0x0  }
0x5b: {  	[sflag:s30] =	ssyncadd.s32 $0xFFFFF800  }
0x5c: {  	_ =	swait.ge [sflag:s30], $0x480  }
0x5d: {  	[sflag:s30] =	ssyncset.done $0x0  }
0x5e: {  	[sflag:s30] =	ssyncadd.s32 $0xFFFFFB80  }
0x5f: {  	_ =	swait.ge [sflag:s30], $0x800  }
0x60: {  	[sflag:s30] =	ssyncset.done $0x0  }
0x61: {  	[sflag:s30] =	ssyncadd.s32 $0xFFFFF800  }
0x62: {  	_ =	swait.ge [sflag:s30], $0x480  }
0x63: {  	[sflag:s30] =	ssyncset.done $0x0  }
0x64: {  	[sflag:s30] =	ssyncadd.s32 $0xFFFFFB80  }
0x65: {  	_ =	swait.ge [sflag:s30], $0x800  }
0x66: {  	[sflag:s30] =	ssyncset.done $0x0  }
0x67: {  	s15 =	smul.u32 $0xC800, s23;
	[sflag:s30] =	ssyncadd.s32 $0xFFFFF800  }
0x68: {  	_ =	swait.ge [sflag:s30], $0x480  }
0x69: {  	s15 =	sshrl.u32 s15, $0x2;
	[sflag:s30] =	ssyncset.done $0x0  }
0x6a: {  	s15 =	sadd.s32 $0x640, s15;
	[sflag:s30] =	ssyncadd.s32 $0xFFFFFB80  }
0x6b: {  	[hbm4b:s10+s2] =	stream.linear.scatter [tilespmem:s15], [sflag:$0x3], $0x3200, $0x38;
	[tilespmem:$0x6A40] =	vst v63  }
0x6c: {  	_ =	swait.ge [sflag:s28], $0x3200  }
0x6d: {  	[sflag:s28] =	ssyncset.done $0x0  }
0x6e: {  	s18 =	smul.u32 $0xC800, s17;
	[sflag:s28] =	ssyncadd.s32 $0xFFFFCE00  }
0x6f: {  	_ =	swait.ge [sflag:s1], $0x320  }
0x70: {  	s18 =	sshrl.u32 s18, $0x2;
	[sflag:s1] =	ssyncset.done $0x0  }
0x71: {  	s15 =	sadd.s32 $0x640, s18;
	[sflag:s1] =	ssyncadd.s32 $0xFFFFFCE0  }
0x72: {  	[tilespmem:s15], [sflag:$0x2] =	stream.indirect.gather [hbm4b:s3+s12], $0x10, s9, s12, $0xb8;
	[tilespmem:$0x6A40] =	vst v63  }
0x73: {  	s19 =	sadd.s32 $0xE40, s18;
	s20 =	sadd.s32 $0x80, s9  }
0x74: {  	[tilespmem:s19], [sflag:$0x2] =	stream.indirect.gather [hbm4b:s3+s14], $0x10, s20, s14, $0xb8;
	[tilespmem:$0x6A40] =	vst v63  }
0x75: {  	s21 =	sadd.s32 $0x12C0, s18;
	s22 =	sadd.s32 $0xC8, s9;
	s23 =	sadd.s32 $0x1AC0, s18  }
0x76: {  	[tilespmem:s21], [sflag:$0x2] =	stream.indirect.gather [hbm4b:s3+s12], $0x10, s22, s12, $0xb8;
	[tilespmem:$0x6A40] =	vst v63  }
0x77: {  	s24 =	sadd.s32 $0x148, s9;
	s15 =	sadd.s32 $0x640, s10;
	s19 =	sadd.s32 $0x1F40, s18  }
0x78: {  	[tilespmem:s23], [sflag:$0x2] =	stream.indirect.gather [hbm4b:s3+s14], $0x10, s24, s14, $0xb8;
	[tilespmem:$0x6A40] =	vst v63  }
0x79: {  	s20 =	sadd.s32 $0x190, s9;
	s21 =	sadd.s32 $0x2740, s18;
	s22 =	sadd.s32 $0x210, s9  }
0x7a: {  	[tilespmem:s19], [sflag:$0x2] =	stream.indirect.gather [hbm4b:s3+s12], $0x10, s20, s12, $0xb8;
	[tilespmem:$0x6A40] =	vst v63  }
0x7b: {  	s23 =	simm.s32 $0x2;
	s24 =	sadd.s32 $0x2BC0, s18;
	s19 =	sadd.s32 $0x258, s9  }
0x7c: {  	[tilespmem:s21], [sflag:$0x2] =	stream.indirect.gather [hbm4b:s3+s14], $0x10, s22, s14, $0xb8;
	[tilespmem:$0x6A40] =	vst v63  }
0x7d: {  	s21 =	sand.u32 $0x1, s23;
	s22 =	sadd.s32 $0x33C0, s18;
	s23 =	sadd.s32 $0x2D8, s9  }
0x7e: {  	[tilespmem:s24], [sflag:$0x2] =	stream.indirect.gather [hbm4b:s3+s12], $0x10, s19, s12, $0xb8;
	[tilespmem:$0x6A40] =	vst v63  }
0x7f: {  	s9 =	smov.u32 s16;
	s17 =	sxor.u32 $0x1, s21;
	s19 =	simm.s32 $0x3  }
.LBB2_2:
0x80: {  	s24 =	smul.u32 $0xC80, s17  }
0x81: {  	s9 =	sadd.s32 $0x64, s9;
	s20 =	smov.u32 s19;
	s18 =	sadd.s32 $0x1, s19  }
0x82: {  	[tilespmem:s22], [sflag:$0x2] =	stream.indirect.gather [hbm4b:s3+s14], $0x10, s23, s14, $0xb8;
	[tilespmem:$0x6A40] =	vst v63  }
0x83: {  	p0 =	sne.s32 s19, $0x7E;
	s21 =	smul.u32 $0xC800, s21;
	s19 =	sshrl.u32 s24, $0x2  }
0x84: {  	[tilespmem:s19], [sflag:$0x1] =	stream.linear.gather [hbm4b:s9+s2], $0x320, $0x38;
	[tilespmem:$0x6A40] =	vst v63  }
0x85: {  	s21 =	sshrl.u32 s21, $0x2;
	_ =	swait.ge [sflag:s30], $0x800  }
0x86: {  	[sflag:s30] =	ssyncset.done $0x0  }
0x87: {  	[sflag:s30] =	ssyncadd.s32 $0xFFFFF800  }
0x88: {  	_ =	swait.ge [sflag:s30], $0x480  }
0x89: {  	[sflag:s30] =	ssyncset.done $0x0  }
0x8a: {  	[sflag:s30] =	ssyncadd.s32 $0xFFFFFB80  }
0x8b: {  	_ =	swait.ge [sflag:s30], $0x800  }
0x8c: {  	[sflag:s30] =	ssyncset.done $0x0  }
0x8d: {  	[sflag:s30] =	ssyncadd.s32 $0xFFFFF800  }
0x8e: {  	_ =	swait.ge [sflag:s30], $0x480  }
0x8f: {  	[sflag:s30] =	ssyncset.done $0x0  }
0x90: {  	[sflag:s30] =	ssyncadd.s32 $0xFFFFFB80  }
0x91: {  	_ =	swait.ge [sflag:s30], $0x800  }
0x92: {  	[sflag:s30] =	ssyncset.done $0x0  }
0x93: {  	[sflag:s30] =	ssyncadd.s32 $0xFFFFF800  }
0x94: {  	_ =	swait.ge [sflag:s30], $0x480  }
0x95: {  	[sflag:s30] =	ssyncset.done $0x0  }
0x96: {  	[sflag:s30] =	ssyncadd.s32 $0xFFFFFB80  }
0x97: {  	_ =	swait.ge [sflag:s30], $0x800  }
0x98: {  	[sflag:s30] =	ssyncset.done $0x0  }
0x99: {  	[sflag:s30] =	ssyncadd.s32 $0xFFFFF800  }
0x9a: {  	_ =	swait.ge [sflag:s30], $0x480  }
0x9b: {  	[sflag:s30] =	ssyncset.done $0x0  }
0x9c: {  	s21 =	sadd.s32 $0x640, s21;
	[sflag:s30] =	ssyncadd.s32 $0xFFFFFB80  }
0x9d: {  	[hbm4b:s15+s2] =	stream.linear.scatter [tilespmem:s21], [sflag:$0x3], $0x3200, $0x38;
	[tilespmem:$0x6A40] =	vst v63  }
0x9e: {  	_ =	swait.ge [sflag:s28], $0x3200  }
0x9f: {  	[sflag:s28] =	ssyncset.done $0x0  }
0xa0: {  	s17 =	smul.u32 $0xC800, s17;
	[sflag:s28] =	ssyncadd.s32 $0xFFFFCE00  }
0xa1: {  	_ =	swait.ge [sflag:s1], $0x320  }
0xa2: {  	s22 =	sshrl.u32 s17, $0x2;
	[sflag:s1] =	ssyncset.done $0x0  }
0xa3: {  	s17 =	sadd.s32 $0x640, s22;
	[sflag:s1] =	ssyncadd.s32 $0xFFFFFCE0  }
0xa4: {  	[tilespmem:s17], [sflag:$0x2] =	stream.indirect.gather [hbm4b:s3+s12], $0x10, s19, s12, $0xb8;
	[tilespmem:$0x6A40] =	vst v63  }
0xa5: {  	s21 =	sadd.s32 $0x80, s19;
	s17 =	sadd.s32 $0xE40, s22  }
0xa6: {  	[tilespmem:s17], [sflag:$0x2] =	stream.indirect.gather [hbm4b:s3+s14], $0x10, s21, s14, $0xb8;
	[tilespmem:$0x6A40] =	vst v63  }
0xa7: {  	s17 =	sadd.s32 $0x12C0, s22;
	s21 =	sadd.s32 $0xC8, s19  }
0xa8: {  	[tilespmem:s17], [sflag:$0x2] =	stream.indirect.gather [hbm4b:s3+s12], $0x10, s21, s12, $0xb8;
	[tilespmem:$0x6A40] =	vst v63  }
0xa9: {  	s23 =	sadd.s32 $0x2D8, s19;
	s17 =	sadd.s32 $0x1AC0, s22;
	s21 =	sadd.s32 $0x148, s19  }
0xaa: {  	[tilespmem:s17], [sflag:$0x2] =	stream.indirect.gather [hbm4b:s3+s14], $0x10, s21, s14, $0xb8;
	[tilespmem:$0x6A40] =	vst v63  }
0xab: {  	s15 =	sadd.s32 $0x640, s15;
	s17 =	sadd.s32 $0x1F40, s22;
	s21 =	sadd.s32 $0x190, s19  }
0xac: {  	[tilespmem:s17], [sflag:$0x2] =	stream.indirect.gather [hbm4b:s3+s12], $0x10, s21, s12, $0xb8;
	[tilespmem:$0x6A40] =	vst v63  }
.Ltmp0:
0xad: {  	s17 =	sadd.s32 $0x2740, s22;
	s21 =	sadd.s32 $0x210, s19;
	(pc) =	sbr.rel @p0 .LBB2_2-.Ltmp0, $4  }
0xae: {  	[tilespmem:s17], [sflag:$0x2] =	stream.indirect.gather [hbm4b:s3+s14], $0x10, s21, s14, $0xb8;
	[tilespmem:$0x6A40] =	vst v63  }
0xaf: {  	s21 =	sand.u32 $0x1, s20;
	s17 =	sadd.s32 $0x2BC0, s22;
	s20 =	sadd.s32 $0x258, s19  }
0xb0: {  	[tilespmem:s17], [sflag:$0x2] =	stream.indirect.gather [hbm4b:s3+s12], $0x10, s20, s12, $0xb8;
	[tilespmem:$0x6A40] =	vst v63  }
0xb1: {  	s22 =	sadd.s32 $0x33C0, s22;
	s19 =	smov.u32 s18;
	s17 =	sxor.u32 $0x1, s21  }
0xb2: {  	s18 =	smul.u32 $0xC80, s17  }
0xb3: {  	[tilespmem:s22], [sflag:$0x2] =	stream.indirect.gather [hbm4b:s3+s14], $0x10, s23, s14, $0xb8;
	[tilespmem:$0x6A40] =	vst v63  }
0xb4: {  	s9 =	sadd.s32 $0x64, s9;
	s18 =	sshrl.u32 s18, $0x2  }
0xb5: {  	[tilespmem:s18], [sflag:$0x1] =	stream.linear.gather [hbm4b:s9+s2], $0x320, $0x38;
	[tilespmem:$0x6A40] =	vst v63  }
0xb6: {  	_ =	swait.ge [sflag:s30], $0x800  }
0xb7: {  	[sflag:s30] =	ssyncset.done $0x0  }
0xb8: {  	[sflag:s30] =	ssyncadd.s32 $0xFFFFF800  }
0xb9: {  	_ =	swait.ge [sflag:s30], $0x480  }
0xba: {  	[sflag:s30] =	ssyncset.done $0x0  }
0xbb: {  	[sflag:s30] =	ssyncadd.s32 $0xFFFFFB80  }
0xbc: {  	_ =	swait.ge [sflag:s30], $0x800  }
0xbd: {  	[sflag:s30] =	ssyncset.done $0x0  }
0xbe: {  	[sflag:s30] =	ssyncadd.s32 $0xFFFFF800  }
0xbf: {  	_ =	swait.ge [sflag:s30], $0x480  }
0xc0: {  	[sflag:s30] =	ssyncset.done $0x0  }
0xc1: {  	[sflag:s30] =	ssyncadd.s32 $0xFFFFFB80  }
0xc2: {  	_ =	swait.ge [sflag:s30], $0x800  }
0xc3: {  	[sflag:s30] =	ssyncset.done $0x0  }
0xc4: {  	[sflag:s30] =	ssyncadd.s32 $0xFFFFF800  }
0xc5: {  	_ =	swait.ge [sflag:s30], $0x480  }
0xc6: {  	[sflag:s30] =	ssyncset.done $0x0  }
0xc7: {  	[sflag:s30] =	ssyncadd.s32 $0xFFFFFB80  }
0xc8: {  	_ =	swait.ge [sflag:s30], $0x800  }
0xc9: {  	[sflag:s30] =	ssyncset.done $0x0  }
0xca: {  	s24 =	smul.u32 $0xC800, s21;
	[sflag:s30] =	ssyncadd.s32 $0xFFFFF800  }
0xcb: {  	_ =	swait.ge [sflag:s30], $0x480  }
0xcc: {  	s9 =	sshrl.u32 s24, $0x2;
	[sflag:s30] =	ssyncset.done $0x0  }
0xcd: {  	s9 =	sadd.s32 $0x640, s9;
	[sflag:s30] =	ssyncadd.s32 $0xFFFFFB80  }
0xce: {  	[hbm4b:s15+s2] =	stream.linear.scatter [tilespmem:s9], [sflag:$0x3], $0x3200, $0x38;
	[tilespmem:$0x6A40] =	vst v63  }
0xcf: {  	_ =	swait.ge [sflag:s28], $0x3200  }
0xd0: {  	[sflag:s28] =	ssyncset.done $0x0  }
0xd1: {  	s15 =	smul.u32 $0xC800, s17;
	[sflag:s28] =	ssyncadd.s32 $0xFFFFCE00  }
0xd2: {  	_ =	swait.ge [sflag:s1], $0x320  }
0xd3: {  	s9 =	sshrl.u32 s15, $0x2;
	[sflag:s1] =	ssyncset.done $0x0  }
0xd4: {  	s17 =	sadd.s32 $0x640, s9;
	[sflag:s1] =	ssyncadd.s32 $0xFFFFFCE0  }
0xd5: {  	[tilespmem:s17], [sflag:$0x2] =	stream.indirect.gather [hbm4b:s3+s12], $0x10, s18, s12, $0xb8;
	[tilespmem:$0x6A40] =	vst v63  }
0xd6: {  	s20 =	sadd.s32 $0x80, s18;
	s19 =	sadd.s32 $0xE40, s9  }
0xd7: {  	[tilespmem:s19], [sflag:$0x2] =	stream.indirect.gather [hbm4b:s3+s14], $0x10, s20, s14, $0xb8;
	[tilespmem:$0x6A40] =	vst v63  }
0xd8: {  	s22 =	sadd.s32 $0xC8, s18;
	s21 =	sadd.s32 $0x12C0, s9  }
0xd9: {  	[tilespmem:s21], [sflag:$0x2] =	stream.indirect.gather [hbm4b:s3+s12], $0x10, s22, s12, $0xb8;
	[tilespmem:$0x6A40] =	vst v63  }
0xda: {  	s24 =	sadd.s32 $0x148, s18;
	s23 =	sadd.s32 $0x1AC0, s9  }
0xdb: {  	[tilespmem:s23], [sflag:$0x2] =	stream.indirect.gather [hbm4b:s3+s14], $0x10, s24, s14, $0xb8;
	[tilespmem:$0x6A40] =	vst v63  }
0xdc: {  	s17 =	sadd.s32 $0x1F40, s9;
	s19 =	sadd.s32 $0x190, s18  }
0xdd: {  	[tilespmem:s17], [sflag:$0x2] =	stream.indirect.gather [hbm4b:s3+s12], $0x10, s19, s12, $0xb8;
	[tilespmem:$0x6A40] =	vst v63  }
0xde: {  	s20 =	sadd.s32 $0x2740, s9;
	s21 =	sadd.s32 $0x210, s18  }
0xdf: {  	[tilespmem:s20], [sflag:$0x2] =	stream.indirect.gather [hbm4b:s3+s14], $0x10, s21, s14, $0xb8;
	[tilespmem:$0x6A40] =	vst v63  }
0xe0: {  	s22 =	sadd.s32 $0x2BC0, s9;
	s23 =	sadd.s32 $0x258, s18  }
0xe1: {  	[tilespmem:s22], [sflag:$0x2] =	stream.indirect.gather [hbm4b:s3+s12], $0x10, s23, s12, $0xb8;
	[tilespmem:$0x6A40] =	vst v63  }
0xe2: {  	s9 =	sadd.s32 $0x33C0, s9;
	s24 =	sadd.s32 $0x2D8, s18  }
0xe3: {  	[tilespmem:s9], [sflag:$0x2] =	stream.indirect.gather [hbm4b:s3+s14], $0x10, s24, s14, $0xb8;
	[tilespmem:$0x6A40] =	vst v63  }
0xe4: {  	_ =	swait.ge [sflag:s30], $0x800  }
0xe5: {  	[sflag:s30] =	ssyncset.done $0x0  }
0xe6: {  	[sflag:s30] =	ssyncadd.s32 $0xFFFFF800  }
0xe7: {  	_ =	swait.ge [sflag:s30], $0x480  }
0xe8: {  	[sflag:s30] =	ssyncset.done $0x0  }
0xe9: {  	[sflag:s30] =	ssyncadd.s32 $0xFFFFFB80  }
0xea: {  	_ =	swait.ge [sflag:s30], $0x800  }
0xeb: {  	[sflag:s30] =	ssyncset.done $0x0  }
0xec: {  	[sflag:s30] =	ssyncadd.s32 $0xFFFFF800  }
0xed: {  	_ =	swait.ge [sflag:s30], $0x480  }
0xee: {  	[sflag:s30] =	ssyncset.done $0x0  }
0xef: {  	[sflag:s30] =	ssyncadd.s32 $0xFFFFFB80  }
0xf0: {  	_ =	swait.ge [sflag:s30], $0x800  }
0xf1: {  	[sflag:s30] =	ssyncset.done $0x0  }
0xf2: {  	[sflag:s30] =	ssyncadd.s32 $0xFFFFF800  }
0xf3: {  	_ =	swait.ge [sflag:s30], $0x480  }
0xf4: {  	[sflag:s30] =	ssyncset.done $0x0  }
0xf5: {  	[sflag:s30] =	ssyncadd.s32 $0xFFFFFB80  }
0xf6: {  	_ =	swait.ge [sflag:s30], $0x800  }
0xf7: {  	[sflag:s30] =	ssyncset.done $0x0  }
0xf8: {  	[sflag:s30] =	ssyncadd.s32 $0xFFFFF800  }
0xf9: {  	_ =	swait.ge [sflag:s30], $0x480  }
0xfa: {  	[sflag:s30] =	ssyncset.done $0x0  }
0xfb: {  	s0 =	sadd.s32 $0x1, s0;
	[sflag:s30] =	ssyncadd.s32 $0xFFFFFB80  }
0xfc: {  	[hbm4b:s7+s2] =	stream.linear.scatter [tilespmem:s31], [sflag:$0x3], $0x3200, $0x38;
	[tilespmem:$0x6A40] =	vst v63  }
0xfd: {  	p0 =	sne.s32 s0, s5;
	_ =	swait.ge [sflag:s28], $0x3200  }
.Ltmp1:
0xfe: {  	[sflag:s28] =	ssyncset.done $0x0;
	(pc) =	sbr.rel @p0 .LBB2_1-.Ltmp1, $4  }
0xff: {  	[sflag:s28] =	ssyncadd.s32 $0xFFFFCE00  }
0x100: {  	_ =	swait.ge [sflag:s28], $0x3200  }
0x101: {  	[sflag:s28] =	ssyncset.done $0x0  }
0x102: {  	[sflag:s28] =	ssyncadd.s32 $0xFFFFCE00  }
0x103: {  	_ =	sfence.sel $0x180000  }
0x104: {  	[bflag:$0x0] =	sbarrier.arrive $0xFFFF  }
0x105: {  	_ =	strace $0x9000004A  }
0x106: {  	s0 =	stileid.u32;
	[bflag:$0x2] =	sbarrier.arrive $0xFFFF  }
0x107: {  	p0 =	sne.s32 s0, $0x0;
	s0 =	rddreg [dreg:$0x2]  }
0x108: {  	s0 =	sadd.s32 @!p0 $0x100000, s0  }
0x109: {  	[sflag:s0] =	ssyncadd.tile.s32 @!p0 $0x1;
	_ =	shalt  }
.Lfunc_end2:
_tile_overlayer_lowered:
.L_overlay_start_2:
0x10a: {  	(tag) =	ssettag $0x2  }
0x10b: {  	s0 =	rddreg [dreg:$0x0];
	s2 =	stileid.u32  }
0x10c: {  	s1 =	rddreg [dreg:$0x1];
	p0 =	sne.s32 s2, $0x0  }
0x10d: {  	s3 =	rddreg [dreg:$0x2];
	[bflag:$0x3] =	sbarrier.arrive $0xFFFF;
	s2 =	simm.s32 @!p0 $0x1C04  }
0x10e: {  	[timem:s3], [sflag:s2] =	dma.local @!p0 [hbm:s0], s1  }
0x10f: {  	s0 =	simm.s32 @!p0 $0x4  }
0x110: {  	_ =	swait.ge @!p0 [sflag:s0], s1  }
0x111: {  	s1 =	ssub.s32 @!p0 $0x0, s1;
	[sflag:s0] =	ssyncset.done @!p0 $0x0  }
0x112: {  	[sflag:s0] =	ssyncadd.s32 @!p0 s1  }
0x113: {  	[bflag:$0x3] =	sbarrier.arrive $0xFFFF  }
0x114: {  	_ =	shalt  }

// kernel: sparse-core-data-format-call.1.cloned.1.call-start
scs
called_computation.1_lowered:
.L_overlay_start_0:
0x0: {  	s2 =	sld [smem:$0x3FD9]  }
0x1: {  	s3 =	sld [smem:$0x3FFE];
	_ =	sdelay $0x1  }
0x2: {  	s1 =	srdreg.scid  }
0x3: {  	s0 =	sand.u32 $0x1, s1  }
0x4: {  	s16 =	sshll.u32 s0, $0xA;
	s2 =	sadd.s32 s3, s2  }
0x5: {  	s2 =	sadd.s32 s2, s16  }
0x6: {  	[smem:$0x3FC5] =	sst s2  }
0x7: {  	_ = 	snop  }
0x8: {  	s2 =	sld [smem:$0x3FD0];
	_ =	sdelay $0x2  }
0x9: {  	s17 =	simm.s32 $0xB;
	s4 =	simm.s32 $0x10  }
0xa: {  	[smem:s4], [sflag:s17] =	dma.local [hbm:s2], $0x1  }
0xb: {  	_ =	swait.eq [sflag:s17], $0x1  }
0xc: {  	[sflag:s17] =	ssyncset.done $0x0  }
0xd: {  	[sflag:s17] =	ssyncadd.s32 $0xFFFFFFFF  }
0xe: {  	s18 =	sld [smem:$0x10];
	(tm) =	ssettm $0x1  }
0xf: {  	s19 =	sld [smem:$0x3FFB];
	_ =	sdelay $0x3  }
0x10: {  	_ =	strace s19  }
0x11: {  	s2 =	sld [smem:$0x3FFC];
	_ =	sdelay $0x3  }
0x12: {  	_ =	strace s2  }
0x13: {  	s2 =	sld [smem:$0x3FFD];
	_ =	sdelay $0x3  }
0x14: {  	_ =	strace s2  }
0x15: {  	_ =	strace $0x8FFFFFFF  }
0x16: {  	s20 =	sld [smem:$0x3FDB];
	_ =	sdelay $0x1  }
0x17: {  	s21 =	simm.s32 $_scs_section_size  }
0x18: {  	s5 =	simm.s32 $_size__tile_overlayer_lowered;
	s6 =	simm.s32 $_tile_overlayer_lowered  }
0x19: {  	s7 =	simm.s32 $0x1BFF;
	s22 =	sshll.u32 s6, $0x1;
	s4 =	sadd.s32 s21, s20  }
0x1a: {  	s23 =	simm.s32 $0x0;
	s5 =	sshll.u32 s5, $0x1;
	s6 =	sadd.s32 s22, s4  }
0x1b: {  	[timem:s23], [sflag:s7] =	dma.local [hbm:s6], s5  }
0x1c: {  	_ =	swait.ge [sflag:s7], s5  }
0x1d: {  	s5 =	ssub.s32 $0x0, s5;
	[sflag:s7] =	ssyncset.done $0x0  }
0x1e: {  	[sflag:s7] =	ssyncadd.s32 s5;
	_ =	sdelay $0x1  }
0x1f: {  	s24 =	simm.s32 $0x1B8B  }
0x20: {  	_ =	swait.ge [sflag:s24], $0x1  }
0x21: {  	[sflag:s24] =	ssyncset.done $0x0  }
0x22: {  	[sflag:s24] =	ssyncadd.s32 $0xFFFFFFFF  }
0x23: {  	s5 =	sld [smem:$0x0]  }
0x24: {  	s6 =	sand.u32 $0xFFFFFFFE, s1  }
0x25: {  	p0 =	sne.s32 s1, s6  }
0x26: {  	s6 =	sshll.u32 @p0 s6, $0xE  }
0x27: {  	s6 =	sadd.s32 @p0 $0x11B8D, s6;
	s7 =	sshll.u32 @p0 s5, $0x11  }
0x28: {  	s6 =	sor.u32 @p0 s7, s6  }
0x29: {  	[sflag:s6] =	ssyncadd.remote.s32 @p0 $0x1;
	_ =	sdelay $0x1  }
0x2a: {  	s6 =	simm.s32 @p0 $0x1B8D  }
0x2b: {  	_ =	swait.eq @p0 [sflag:s6], $0x1  }
0x2c: {  	[sflag:s6] =	ssyncadd.s32 @p0 $0xFFFFFFFF  }
0x2d: {  	s7 =	sshll.u32 @!p0 s1, $0xE  }
0x2e: {  	s7 =	sor.u32 @!p0 $0x4000, s7;
	s6 =	simm.s32 @!p0 $0x1B8D  }
0x2f: {  	s5 =	sshll.u32 @!p0 s5, $0x11;
	s7 =	sadd.s32 @!p0 $0x11B8D, s7;
	_ =	swait.eq @!p0 [sflag:s6], $0x1  }
0x30: {  	s5 =	sor.u32 @!p0 s5, s7;
	[sflag:s6] =	ssyncadd.s32 @!p0 $0xFFFFFFFF  }
0x31: {  	s26 =	simm.s32 $0x1B8E;
	s25 =	sld [smem:$0x3FFE];
	[sflag:s5] =	ssyncadd.remote.s32 @!p0 $0x1  }
0x32: {  	s27 =	simm.s32 $execute0_lowered;
	[smem:$0x3FD2] =	sst s26  }
0x33: {  	s6 =	sshll.u32 s27, $0x1;
	_ =	strace $0x8000004C;
	[dreg:$0x1] =	wrdreg $0xFFFFFFFF  }
0x34: {  	s28 =	simm.s32 $_size_execute0_lowered;
	s4 =	sadd.s32 s4, s6;
	[dreg:$0x0] =	wrdreg $0x0  }
0x35: {  	s6 =	sshll.u32 s28, $0x1;
	[dreg:$0x2] =	wrdreg s4  }
0x36: {  	[dreg:$0x3] =	wrdreg s6  }
0x37: {  	[dreg:$0x4] =	wrdreg $0xC0  }
0x38: {  	_ =	task [dreg:s23], $0x5FFFF  }
0x39: {  	[dreg:$0x1] =	wrdreg $0xFFFFFFFF  }
0x3a: {  	[dreg:$0x0] =	wrdreg $0x60  }
0x3b: {  	[dreg:$0x2] =	wrdreg s25  }
0x3c: {  	[dreg:$0x3] =	wrdreg s18  }
0x3d: {  	[dreg:$0x4] =	wrdreg $0x9  }
0x3e: {  	_ =	task.clear_ibuf [dreg:s23], $0x5FFFF;
	_ =	strace $0x9000004C  }
0x3f: {  	s29 =	simm.s32 $0x9;
	_ =	strace $0x8000004E  }
0x40: {  	_ =	swait.ge [sflag:s29], $0x1  }
0x41: {  	[sflag:s29] =	ssyncadd.s32 $0xFFFFFFFF  }
0x42: {  	_ =	strace $0x9000004E  }
0x43: {  	_ =	sfence  }
0x44: {  	s30 =	sld [smem:$0x0];
	_ =	sdelay $0x2  }
0x45: {  	s31 =	sshll.u32 s1, $0xD;
	s1 =	sshrl.u32 s1, $0x2  }
0x46: {  	s4 =	sand.u32 $0x4000, s31;
	s1 =	sadd.s32 s1, s30  }
0x47: {  	s0 =	sor.u32 s4, s0;
	s1 =	sshll.u32 s1, $0x11  }
0x48: {  	s0 =	sor.u32 s1, s0  }
0x49: {  	s0 =	sadd.s32 $0x8F2B, s0  }
0x4a: {  	[sflag:s0] =	ssyncadd.remote.s32 $0x1  }
0x4b: {  	_ =	sfence.sel $0xFFFF  }
0x4c: {  	[dreg:$0x0] =	wrdreg $0xFFFFFFFF;
	(pc) =	sbr.abs _section_cstart, $3  }
0x4d: {  	[dreg:$0x1] =	wrdreg $0xFFFFFFFF  }
0x4e: {  	_ =	task.clear_ibuf [dreg:s23], $0x2FFFF;
	_ =	strace $0x9FFFFFFF  }
0x4f: {  	(tm) =	ssettm $0x7FFFFFFF  }
tec
execute0_lowered:
.L_overlay_start_1:
0x0: {  	(tag) =	ssettag $0x1  }
0x1: {  	s0 =	srdreg.scid  }
0x2: {  	s1 =	sshll.u32 s0, $0x4  }
0x3: {  	s0 =	stileid.u32;
	s1 =	sand.u32 $0x10, s1  }
0x4: {  	s1 =	sor.u32 s0, s1  }
0x5: {  	s6 =	rddreg [dreg:$0x0];
	s4 =	simm.s32 $0x1;
	s2 =	sshll.u32 s1, $0x7  }
0x6: {  	s7 =	simm.s32 $0x2;
	s12 =	simm.s32 $0x0;
	s1 =	ssub.s32 $0x4000, s2  }
0x7: {  	s8 =	simm.s32 $0x20000;
	s13 =	simm.s32 $0x0;
	s3 =	sand.u32 $0xF80, s1  }
0x8: {  	s9 =	simm.s32 $0x0;
	s5 =	sshrl.u32 s1, $0xC;
	p0 =	sne.s32 s3, $0x0  }
.Ltmp0:
0x9: {  	s1 =	rddreg [dreg:$0x2];
	s4 =	simm.s32 @!p0 $0x0;
	(pc) =	sbr.rel .LBB1_1-.Ltmp0, $4  }
0xa: {  	s11 =	simm.s32 $0x0;
	s3 =	rddreg [dreg:$0x1];
	s5 =	sadd.s32 s4, s5  }
0xb: {  	_ =	strace $0x8000004D;
	s4 =	simm.s32 $0x1;
	s5 =	smul.u32 $0xC8, s5  }
0xc: {  	s6 =	sadd.s32 $0x118FA00, s6;
	s10 =	smov.u32 s2;
	[sflag:s4] =	ssyncpa.u1 $0x0  }
0xd: {  	p0 =	por $0x0, $0x0;
	[sflag:s7] =	ssyncpa.u1 $0x0;
	s7 =	sor.u32 $0x1, s5  }
.LBB1_4:
0xe: {  	s16 =	sshll.u32 s13, $0x3;
	s17 =	sand.u32 $0x78, s13  }
0xf: {  	s30 =	sand.u32 $0x7800, s13;
	s12 =	sshll.u32 s12, $0xF;
	s16 =	sand.u32 $0x3C00, s16  }
0x10: {  	s31 =	sand.u32 $0x7, s13;
	s16 =	sor.u32 s17, s16;
	s17 =	sadd.s32 s3, s30  }
0x11: {  	s13 =	sshll.u32 s31, $0x12;
	s16 =	sshrl.u32 s16, $0x3;
	s12 =	sadd.s32 s12, s17  }
0x12: {  	[tilespmem:s15+$0x0 ss:$0x81] =	vst.msk $0xffff, v1;
	s13 =	sor.u32 $0x400, s13;
	s12 =	sadd.s32 s16, s12  }
0x13: {  	[hbm4b:s12+s13] =	stream.strided.scatter [tilespmem:s14], [sflag:$0x2], $0x800, s8, s13, $0x20;
	[tilespmem:$0x2020] =	vst v63  }
.LBB1_5:
0x14: {  	s14 =	sadd.s32 $0x1, s9  }
0x15: {  	s12 =	sadd.s32 $0x1000, s10;
	s16 =	smov.u32 s10;
	p2 =	sgt.s32 s14, $0xC7  }
0x16: {  	s16 =	smov.u32 @p2 s12  }
0x17: {  	s14 =	simm.s32 @p2 $0x0;
	p2 =	sgt.s32 s16, $0x3FFF  }
0x18: {  	s16 =	smov.u32 @p2 s2;
	p2 =	sne.s32 s11, s7  }
.Ltmp1:
0x19: {  	p1 =	slt.u32 s11, $0x2;
	(pc) =	sbr.rel @!p2 .LBB1_6-.Ltmp1, $4  }
0x1a: {  	s15 =	simm.s32 @!p1 $0x2  }
0x1b: {  	s13 =	smov.u32 s10;
	p0 =	por !p0, !p0;
	_ =	swait.ge @!p1 [sflag:s15], $0x800  }
0x1c: {  	s12 =	smov.u32 s9;
	[sflag:s15] =	ssyncset.done @!p1 $0x0;
	s9 =	smov.u32 s14  }
0x1d: {  	s11 =	sadd.s32 $0x1, s11;
	[sflag:s15] =	ssyncadd.s32 @!p1 $0xFFFFF800;
	s10 =	smov.u32 s16  }
.LBB1_1:
0x1e: {  	p1 =	sge.u32 s11, s5  }
0x1f: {  	s14 =	sand.u32 @!p1 $0x1FFFFFF, s9  }
0x20: {  	s15 =	smulhi.u32 @!p1 $0x147AE15, s14;
	_ =	sdelay $0x1  }
0x21: {  	s15 =	smul.u32 @!p1 $0xC8, s15  }
0x22: {  	s16 =	sxor.u32 @!p1 $0xFFFFFFFF, s11;
	s17 =	smul.u32 @!p1 $0xC80, s10  }
0x23: {  	s31 =	sadd.s32 $0xFFFFFFFF, s11;
	s16 =	sshll.u32 @!p1 s16, $0xB;
	s14 =	ssub.s32 @!p1 s14, s15  }
0x24: {  	s15 =	sand.u32 @!p1 $0x800, s16;
	s16 =	sadd.s32 @!p1 s6, s17;
	s14 =	sshll.u32 @!p1 s14, $0x4  }
0x25: {  	s17 =	simm.s32 @!p1 $0x6400;
	s14 =	sadd.s32 @!p1 s14, s16;
	s16 =	simm.s32 @!p1 $0x10  }
0x26: {  	[tilespmem:s15], [sflag:$0x1] =	stream.strided.gather @!p1 [hbm4b:s14+s16], $0x800, s17, s16, $0x38;
	[tilespmem:$0x2020] =	vst v63  }
0x27: {  	p1 =	sge.u32 s31, s5  }
.Ltmp2:
0x28: {  	_ = 	snop;
	(pc) =	sbr.rel @p1 .LBB1_5-.Ltmp2, $1  }
0x29: {  	_ =	sdelay $0x3  }
0x2a: {  	s14 =	simm.s32 $0x1  }
0x2b: {  	s14 =	simm.s32 @!p0 $0x0  }
0x2c: {  	s15 =	sshll.u32 s14, $0xB  }
0x2d: {  	v0 =	vmov s15;
	_ =	sdelay $0x1  }
0x2e: {  	_ =	swait.ge [sflag:s4], $0x800  }
0x2f: {  	s31 =	sand.u32 $0x1, s11;
	[sflag:s4] =	ssyncset.done $0x0  }
0x30: {  	s17 =	simm.s32 $0x0;
	s14 =	smul.u32 $0x2040, s14;
	[sflag:s4] =	ssyncadd.s32 $0xFFFFF800  }
0x31: {  	s15 =	smul.u32 $0x2040, s31;
	v1 =	vld.idx.msk [tilespmem:v0+s17+$0x0 ss:$0x1], $0xffff;
	_ =	sdelay $0x1  }
0x32: {  	s14 =	sshrl.u32 s14, $0x2;
	s16 =	sshrl.u32 s15, $0x2  }
0x33: {  	s15 =	sor.u32 $0x1000, s14;
	s14 =	sor.u32 $0x1000, s16;
	s16 =	simm.s32 $0x40  }
.LBB1_3:
0x34: {  	s17 =	sshra.s32 s16, $0x2;
	p1 =	sne.s32 s16, $0x1FC0;
	s16 =	sadd.s32 $0x40, s16  }
.Ltmp3:
0x35: {  	[tilespmem:s15+$0x0 ss:$0x81] =	vst.msk $0xffff, v1;
	v1 =	vld.idx.msk [tilespmem:v0+s17+$0x0 ss:$0x1], $0xffff;
	(pc) =	sbr.rel @p1 .LBB1_3-.Ltmp3, $2  }
0x36: {  	_ =	sdelay $0x2  }
0x37: {  	s15 =	sadd.s32 $0x1, s15  }
.Ltmp4:
0x38: {  	_ = 	snop;
	(pc) =	sbr.rel .LBB1_4-.Ltmp4, $1  }
0x39: {  	_ =	sdelay $0x3  }
.LBB1_6:
0x3a: {  	_ =	sfence.sel $0x180000  }
0x3b: {  	s2 =	simm.s32 $0x1;
	[bflag:$0x0] =	sbarrier.arrive $0xFFFF  }
0x3c: {  	s31 =	simm.s32 $0x2;
	[sflag:s2] =	ssyncpa.u1 $0x1  }
0x3d: {  	[sflag:s31] =	ssyncpa.u1 $0x1  }
0x3e: {  	p0 =	sne.s32 s0, $0x0;
	_ =	strace $0x9000004D  }
0x3f: {  	s0 =	sadd.s32 @!p0 $0x100000, s1;
	[bflag:$0x2] =	sbarrier.arrive $0xFFFF  }
0x40: {  	[sflag:s0] =	ssyncadd.tile.s32 @!p0 $0x1;
	_ =	shalt  }
.Lfunc_end1:
_tile_overlayer_lowered:
.L_overlay_start_2:
0x41: {  	(tag) =	ssettag $0x2  }
0x42: {  	s0 =	rddreg [dreg:$0x0];
	s2 =	stileid.u32  }
0x43: {  	s1 =	rddreg [dreg:$0x1];
	p0 =	sne.s32 s2, $0x0  }
0x44: {  	s3 =	rddreg [dreg:$0x2];
	[bflag:$0x3] =	sbarrier.arrive $0xFFFF;
	s2 =	simm.s32 @!p0 $0x1C01  }
0x45: {  	[timem:s3], [sflag:s2] =	dma.local @!p0 [hbm:s0], s1  }
0x46: {  	s0 =	simm.s32 @!p0 $0x1  }
0x47: {  	_ =	swait.ge @!p0 [sflag:s0], s1  }
0x48: {  	s1 =	ssub.s32 @!p0 $0x0, s1;
	[sflag:s0] =	ssyncset.done @!p0 $0x0  }
0x49: {  	[sflag:s0] =	ssyncadd.s32 @!p0 s1  }
0x4a: {  	[bflag:$0x3] =	sbarrier.arrive $0xFFFF  }
0x4b: {  	_ =	shalt  }

// kernel: sparse-core-data-format-call.cloned.1.call-start
scs
called_computation_lowered:
.L_overlay_start_0:
0x0: {  	s2 =	sld [smem:$0x3FD9]  }
0x1: {  	s3 =	sld [smem:$0x3FFE];
	_ =	sdelay $0x1  }
0x2: {  	s1 =	srdreg.scid  }
0x3: {  	s0 =	sand.u32 $0x1, s1  }
0x4: {  	s16 =	sshll.u32 s0, $0xA;
	s2 =	sadd.s32 s3, s2  }
0x5: {  	s2 =	sadd.s32 s2, s16  }
0x6: {  	[smem:$0x3FC5] =	sst s2  }
0x7: {  	_ = 	snop  }
0x8: {  	s2 =	sld [smem:$0x3FD0];
	_ =	sdelay $0x2  }
0x9: {  	s17 =	simm.s32 $0xB;
	s4 =	simm.s32 $0x10  }
0xa: {  	[smem:s4], [sflag:s17] =	dma.local [hbm:s2], $0x1  }
0xb: {  	_ =	swait.eq [sflag:s17], $0x1  }
0xc: {  	[sflag:s17] =	ssyncset.done $0x0  }
0xd: {  	[sflag:s17] =	ssyncadd.s32 $0xFFFFFFFF  }
0xe: {  	s18 =	sld [smem:$0x12];
	(tm) =	ssettm $0x1  }
0xf: {  	s19 =	sld [smem:$0x3FFB];
	_ =	sdelay $0x3  }
0x10: {  	_ =	strace s19  }
0x11: {  	s2 =	sld [smem:$0x3FFC];
	_ =	sdelay $0x3  }
0x12: {  	_ =	strace s2  }
0x13: {  	s2 =	sld [smem:$0x3FFD];
	_ =	sdelay $0x3  }
0x14: {  	_ =	strace s2  }
0x15: {  	_ =	strace $0x8FFFFFFF  }
0x16: {  	s20 =	sld [smem:$0x3FDB];
	_ =	sdelay $0x1  }
0x17: {  	s21 =	simm.s32 $_scs_section_size  }
0x18: {  	s5 =	simm.s32 $_size__tile_overlayer_lowered;
	s6 =	simm.s32 $_tile_overlayer_lowered  }
0x19: {  	s7 =	simm.s32 $0x1BFF;
	s22 =	sshll.u32 s6, $0x1;
	s4 =	sadd.s32 s21, s20  }
0x1a: {  	s23 =	simm.s32 $0x0;
	s5 =	sshll.u32 s5, $0x1;
	s6 =	sadd.s32 s22, s4  }
0x1b: {  	[timem:s23], [sflag:s7] =	dma.local [hbm:s6], s5  }
0x1c: {  	_ =	swait.ge [sflag:s7], s5  }
0x1d: {  	s5 =	ssub.s32 $0x0, s5;
	[sflag:s7] =	ssyncset.done $0x0  }
0x1e: {  	[sflag:s7] =	ssyncadd.s32 s5;
	_ =	sdelay $0x1  }
0x1f: {  	s24 =	simm.s32 $0x1B8B  }
0x20: {  	_ =	swait.ge [sflag:s24], $0x1  }
0x21: {  	[sflag:s24] =	ssyncset.done $0x0  }
0x22: {  	[sflag:s24] =	ssyncadd.s32 $0xFFFFFFFF  }
0x23: {  	s5 =	sld [smem:$0x0]  }
0x24: {  	s6 =	sand.u32 $0xFFFFFFFE, s1  }
0x25: {  	p0 =	sne.s32 s1, s6  }
0x26: {  	s6 =	sshll.u32 @p0 s6, $0xE  }
0x27: {  	s6 =	sadd.s32 @p0 $0x11B8D, s6;
	s7 =	sshll.u32 @p0 s5, $0x11  }
0x28: {  	s6 =	sor.u32 @p0 s7, s6  }
0x29: {  	[sflag:s6] =	ssyncadd.remote.s32 @p0 $0x1;
	_ =	sdelay $0x1  }
0x2a: {  	s6 =	simm.s32 @p0 $0x1B8D  }
0x2b: {  	_ =	swait.eq @p0 [sflag:s6], $0x1  }
0x2c: {  	[sflag:s6] =	ssyncadd.s32 @p0 $0xFFFFFFFF  }
0x2d: {  	s7 =	sshll.u32 @!p0 s1, $0xE  }
0x2e: {  	s7 =	sor.u32 @!p0 $0x4000, s7;
	s6 =	simm.s32 @!p0 $0x1B8D  }
0x2f: {  	s5 =	sshll.u32 @!p0 s5, $0x11;
	s7 =	sadd.s32 @!p0 $0x11B8D, s7;
	_ =	swait.eq @!p0 [sflag:s6], $0x1  }
0x30: {  	s5 =	sor.u32 @!p0 s5, s7;
	[sflag:s6] =	ssyncadd.s32 @!p0 $0xFFFFFFFF  }
0x31: {  	s26 =	simm.s32 $0x1B8E;
	s25 =	sld [smem:$0x3FFE];
	[sflag:s5] =	ssyncadd.remote.s32 @!p0 $0x1  }
0x32: {  	s27 =	simm.s32 $execute0_lowered;
	[smem:$0x3FD2] =	sst s26  }
0x33: {  	s6 =	sshll.u32 s27, $0x1;
	_ =	strace $0x8000004F;
	[dreg:$0x1] =	wrdreg $0xFFFFFFFF  }
0x34: {  	s28 =	simm.s32 $_size_execute0_lowered;
	s4 =	sadd.s32 s4, s6;
	[dreg:$0x0] =	wrdreg $0x0  }
0x35: {  	s6 =	sshll.u32 s28, $0x1;
	[dreg:$0x2] =	wrdreg s4  }
0x36: {  	[dreg:$0x3] =	wrdreg s6  }
0x37: {  	[dreg:$0x4] =	wrdreg $0xC0  }
0x38: {  	_ =	task [dreg:s23], $0x5FFFF  }
0x39: {  	[dreg:$0x1] =	wrdreg $0xFFFFFFFF  }
0x3a: {  	[dreg:$0x0] =	wrdreg $0x60  }
0x3b: {  	[dreg:$0x2] =	wrdreg s25  }
0x3c: {  	[dreg:$0x3] =	wrdreg s18  }
0x3d: {  	[dreg:$0x4] =	wrdreg $0xA  }
0x3e: {  	_ =	task.clear_ibuf [dreg:s23], $0x5FFFF;
	_ =	strace $0x9000004F  }
0x3f: {  	s29 =	simm.s32 $0xA;
	_ =	strace $0x80000051  }
0x40: {  	_ =	swait.ge [sflag:s29], $0x1  }
0x41: {  	[sflag:s29] =	ssyncadd.s32 $0xFFFFFFFF  }
0x42: {  	_ =	strace $0x90000051  }
0x43: {  	_ =	sfence  }
0x44: {  	s30 =	sld [smem:$0x0];
	_ =	sdelay $0x2  }
0x45: {  	s31 =	sshll.u32 s1, $0xD;
	s1 =	sshrl.u32 s1, $0x2  }
0x46: {  	s4 =	sand.u32 $0x4000, s31;
	s1 =	sadd.s32 s1, s30  }
0x47: {  	s0 =	sor.u32 s4, s0;
	s1 =	sshll.u32 s1, $0x11  }
0x48: {  	s0 =	sor.u32 s1, s0  }
0x49: {  	s0 =	sadd.s32 $0x8F2B, s0  }
0x4a: {  	[sflag:s0] =	ssyncadd.remote.s32 $0x1  }
0x4b: {  	_ =	sfence.sel $0xFFFF  }
0x4c: {  	[dreg:$0x0] =	wrdreg $0xFFFFFFFF;
	(pc) =	sbr.abs _section_cstart, $3  }
0x4d: {  	[dreg:$0x1] =	wrdreg $0xFFFFFFFF  }
0x4e: {  	_ =	task.clear_ibuf [dreg:s23], $0x2FFFF;
	_ =	strace $0x9FFFFFFF  }
0x4f: {  	(tm) =	ssettm $0x7FFFFFFF  }
tec
execute0_lowered:
.L_overlay_start_1:
0x0: {  	(tag) =	ssettag $0x1  }
0x1: {  	s0 =	srdreg.scid  }
0x2: {  	s1 =	sshll.u32 s0, $0x4  }
0x3: {  	s0 =	stileid.u32;
	s1 =	sand.u32 $0x10, s1  }
0x4: {  	s1 =	sor.u32 s0, s1  }
0x5: {  	s6 =	rddreg [dreg:$0x0];
	s4 =	simm.s32 $0x1;
	s2 =	sshll.u32 s1, $0x7  }
0x6: {  	s7 =	simm.s32 $0x2;
	s12 =	simm.s32 $0x0;
	s1 =	ssub.s32 $0x4000, s2  }
0x7: {  	s8 =	simm.s32 $0x20000;
	s13 =	simm.s32 $0x0;
	s3 =	sand.u32 $0xF80, s1  }
0x8: {  	s9 =	simm.s32 $0x0;
	s5 =	sshrl.u32 s1, $0xC;
	p0 =	sne.s32 s3, $0x0  }
.Ltmp0:
0x9: {  	s1 =	rddreg [dreg:$0x2];
	s4 =	simm.s32 @!p0 $0x0;
	(pc) =	sbr.rel .LBB1_1-.Ltmp0, $4  }
0xa: {  	s11 =	simm.s32 $0x0;
	s3 =	rddreg [dreg:$0x1];
	s5 =	sadd.s32 s4, s5  }
0xb: {  	_ =	strace $0x80000050;
	s4 =	simm.s32 $0x1;
	s5 =	smul.u32 $0xC8, s5  }
0xc: {  	s6 =	sadd.s32 $0x438FA00, s6;
	s10 =	smov.u32 s2;
	[sflag:s4] =	ssyncpa.u1 $0x0  }
0xd: {  	p0 =	por $0x0, $0x0;
	[sflag:s7] =	ssyncpa.u1 $0x0;
	s7 =	sor.u32 $0x1, s5  }
.LBB1_4:
0xe: {  	s16 =	sshll.u32 s13, $0x3;
	s17 =	sand.u32 $0x78, s13  }
0xf: {  	s30 =	sand.u32 $0x7800, s13;
	s12 =	sshll.u32 s12, $0xF;
	s16 =	sand.u32 $0x3C00, s16  }
0x10: {  	s31 =	sand.u32 $0x7, s13;
	s16 =	sor.u32 s17, s16;
	s17 =	sadd.s32 s3, s30  }
0x11: {  	s13 =	sshll.u32 s31, $0x12;
	s16 =	sshrl.u32 s16, $0x3;
	s12 =	sadd.s32 s12, s17  }
0x12: {  	[tilespmem:s15+$0x0 ss:$0x81] =	vst.msk $0xffff, v1;
	s13 =	sor.u32 $0x400, s13;
	s12 =	sadd.s32 s16, s12  }
0x13: {  	[hbm4b:s12+s13] =	stream.strided.scatter [tilespmem:s14], [sflag:$0x2], $0x800, s8, s13, $0x20;
	[tilespmem:$0x2020] =	vst v63  }
.LBB1_5:
0x14: {  	s14 =	sadd.s32 $0x1, s9  }
0x15: {  	s12 =	sadd.s32 $0x1000, s10;
	s16 =	smov.u32 s10;
	p2 =	sgt.s32 s14, $0xC7  }
0x16: {  	s16 =	smov.u32 @p2 s12  }
0x17: {  	s14 =	simm.s32 @p2 $0x0;
	p2 =	sgt.s32 s16, $0x3FFF  }
0x18: {  	s16 =	smov.u32 @p2 s2;
	p2 =	sne.s32 s11, s7  }
.Ltmp1:
0x19: {  	p1 =	slt.u32 s11, $0x2;
	(pc) =	sbr.rel @!p2 .LBB1_6-.Ltmp1, $4  }
0x1a: {  	s15 =	simm.s32 @!p1 $0x2  }
0x1b: {  	s13 =	smov.u32 s10;
	p0 =	por !p0, !p0;
	_ =	swait.ge @!p1 [sflag:s15], $0x800  }
0x1c: {  	s12 =	smov.u32 s9;
	[sflag:s15] =	ssyncset.done @!p1 $0x0;
	s9 =	smov.u32 s14  }
0x1d: {  	s11 =	sadd.s32 $0x1, s11;
	[sflag:s15] =	ssyncadd.s32 @!p1 $0xFFFFF800;
	s10 =	smov.u32 s16  }
.LBB1_1:
0x1e: {  	p1 =	sge.u32 s11, s5  }
0x1f: {  	s14 =	sand.u32 @!p1 $0x1FFFFFF, s9  }
0x20: {  	s15 =	smulhi.u32 @!p1 $0x147AE15, s14;
	_ =	sdelay $0x1  }
0x21: {  	s15 =	smul.u32 @!p1 $0xC8, s15  }
0x22: {  	s16 =	sxor.u32 @!p1 $0xFFFFFFFF, s11;
	s17 =	smul.u32 @!p1 $0xC80, s10  }
0x23: {  	s31 =	sadd.s32 $0xFFFFFFFF, s11;
	s16 =	sshll.u32 @!p1 s16, $0xB;
	s14 =	ssub.s32 @!p1 s14, s15  }
0x24: {  	s15 =	sand.u32 @!p1 $0x800, s16;
	s16 =	sadd.s32 @!p1 s6, s17;
	s14 =	sshll.u32 @!p1 s14, $0x4  }
0x25: {  	s17 =	simm.s32 @!p1 $0x6400;
	s14 =	sadd.s32 @!p1 s14, s16;
	s16 =	simm.s32 @!p1 $0x10  }
0x26: {  	[tilespmem:s15], [sflag:$0x1] =	stream.strided.gather @!p1 [hbm4b:s14+s16], $0x800, s17, s16, $0x38;
	[tilespmem:$0x2020] =	vst v63  }
0x27: {  	p1 =	sge.u32 s31, s5  }
.Ltmp2:
0x28: {  	_ = 	snop;
	(pc) =	sbr.rel @p1 .LBB1_5-.Ltmp2, $1  }
0x29: {  	_ =	sdelay $0x3  }
0x2a: {  	s14 =	simm.s32 $0x1  }
0x2b: {  	s14 =	simm.s32 @!p0 $0x0  }
0x2c: {  	s15 =	sshll.u32 s14, $0xB  }
0x2d: {  	v0 =	vmov s15;
	_ =	sdelay $0x1  }
0x2e: {  	_ =	swait.ge [sflag:s4], $0x800  }
0x2f: {  	s31 =	sand.u32 $0x1, s11;
	[sflag:s4] =	ssyncset.done $0x0  }
0x30: {  	s17 =	simm.s32 $0x0;
	s14 =	smul.u32 $0x2040, s14;
	[sflag:s4] =	ssyncadd.s32 $0xFFFFF800  }
0x31: {  	s15 =	smul.u32 $0x2040, s31;
	v1 =	vld.idx.msk [tilespmem:v0+s17+$0x0 ss:$0x1], $0xffff;
	_ =	sdelay $0x1  }
0x32: {  	s14 =	sshrl.u32 s14, $0x2;
	s16 =	sshrl.u32 s15, $0x2  }
0x33: {  	s15 =	sor.u32 $0x1000, s14;
	s14 =	sor.u32 $0x1000, s16;
	s16 =	simm.s32 $0x40  }
.LBB1_3:
0x34: {  	s17 =	sshra.s32 s16, $0x2;
	p1 =	sne.s32 s16, $0x1FC0;
	s16 =	sadd.s32 $0x40, s16  }
.Ltmp3:
0x35: {  	[tilespmem:s15+$0x0 ss:$0x81] =	vst.msk $0xffff, v1;
	v1 =	vld.idx.msk [tilespmem:v0+s17+$0x0 ss:$0x1], $0xffff;
	(pc) =	sbr.rel @p1 .LBB1_3-.Ltmp3, $2  }
0x36: {  	_ =	sdelay $0x2  }
0x37: {  	s15 =	sadd.s32 $0x1, s15  }
.Ltmp4:
0x38: {  	_ = 	snop;
	(pc) =	sbr.rel .LBB1_4-.Ltmp4, $1  }
0x39: {  	_ =	sdelay $0x3  }
.LBB1_6:
0x3a: {  	_ =	sfence.sel $0x180000  }
0x3b: {  	s2 =	simm.s32 $0x1;
	[bflag:$0x0] =	sbarrier.arrive $0xFFFF  }
0x3c: {  	s31 =	simm.s32 $0x2;
	[sflag:s2] =	ssyncpa.u1 $0x1  }
0x3d: {  	[sflag:s31] =	ssyncpa.u1 $0x1  }
0x3e: {  	p0 =	sne.s32 s0, $0x0;
	_ =	strace $0x90000050  }
0x3f: {  	s0 =	sadd.s32 @!p0 $0x100000, s1;
	[bflag:$0x2] =	sbarrier.arrive $0xFFFF  }
0x40: {  	[sflag:s0] =	ssyncadd.tile.s32 @!p0 $0x1;
	_ =	shalt  }
.Lfunc_end1:
_tile_overlayer_lowered:
.L_overlay_start_2:
0x41: {  	(tag) =	ssettag $0x2  }
0x42: {  	s0 =	rddreg [dreg:$0x0];
	s2 =	stileid.u32  }
0x43: {  	s1 =	rddreg [dreg:$0x1];
	p0 =	sne.s32 s2, $0x0  }
0x44: {  	s3 =	rddreg [dreg:$0x2];
	[bflag:$0x3] =	sbarrier.arrive $0xFFFF;
	s2 =	simm.s32 @!p0 $0x1C01  }
0x45: {  	[timem:s3], [sflag:s2] =	dma.local @!p0 [hbm:s0], s1  }
0x46: {  	s0 =	simm.s32 @!p0 $0x1  }
0x47: {  	_ =	swait.ge @!p0 [sflag:s0], s1  }
0x48: {  	s1 =	ssub.s32 @!p0 $0x0, s1;
	[sflag:s0] =	ssyncset.done @!p0 $0x0  }
0x49: {  	[sflag:s0] =	ssyncadd.s32 @!p0 s1  }
0x4a: {  	[bflag:$0x3] =	sbarrier.arrive $0xFFFF  }
0x4b: {  	_ =	shalt  }

</sc_bundles>
